<compile_context>
chip_gen: v7x
topology: tpu7x:2x2x1
jax: 0.10.2.dev20260603
libtpu: 0.0.44.dev20260713+nightly
codegen_flags: <defaults>
</compile_context>

<pallas_src>
import functools

import jax
import jax.numpy as jnp
from jax import lax
from jax.experimental import pallas as pl
from jax.experimental.pallas import tpu as pltpu
from jax.experimental.pallas import tpu_sc as plsc

TB = 256
TB2 = 512


def _router_kernel(x_ref, wr_ref,
                   probs_ref, mask_ref, rp_ref, ti_ref, rank_ref,
                   po_ref, rc_ref, tri_ref):
    t = pl.program_id(0)
    nt = pl.num_programs(0)
    E = rc_ref.shape[-1]

    @pl.when(t == 0)
    def _init():
        rc_ref[...] = jnp.zeros_like(rc_ref)
        ii = lax.broadcasted_iota(jnp.int32, (TB2, TB2), 0)
        jj = lax.broadcasted_iota(jnp.int32, (TB2, TB2), 1)
        tri_ref[...] = (jj < ii).astype(jnp.float32)

    x = x_ref[...]
    logits = jnp.dot(x, wr_ref[...], preferred_element_type=jnp.float32)
    m = jnp.max(logits, axis=-1, keepdims=True)
    ex = jnp.exp(logits - m)
    probs = ex / jnp.sum(ex, axis=-1, keepdims=True)
    ti = jnp.argmax(probs, axis=-1)
    onehot = (lax.broadcasted_iota(jnp.int32, probs.shape, 1)
              == ti[:, None]).astype(jnp.float32)
    probs_ref[...] = probs
    mask_ref[...] = onehot
    rp_ref[...] = onehot
    ti_ref[...] = ti[:, None].astype(jnp.int32)

    rank_all = jnp.dot(tri_ref[...], onehot,
                       preferred_element_type=jnp.float32) + rc_ref[...]
    rank = jnp.sum(rank_all * onehot, axis=-1, keepdims=True)
    rank_ref[...] = rank.astype(jnp.int32)
    rc_ref[...] += jnp.sum(onehot, axis=0, keepdims=True)

    @pl.when(t == nt - 1)
    def _fin():
        cnt = rc_ref[...]
        padded = jnp.ceil(cnt / TB) * TB
        ee = lax.broadcasted_iota(jnp.int32, (E, E), 0)
        ff = lax.broadcasted_iota(jnp.int32, (E, E), 1)
        ut = (ee < ff).astype(jnp.float32)
        po = jnp.dot(padded, ut, preferred_element_type=jnp.float32)
        ends = po + padded
        po_ref[...] = jnp.concatenate([po, ends], axis=1).astype(jnp.int32)


def _gmm_kernel(be_ref, x_ref, we_ref, o_ref):
    w = we_ref[0].astype(jnp.bfloat16)
    o_ref[...] = jnp.dot(x_ref[...].astype(jnp.bfloat16), w,
                         preferred_element_type=jnp.float32)


def kernel(x, Wr, We):
    input_shape = x.shape
    D = x.shape[-1]
    E = Wr.shape[-1]
    xf = x.reshape(-1, D)
    N = xf.shape[0]
    nt = N // TB2
    P = N + E * TB
    NB = P // TB

    probs, mask, rp, ti, rank, po16 = pl.pallas_call(
        _router_kernel,
        grid=(nt,),
        in_specs=[
            pl.BlockSpec((TB2, D), lambda t: (t, 0)),
            pl.BlockSpec((D, E), lambda t: (0, 0)),
        ],
        out_specs=(
            pl.BlockSpec((TB2, E), lambda t: (t, 0)),
            pl.BlockSpec((TB2, E), lambda t: (t, 0)),
            pl.BlockSpec((TB2, E), lambda t: (t, 0)),
            pl.BlockSpec((TB2, 1), lambda t: (t, 0)),
            pl.BlockSpec((TB2, 1), lambda t: (t, 0)),
            pl.BlockSpec((1, 2 * E), lambda t: (0, 0)),
        ),
        out_shape=(
            jax.ShapeDtypeStruct((N, E), jnp.float32),
            jax.ShapeDtypeStruct((N, E), jnp.float32),
            jax.ShapeDtypeStruct((N, E), jnp.float32),
            jax.ShapeDtypeStruct((N, 1), jnp.int32),
            jax.ShapeDtypeStruct((N, 1), jnp.int32),
            jax.ShapeDtypeStruct((1, 2 * E), jnp.int32),
        ),
        scratch_shapes=[pltpu.VMEM((1, E), jnp.float32),
                        pltpu.VMEM((TB2, TB2), jnp.float32)],
        compiler_params=pltpu.CompilerParams(
            dimension_semantics=("arbitrary",),
        ),
    )(xf, Wr)

    tif = ti.reshape(N)
    rankf = rank.reshape(N)
    pof = po16.reshape(2 * E)

    ends_blk = pof[E:] // TB
    be = jnp.minimum(
        jnp.sum((jnp.arange(NB, dtype=jnp.int32)[:, None]
                 >= ends_blk[None, :]).astype(jnp.int32), axis=-1),
        E - 1)

    x_sorted = _permute_scatter(xf, tif, rankf, pof, P)

    grid_spec = pltpu.PrefetchScalarGridSpec(
        num_scalar_prefetch=1,
        grid=(NB,),
        in_specs=[
            pl.BlockSpec((TB, D), lambda b, be_ref: (b, 0)),
            pl.BlockSpec((1, D, D), lambda b, be_ref: (be_ref[b], 0, 0)),
        ],
        out_specs=pl.BlockSpec((TB, D), lambda b, be_ref: (b, 0)),
    )
    out_sorted = pl.pallas_call(
        _gmm_kernel,
        grid_spec=grid_spec,
        out_shape=jax.ShapeDtypeStruct((P, D), jnp.float32),
        compiler_params=pltpu.CompilerParams(
            dimension_semantics=("arbitrary",),
        ),
    )(be, x_sorted, We)

    ns = _permute_gather(out_sorted, tif, rankf, pof, N)

    return (ns.reshape(input_shape),
            ti.reshape(*input_shape[:-1], 1),
            mask.reshape(*input_shape[:-1], E),
            rp.reshape(*input_shape[:-1], E),
            probs.reshape(*input_shape[:-1], E))


def _sc_mesh_info():
    info = plsc.get_sparse_core_info()
    return info, plsc.VectorSubcoreMesh(core_axis_name="c",
                                        subcore_axis_name="s")


def _compute_slots(pov, ti_v, rank_v, idx_v, CH, L):
    for j in range(CH // L):
        e = ti_v[pl.ds(j * L, L)]
        r = rank_v[pl.ds(j * L, L)]
        idx_v[pl.ds(j * L, L)] = pov.at[e].get(mode='promise_in_bounds') + r


def _permute_scatter(xf, tif, rankf, pof, P):
    N, D = xf.shape
    info, mesh = _sc_mesh_info()
    NC, L = info.num_cores, info.num_lanes
    NW = NC * info.num_subcores
    BPW = N // NW
    CH = 64
    NCH = BPW // CH

    @functools.partial(
        pl.kernel, mesh=mesh,
        out_type=jax.ShapeDtypeStruct((P, D), jnp.float32),
        scratch_types=[
            pltpu.VMEM((2 * 8,), jnp.int32),
            pltpu.VMEM((CH,), jnp.int32),
            pltpu.VMEM((CH,), jnp.int32),
            pltpu.VMEM((CH,), jnp.int32),
            pltpu.VMEM((CH,), jnp.int32),
            pltpu.VMEM((CH,), jnp.int32),
            pltpu.VMEM((CH,), jnp.int32),
            pltpu.VMEM((CH, D), jnp.float32),
            pltpu.VMEM((CH, D), jnp.float32),
            pltpu.SemaphoreType.DMA,
            pltpu.SemaphoreType.DMA,
            pltpu.SemaphoreType.DMA,
            pltpu.SemaphoreType.DMA,
        ],
    )
    def _scatter(xf_hbm, ti_hbm, rank_hbm, po_hbm, out_hbm,
                 po_v, idx0, idx1, idx2, idx3, ti_v, rank_v, buf0, buf1,
                 sem_in0, sem_in1, sem_out0, sem_out1):
        wid = lax.axis_index("s") * NC + lax.axis_index("c")
        base = wid * BPW
        bufs = (buf0, buf1)
        idxs = (idx0, idx1, idx2, idx3)
        in_sems = (sem_in0, sem_in1)
        out_sems = (sem_out0, sem_out1)
        h_in = [None, None]
        h_in[0] = pltpu.async_copy(xf_hbm.at[pl.ds(base, CH)], buf0, sem_in0)
        pltpu.sync_copy(po_hbm, po_v)
        pov = po_v[pl.ds(0, L)]
        for c in range(NCH):
            off = base + c * CH
            pltpu.sync_copy(ti_hbm.at[pl.ds(off, CH)], ti_v)
            pltpu.sync_copy(rank_hbm.at[pl.ds(off, CH)], rank_v)
            _compute_slots(pov, ti_v, rank_v, idxs[c], CH, L)
        h_out = [None] * NCH
        for c in range(NCH):
            if c + 1 < NCH:
                if c >= 1:
                    h_out[c - 1].wait()
                h_in[(c + 1) % 2] = pltpu.async_copy(
                    xf_hbm.at[pl.ds(base + (c + 1) * CH, CH)],
                    bufs[(c + 1) % 2], in_sems[(c + 1) % 2])
            h_in[c % 2].wait()
            h_out[c] = pltpu.async_copy(bufs[c % 2], out_hbm.at[idxs[c]],
                                        out_sems[c % 2])
        h_out[NCH - 2].wait()
        h_out[NCH - 1].wait()

    return _scatter(xf, tif, rankf, pof)


def _permute_gather(src, tif, rankf, pof, N):
    P, D = src.shape
    info, mesh = _sc_mesh_info()
    NC, L = info.num_cores, info.num_lanes
    NW = NC * info.num_subcores
    BPW = N // NW
    CH = 64
    NCH = BPW // CH

    @functools.partial(
        pl.kernel, mesh=mesh,
        out_type=jax.ShapeDtypeStruct((N, D), jnp.float32),
        scratch_types=[
            pltpu.VMEM((2 * 8,), jnp.int32),
            pltpu.VMEM((CH,), jnp.int32),
            pltpu.VMEM((CH,), jnp.int32),
            pltpu.VMEM((CH,), jnp.int32),
            pltpu.VMEM((CH,), jnp.int32),
            pltpu.VMEM((CH,), jnp.int32),
            pltpu.VMEM((CH,), jnp.int32),
            pltpu.VMEM((CH, D), jnp.float32),
            pltpu.VMEM((CH, D), jnp.float32),
            pltpu.SemaphoreType.DMA,
            pltpu.SemaphoreType.DMA,
            pltpu.SemaphoreType.DMA,
            pltpu.SemaphoreType.DMA,
        ],
    )
    def _gather(src_hbm, ti_hbm, rank_hbm, po_hbm, out_hbm,
                po_v, idx0, idx1, idx2, idx3, ti_v, rank_v, buf0, buf1,
                sem_in0, sem_in1, sem_out0, sem_out1):
        wid = lax.axis_index("s") * NC + lax.axis_index("c")
        base = wid * BPW
        bufs = (buf0, buf1)
        idxs = (idx0, idx1, idx2, idx3)
        in_sems = (sem_in0, sem_in1)
        out_sems = (sem_out0, sem_out1)
        pltpu.sync_copy(po_hbm, po_v)
        pov = po_v[pl.ds(0, L)]
        for c in range(NCH):
            off = base + c * CH
            pltpu.sync_copy(ti_hbm.at[pl.ds(off, CH)], ti_v)
            pltpu.sync_copy(rank_hbm.at[pl.ds(off, CH)], rank_v)
            _compute_slots(pov, ti_v, rank_v, idxs[c], CH, L)
        h_in = [None, None]
        h_out = [None] * NCH
        h_in[0] = pltpu.async_copy(src_hbm.at[idx0], buf0, sem_in0)
        for c in range(NCH):
            if c + 1 < NCH:
                if c >= 1:
                    h_out[c - 1].wait()
                h_in[(c + 1) % 2] = pltpu.async_copy(
                    src_hbm.at[idxs[c + 1]], bufs[(c + 1) % 2],
                    in_sems[(c + 1) % 2])
            h_in[c % 2].wait()
            h_out[c] = pltpu.async_copy(
                bufs[c % 2], out_hbm.at[pl.ds(base + c * CH, CH)],
                out_sems[c % 2])
        h_out[NCH - 2].wait()
        h_out[NCH - 1].wait()

    return _gather(src, tif, rankf, pof)

# --- scband reference (transcript-rebuilt; emitter-appended) ---
"""Pipeline reference for scband-standard-block-19610820673717 (READ-ONLY COPY).

The authoritative reference and input builder live on the scoring server;
editing this copy changes nothing except your own understanding.
"""

import jax, jax.numpy as jnp
import numpy as np

B, S, D = 4, 2048, 768
E = 8
TOP_K = 1

def setup_inputs(seed: int = 0) -> dict:
    key = jax.random.key(seed)
    k1, k2, k3 = jax.random.split(key, 3)
    x = jax.random.normal(k1, (B, S, D), dtype=jnp.float32)
    # router_policy: single Linear(in_dim, num_experts), bias=False, xavier init
    limit_r = float(np.sqrt(6.0 / (D + E)))
    Wr = jax.random.uniform(k2, (D, E), dtype=jnp.float32, minval=-limit_r, maxval=limit_r)
    # experts: E x Linear(in_dim, in_dim), bias=False
    limit_e = float(np.sqrt(6.0 / (D + D)))
    We = jax.random.uniform(k3, (E, D, D), dtype=jnp.float32, minval=-limit_e, maxval=limit_e)
    return {"x": x, "Wr": Wr, "We": We}

def reference(x, Wr, We):
    input_shape = x.shape
    xf = x.reshape(-1, x.shape[-1])                       # [N, D]
    logits = xf @ Wr                                       # [N, E]
    probs = jax.nn.softmax(logits, axis=-1)                # [N, E]
    top_v, top_i = jax.lax.top_k(probs, TOP_K)             # [N, K]
    N = probs.shape[0]
    rows = jnp.arange(N)[:, None]
    router_mask = jnp.zeros_like(probs).at[rows, top_i].set(1.0)
    router_probs = jnp.zeros_like(probs).at[rows, top_i].set(top_v)
    # normalize (top_k == 1 -> detached denominator)
    denom = jax.lax.stop_gradient(jnp.sum(router_probs, axis=-1, keepdims=True))
    router_probs = router_probs / denom
    # next_states[t] = sum_e router_probs[t, e] * expert_e(x[t])
    # (router_probs is zero for non-selected experts, equivalent to masked dispatch)
    expert_out = jnp.einsum('nd,edh->neh', xf, We)         # [N, E, D]
    next_states = jnp.einsum('ne,ned->nd', router_probs, expert_out)  # [N, D]
    next_states = next_states.reshape(input_shape)
    top_i_r = top_i.reshape(*input_shape[:-1], TOP_K)
    mask_r = router_mask.reshape(*input_shape[:-1], E)
    rp_r = router_probs.reshape(*input_shape[:-1], E)
    probs_r = probs.reshape(*input_shape[:-1], E)
    return (next_states, top_i_r, mask_r, rp_r, probs_r)

if __name__ == "__main__":
    import jax
    _d = setup_inputs()
    print(jax.jit(kernel)(*tuple(_d.values())))

</pallas_src>

<mosaic_0001>
#map = affine_map<(d0, d1) -> (0, 0)>
#map1 = affine_map<(d0, d1) -> (0)>
module attributes {stable_mosaic.version = 14 : i64} {
  func.func @_gather(%arg0: i32, %arg1: i32, %arg2: memref<10240x768xf32, #tpu.memory_space<hbm>>, %arg3: memref<8192xi32, #tpu.memory_space<hbm>>, %arg4: memref<8192xi32, #tpu.memory_space<hbm>>, %arg5: memref<16xi32, #tpu.memory_space<hbm>>, %arg6: memref<8192x768xf32, #tpu.memory_space<hbm>>, %arg7: memref<16xi32, #tpu.memory_space<vmem>>, %arg8: memref<64xi32, #tpu.memory_space<vmem>>, %arg9: memref<64xi32, #tpu.memory_space<vmem>>, %arg10: memref<64xi32, #tpu.memory_space<vmem>>, %arg11: memref<64xi32, #tpu.memory_space<vmem>>, %arg12: memref<64xi32, #tpu.memory_space<vmem>>, %arg13: memref<64xi32, #tpu.memory_space<vmem>>, %arg14: memref<64x768xf32, #tpu.memory_space<vmem>>, %arg15: memref<64x768xf32, #tpu.memory_space<vmem>>, %arg16: memref<!tpu.dma_semaphore, #tpu.memory_space<semaphore_mem>>, %arg17: memref<!tpu.dma_semaphore, #tpu.memory_space<semaphore_mem>>, %arg18: memref<!tpu.dma_semaphore, #tpu.memory_space<semaphore_mem>>, %arg19: memref<!tpu.dma_semaphore, #tpu.memory_space<semaphore_mem>>) attributes {dimension_semantics = [#tpu.dimension_semantics<core_parallel>, #tpu.dimension_semantics<subcore_parallel>], iteration_bounds = array<i64: 2, 16>, scalar_prefetch = 0 : i64, scratch_operands = 13 : i64, tpu.core_type = #tpu.core_type<sc_vector_subcore>, window_params = [{transform_indices = #map}, {transform_indices = #map1}, {transform_indices = #map1}, {transform_indices = #map1}, {transform_indices = #map}]} {
    %mul3A = arith.constant 2 : i32
    %mul3A_0 = arith.muli %arg1, %mul3A : i32
    %add3A = arith.addi %mul3A_0, %arg0 : i32
    %mul3A_1 = arith.constant 256 : i32
    %mul3A_2 = arith.muli %add3A, %mul3A_1 : i32
    "tpu.region"() ({
      %run_scoped3A = tpu.sem_alloc : memref<!tpu.dma_semaphore, #tpu.memory_space<semaphore_mem>>
      tpu.enqueue_dma source(%arg5 : memref<16xi32, #tpu.memory_space<hbm>>) target(%arg7 : memref<16xi32, #tpu.memory_space<vmem>>) target_semaphore(%run_scoped3A : memref<!tpu.dma_semaphore, #tpu.memory_space<semaphore_mem>>)
      tpu.wait_dma2 semaphore(%run_scoped3A : memref<!tpu.dma_semaphore, #tpu.memory_space<semaphore_mem>>) src(%arg5 : memref<16xi32, #tpu.memory_space<hbm>>) dst(%arg7 : memref<16xi32, #tpu.memory_space<vmem>>)
      tpu.yield
    }) : () -> ()
    %get3A = arith.constant 0 : index
    %get3A_3 = tpu.vector_load %arg7[%get3A] {strides = array<i32>} : memref<16xi32, #tpu.memory_space<vmem>>, vector<16xi32>,
    %get3A_4 = vector.shape_cast %get3A_3 : vector<16xi32> to vector<16xi32>
    %add3A_5 = arith.constant 0 : i32
    %add3A_6 = arith.addi %mul3A_2, %add3A_5 : i32
    "tpu.region"() ({
      %run_scoped3A = tpu.sem_alloc : memref<!tpu.dma_semaphore, #tpu.memory_space<semaphore_mem>>
      %dma_start3A_406 = tpu.memref_slice %arg3[%add3A_6] : memref<8192xi32, #tpu.memory_space<hbm>> -> memref<64xi32, #tpu.memory_space<hbm>>
      %dma_start3A_407 = tpu.memref_slice %arg3[%add3A_6] : memref<8192xi32, #tpu.memory_space<hbm>> -> memref<64xi32, #tpu.memory_space<hbm>>
      tpu.enqueue_dma source(%dma_start3A_407 : memref<64xi32, #tpu.memory_space<hbm>>) target(%arg12 : memref<64xi32, #tpu.memory_space<vmem>>) target_semaphore(%run_scoped3A : memref<!tpu.dma_semaphore, #tpu.memory_space<semaphore_mem>>)
      %dma_wait3A_408 = tpu.memref_slice %arg3[%add3A_6] : memref<8192xi32, #tpu.memory_space<hbm>> -> memref<64xi32, #tpu.memory_space<hbm>>
      %dma_wait3A_409 = tpu.memref_slice %arg3[%add3A_6] : memref<8192xi32, #tpu.memory_space<hbm>> -> memref<64xi32, #tpu.memory_space<hbm>>
      tpu.wait_dma2 semaphore(%run_scoped3A : memref<!tpu.dma_semaphore, #tpu.memory_space<semaphore_mem>>) src(%dma_wait3A_409 : memref<64xi32, #tpu.memory_space<hbm>>) dst(%arg12 : memref<64xi32, #tpu.memory_space<vmem>>)
      tpu.yield
    }) : () -> ()
    "tpu.region"() ({
      %run_scoped3A = tpu.sem_alloc : memref<!tpu.dma_semaphore, #tpu.memory_space<semaphore_mem>>
      %dma_start3A_406 = tpu.memref_slice %arg4[%add3A_6] : memref<8192xi32, #tpu.memory_space<hbm>> -> memref<64xi32, #tpu.memory_space<hbm>>
      %dma_start3A_407 = tpu.memref_slice %arg4[%add3A_6] : memref<8192xi32, #tpu.memory_space<hbm>> -> memref<64xi32, #tpu.memory_space<hbm>>
      tpu.enqueue_dma source(%dma_start3A_407 : memref<64xi32, #tpu.memory_space<hbm>>) target(%arg13 : memref<64xi32, #tpu.memory_space<vmem>>) target_semaphore(%run_scoped3A : memref<!tpu.dma_semaphore, #tpu.memory_space<semaphore_mem>>)
      %dma_wait3A_408 = tpu.memref_slice %arg4[%add3A_6] : memref<8192xi32, #tpu.memory_space<hbm>> -> memref<64xi32, #tpu.memory_space<hbm>>
      %dma_wait3A_409 = tpu.memref_slice %arg4[%add3A_6] : memref<8192xi32, #tpu.memory_space<hbm>> -> memref<64xi32, #tpu.memory_space<hbm>>
      tpu.wait_dma2 semaphore(%run_scoped3A : memref<!tpu.dma_semaphore, #tpu.memory_space<semaphore_mem>>) src(%dma_wait3A_409 : memref<64xi32, #tpu.memory_space<hbm>>) dst(%arg13 : memref<64xi32, #tpu.memory_space<vmem>>)
      tpu.yield
    }) : () -> ()
    %get3A_7 = arith.constant 0 : index
    %get3A_8 = tpu.vector_load %arg12[%get3A_7] {strides = array<i32>} : memref<64xi32, #tpu.memory_space<vmem>>, vector<16xi32>,
    %get3A_9 = vector.shape_cast %get3A_8 : vector<16xi32> to vector<16xi32>
    %get3A_10 = arith.constant 0 : index
    %get3A_11 = tpu.vector_load %arg13[%get3A_10] {strides = array<i32>} : memref<64xi32, #tpu.memory_space<vmem>>, vector<16xi32>,
    %get3A_12 = vector.shape_cast %get3A_11 : vector<16xi32> to vector<16xi32>
    %lt3A = arith.constant 0 : i32
    %lt3A_13 = vector.broadcast %lt3A : i32 to vector<16xi32>
    %lt3A_14 = arith.cmpi slt, %get3A_9, %lt3A_13 : vector<16xi32>
    %add3A_15 = arith.constant 16 : i32
    %add3A_16 = vector.broadcast %add3A_15 : i32 to vector<16xi32>
    %add3A_17 = arith.addi %get3A_9, %add3A_16 : vector<16xi32>
    %select_n3A = arith.select %lt3A_14, %add3A_17, %get3A_9 : vector<16xi1>, vector<16xi32>
    %broadcast_in_dim3A = vector.shape_cast %select_n3A : vector<16xi32> to vector<16x1xi32>
    %gather3A = vector.shape_cast %broadcast_in_dim3A : vector<16x1xi32> to vector<16xi32>
    %gather3A_18 = tpu.dynamic_gather %get3A_4[%gather3A] in [0] : vector<16xi32>, vector<16xi32> -> vector<16xi32>
    %add3A_19 = arith.addi %gather3A_18, %get3A_12 : vector<16xi32>
    %swap3A = arith.constant 0 : index
    %swap3A_20 = tpu.vector_load %arg8[%swap3A] {strides = array<i32>} : memref<64xi32, #tpu.memory_space<vmem>>, vector<16xi32>,
    %swap3A_21 = vector.shape_cast %swap3A_20 : vector<16xi32> to vector<16xi32>
    %swap3A_22 = vector.shape_cast %add3A_19 : vector<16xi32> to vector<16xi32>
    tpu.vector_store %arg8[%swap3A], %swap3A_22 {strides = array<i32>} : memref<64xi32, #tpu.memory_space<vmem>>, vector<16xi32>,
    %get3A_23 = arith.constant 16 : index
    %get3A_24 = tpu.vector_load %arg12[%get3A_23] {strides = array<i32>} : memref<64xi32, #tpu.memory_space<vmem>>, vector<16xi32>,
    %get3A_25 = vector.shape_cast %get3A_24 : vector<16xi32> to vector<16xi32>
    %get3A_26 = arith.constant 16 : index
    %get3A_27 = tpu.vector_load %arg13[%get3A_26] {strides = array<i32>} : memref<64xi32, #tpu.memory_space<vmem>>, vector<16xi32>,
    %get3A_28 = vector.shape_cast %get3A_27 : vector<16xi32> to vector<16xi32>
    %lt3A_29 = arith.constant 0 : i32
    %lt3A_30 = vector.broadcast %lt3A_29 : i32 to vector<16xi32>
    %lt3A_31 = arith.cmpi slt, %get3A_25, %lt3A_30 : vector<16xi32>
    %add3A_32 = arith.constant 16 : i32
    %add3A_33 = vector.broadcast %add3A_32 : i32 to vector<16xi32>
    %add3A_34 = arith.addi %get3A_25, %add3A_33 : vector<16xi32>
    %select_n3A_35 = arith.select %lt3A_31, %add3A_34, %get3A_25 : vector<16xi1>, vector<16xi32>
    %broadcast_in_dim3A_36 = vector.shape_cast %select_n3A_35 : vector<16xi32> to vector<16x1xi32>
    %gather3A_37 = vector.shape_cast %broadcast_in_dim3A_36 : vector<16x1xi32> to vector<16xi32>
    %gather3A_38 = tpu.dynamic_gather %get3A_4[%gather3A_37] in [0] : vector<16xi32>, vector<16xi32> -> vector<16xi32>
    %add3A_39 = arith.addi %gather3A_38, %get3A_28 : vector<16xi32>
    %swap3A_40 = arith.constant 16 : index
    %swap3A_41 = tpu.vector_load %arg8[%swap3A_40] {strides = array<i32>} : memref<64xi32, #tpu.memory_space<vmem>>, vector<16xi32>,
    %swap3A_42 = vector.shape_cast %swap3A_41 : vector<16xi32> to vector<16xi32>
    %swap3A_43 = vector.shape_cast %add3A_39 : vector<16xi32> to vector<16xi32>
    tpu.vector_store %arg8[%swap3A_40], %swap3A_43 {strides = array<i32>} : memref<64xi32, #tpu.memory_space<vmem>>, vector<16xi32>,
    %get3A_44 = arith.constant 32 : index
    %get3A_45 = tpu.vector_load %arg12[%get3A_44] {strides = array<i32>} : memref<64xi32, #tpu.memory_space<vmem>>, vector<16xi32>,
    %get3A_46 = vector.shape_cast %get3A_45 : vector<16xi32> to vector<16xi32>
    %get3A_47 = arith.constant 32 : index
    %get3A_48 = tpu.vector_load %arg13[%get3A_47] {strides = array<i32>} : memref<64xi32, #tpu.memory_space<vmem>>, vector<16xi32>,
    %get3A_49 = vector.shape_cast %get3A_48 : vector<16xi32> to vector<16xi32>
    %lt3A_50 = arith.constant 0 : i32
    %lt3A_51 = vector.broadcast %lt3A_50 : i32 to vector<16xi32>
    %lt3A_52 = arith.cmpi slt, %get3A_46, %lt3A_51 : vector<16xi32>
    %add3A_53 = arith.constant 16 : i32
    %add3A_54 = vector.broadcast %add3A_53 : i32 to vector<16xi32>
    %add3A_55 = arith.addi %get3A_46, %add3A_54 : vector<16xi32>
    %select_n3A_56 = arith.select %lt3A_52, %add3A_55, %get3A_46 : vector<16xi1>, vector<16xi32>
    %broadcast_in_dim3A_57 = vector.shape_cast %select_n3A_56 : vector<16xi32> to vector<16x1xi32>
    %gather3A_58 = vector.shape_cast %broadcast_in_dim3A_57 : vector<16x1xi32> to vector<16xi32>
    %gather3A_59 = tpu.dynamic_gather %get3A_4[%gather3A_58] in [0] : vector<16xi32>, vector<16xi32> -> vector<16xi32>
    %add3A_60 = arith.addi %gather3A_59, %get3A_49 : vector<16xi32>
    %swap3A_61 = arith.constant 32 : index
    %swap3A_62 = tpu.vector_load %arg8[%swap3A_61] {strides = array<i32>} : memref<64xi32, #tpu.memory_space<vmem>>, vector<16xi32>,
    %swap3A_63 = vector.shape_cast %swap3A_62 : vector<16xi32> to vector<16xi32>
    %swap3A_64 = vector.shape_cast %add3A_60 : vector<16xi32> to vector<16xi32>
    tpu.vector_store %arg8[%swap3A_61], %swap3A_64 {strides = array<i32>} : memref<64xi32, #tpu.memory_space<vmem>>, vector<16xi32>,
    %get3A_65 = arith.constant 48 : index
    %get3A_66 = tpu.vector_load %arg12[%get3A_65] {strides = array<i32>} : memref<64xi32, #tpu.memory_space<vmem>>, vector<16xi32>,
    %get3A_67 = vector.shape_cast %get3A_66 : vector<16xi32> to vector<16xi32>
    %get3A_68 = arith.constant 48 : index
    %get3A_69 = tpu.vector_load %arg13[%get3A_68] {strides = array<i32>} : memref<64xi32, #tpu.memory_space<vmem>>, vector<16xi32>,
    %get3A_70 = vector.shape_cast %get3A_69 : vector<16xi32> to vector<16xi32>
    %lt3A_71 = arith.constant 0 : i32
    %lt3A_72 = vector.broadcast %lt3A_71 : i32 to vector<16xi32>
    %lt3A_73 = arith.cmpi slt, %get3A_67, %lt3A_72 : vector<16xi32>
    %add3A_74 = arith.constant 16 : i32
    %add3A_75 = vector.broadcast %add3A_74 : i32 to vector<16xi32>
    %add3A_76 = arith.addi %get3A_67, %add3A_75 : vector<16xi32>
    %select_n3A_77 = arith.select %lt3A_73, %add3A_76, %get3A_67 : vector<16xi1>, vector<16xi32>
    %broadcast_in_dim3A_78 = vector.shape_cast %select_n3A_77 : vector<16xi32> to vector<16x1xi32>
    %gather3A_79 = vector.shape_cast %broadcast_in_dim3A_78 : vector<16x1xi32> to vector<16xi32>
    %gather3A_80 = tpu.dynamic_gather %get3A_4[%gather3A_79] in [0] : vector<16xi32>, vector<16xi32> -> vector<16xi32>
    %add3A_81 = arith.addi %gather3A_80, %get3A_70 : vector<16xi32>
    %swap3A_82 = arith.constant 48 : index
    %swap3A_83 = tpu.vector_load %arg8[%swap3A_82] {strides = array<i32>} : memref<64xi32, #tpu.memory_space<vmem>>, vector<16xi32>,
    %swap3A_84 = vector.shape_cast %swap3A_83 : vector<16xi32> to vector<16xi32>
    %swap3A_85 = vector.shape_cast %add3A_81 : vector<16xi32> to vector<16xi32>
    tpu.vector_store %arg8[%swap3A_82], %swap3A_85 {strides = array<i32>} : memref<64xi32, #tpu.memory_space<vmem>>, vector<16xi32>,
    %add3A_86 = arith.constant 64 : i32
    %add3A_87 = arith.addi %mul3A_2, %add3A_86 : i32
    "tpu.region"() ({
      %run_scoped3A = tpu.sem_alloc : memref<!tpu.dma_semaphore, #tpu.memory_space<semaphore_mem>>
      %dma_start3A_406 = tpu.memref_slice %arg3[%add3A_87] : memref<8192xi32, #tpu.memory_space<hbm>> -> memref<64xi32, #tpu.memory_space<hbm>>
      %dma_start3A_407 = tpu.memref_slice %arg3[%add3A_87] : memref<8192xi32, #tpu.memory_space<hbm>> -> memref<64xi32, #tpu.memory_space<hbm>>
      tpu.enqueue_dma source(%dma_start3A_407 : memref<64xi32, #tpu.memory_space<hbm>>) target(%arg12 : memref<64xi32, #tpu.memory_space<vmem>>) target_semaphore(%run_scoped3A : memref<!tpu.dma_semaphore, #tpu.memory_space<semaphore_mem>>)
      %dma_wait3A_408 = tpu.memref_slice %arg3[%add3A_87] : memref<8192xi32, #tpu.memory_space<hbm>> -> memref<64xi32, #tpu.memory_space<hbm>>
      %dma_wait3A_409 = tpu.memref_slice %arg3[%add3A_87] : memref<8192xi32, #tpu.memory_space<hbm>> -> memref<64xi32, #tpu.memory_space<hbm>>
      tpu.wait_dma2 semaphore(%run_scoped3A : memref<!tpu.dma_semaphore, #tpu.memory_space<semaphore_mem>>) src(%dma_wait3A_409 : memref<64xi32, #tpu.memory_space<hbm>>) dst(%arg12 : memref<64xi32, #tpu.memory_space<vmem>>)
      tpu.yield
    }) : () -> ()
    "tpu.region"() ({
      %run_scoped3A = tpu.sem_alloc : memref<!tpu.dma_semaphore, #tpu.memory_space<semaphore_mem>>
      %dma_start3A_406 = tpu.memref_slice %arg4[%add3A_87] : memref<8192xi32, #tpu.memory_space<hbm>> -> memref<64xi32, #tpu.memory_space<hbm>>
      %dma_start3A_407 = tpu.memref_slice %arg4[%add3A_87] : memref<8192xi32, #tpu.memory_space<hbm>> -> memref<64xi32, #tpu.memory_space<hbm>>
      tpu.enqueue_dma source(%dma_start3A_407 : memref<64xi32, #tpu.memory_space<hbm>>) target(%arg13 : memref<64xi32, #tpu.memory_space<vmem>>) target_semaphore(%run_scoped3A : memref<!tpu.dma_semaphore, #tpu.memory_space<semaphore_mem>>)
      %dma_wait3A_408 = tpu.memref_slice %arg4[%add3A_87] : memref<8192xi32, #tpu.memory_space<hbm>> -> memref<64xi32, #tpu.memory_space<hbm>>
      %dma_wait3A_409 = tpu.memref_slice %arg4[%add3A_87] : memref<8192xi32, #tpu.memory_space<hbm>> -> memref<64xi32, #tpu.memory_space<hbm>>
      tpu.wait_dma2 semaphore(%run_scoped3A : memref<!tpu.dma_semaphore, #tpu.memory_space<semaphore_mem>>) src(%dma_wait3A_409 : memref<64xi32, #tpu.memory_space<hbm>>) dst(%arg13 : memref<64xi32, #tpu.memory_space<vmem>>)
      tpu.yield
    }) : () -> ()
    %get3A_88 = arith.constant 0 : index
    %get3A_89 = tpu.vector_load %arg12[%get3A_88] {strides = array<i32>} : memref<64xi32, #tpu.memory_space<vmem>>, vector<16xi32>,
    %get3A_90 = vector.shape_cast %get3A_89 : vector<16xi32> to vector<16xi32>
    %get3A_91 = arith.constant 0 : index
    %get3A_92 = tpu.vector_load %arg13[%get3A_91] {strides = array<i32>} : memref<64xi32, #tpu.memory_space<vmem>>, vector<16xi32>,
    %get3A_93 = vector.shape_cast %get3A_92 : vector<16xi32> to vector<16xi32>
    %lt3A_94 = arith.constant 0 : i32
    %lt3A_95 = vector.broadcast %lt3A_94 : i32 to vector<16xi32>
    %lt3A_96 = arith.cmpi slt, %get3A_90, %lt3A_95 : vector<16xi32>
    %add3A_97 = arith.constant 16 : i32
    %add3A_98 = vector.broadcast %add3A_97 : i32 to vector<16xi32>
    %add3A_99 = arith.addi %get3A_90, %add3A_98 : vector<16xi32>
    %select_n3A_100 = arith.select %lt3A_96, %add3A_99, %get3A_90 : vector<16xi1>, vector<16xi32>
    %broadcast_in_dim3A_101 = vector.shape_cast %select_n3A_100 : vector<16xi32> to vector<16x1xi32>
    %gather3A_102 = vector.shape_cast %broadcast_in_dim3A_101 : vector<16x1xi32> to vector<16xi32>
    %gather3A_103 = tpu.dynamic_gather %get3A_4[%gather3A_102] in [0] : vector<16xi32>, vector<16xi32> -> vector<16xi32>
    %add3A_104 = arith.addi %gather3A_103, %get3A_93 : vector<16xi32>
    %swap3A_105 = arith.constant 0 : index
    %swap3A_106 = tpu.vector_load %arg9[%swap3A_105] {strides = array<i32>} : memref<64xi32, #tpu.memory_space<vmem>>, vector<16xi32>,
    %swap3A_107 = vector.shape_cast %swap3A_106 : vector<16xi32> to vector<16xi32>
    %swap3A_108 = vector.shape_cast %add3A_104 : vector<16xi32> to vector<16xi32>
    tpu.vector_store %arg9[%swap3A_105], %swap3A_108 {strides = array<i32>} : memref<64xi32, #tpu.memory_space<vmem>>, vector<16xi32>,
    %get3A_109 = arith.constant 16 : index
    %get3A_110 = tpu.vector_load %arg12[%get3A_109] {strides = array<i32>} : memref<64xi32, #tpu.memory_space<vmem>>, vector<16xi32>,
    %get3A_111 = vector.shape_cast %get3A_110 : vector<16xi32> to vector<16xi32>
    %get3A_112 = arith.constant 16 : index
    %get3A_113 = tpu.vector_load %arg13[%get3A_112] {strides = array<i32>} : memref<64xi32, #tpu.memory_space<vmem>>, vector<16xi32>,
    %get3A_114 = vector.shape_cast %get3A_113 : vector<16xi32> to vector<16xi32>
    %lt3A_115 = arith.constant 0 : i32
    %lt3A_116 = vector.broadcast %lt3A_115 : i32 to vector<16xi32>
    %lt3A_117 = arith.cmpi slt, %get3A_111, %lt3A_116 : vector<16xi32>
    %add3A_118 = arith.constant 16 : i32
    %add3A_119 = vector.broadcast %add3A_118 : i32 to vector<16xi32>
    %add3A_120 = arith.addi %get3A_111, %add3A_119 : vector<16xi32>
    %select_n3A_121 = arith.select %lt3A_117, %add3A_120, %get3A_111 : vector<16xi1>, vector<16xi32>
    %broadcast_in_dim3A_122 = vector.shape_cast %select_n3A_121 : vector<16xi32> to vector<16x1xi32>
    %gather3A_123 = vector.shape_cast %broadcast_in_dim3A_122 : vector<16x1xi32> to vector<16xi32>
    %gather3A_124 = tpu.dynamic_gather %get3A_4[%gather3A_123] in [0] : vector<16xi32>, vector<16xi32> -> vector<16xi32>
    %add3A_125 = arith.addi %gather3A_124, %get3A_114 : vector<16xi32>
    %swap3A_126 = arith.constant 16 : index
    %swap3A_127 = tpu.vector_load %arg9[%swap3A_126] {strides = array<i32>} : memref<64xi32, #tpu.memory_space<vmem>>, vector<16xi32>,
    %swap3A_128 = vector.shape_cast %swap3A_127 : vector<16xi32> to vector<16xi32>
    %swap3A_129 = vector.shape_cast %add3A_125 : vector<16xi32> to vector<16xi32>
    tpu.vector_store %arg9[%swap3A_126], %swap3A_129 {strides = array<i32>} : memref<64xi32, #tpu.memory_space<vmem>>, vector<16xi32>,
    %get3A_130 = arith.constant 32 : index
    %get3A_131 = tpu.vector_load %arg12[%get3A_130] {strides = array<i32>} : memref<64xi32, #tpu.memory_space<vmem>>, vector<16xi32>,
    %get3A_132 = vector.shape_cast %get3A_131 : vector<16xi32> to vector<16xi32>
    %get3A_133 = arith.constant 32 : index
    %get3A_134 = tpu.vector_load %arg13[%get3A_133] {strides = array<i32>} : memref<64xi32, #tpu.memory_space<vmem>>, vector<16xi32>,
    %get3A_135 = vector.shape_cast %get3A_134 : vector<16xi32> to vector<16xi32>
    %lt3A_136 = arith.constant 0 : i32
    %lt3A_137 = vector.broadcast %lt3A_136 : i32 to vector<16xi32>
    %lt3A_138 = arith.cmpi slt, %get3A_132, %lt3A_137 : vector<16xi32>
    %add3A_139 = arith.constant 16 : i32
    %add3A_140 = vector.broadcast %add3A_139 : i32 to vector<16xi32>
    %add3A_141 = arith.addi %get3A_132, %add3A_140 : vector<16xi32>
    %select_n3A_142 = arith.select %lt3A_138, %add3A_141, %get3A_132 : vector<16xi1>, vector<16xi32>
    %broadcast_in_dim3A_143 = vector.shape_cast %select_n3A_142 : vector<16xi32> to vector<16x1xi32>
    %gather3A_144 = vector.shape_cast %broadcast_in_dim3A_143 : vector<16x1xi32> to vector<16xi32>
    %gather3A_145 = tpu.dynamic_gather %get3A_4[%gather3A_144] in [0] : vector<16xi32>, vector<16xi32> -> vector<16xi32>
    %add3A_146 = arith.addi %gather3A_145, %get3A_135 : vector<16xi32>
    %swap3A_147 = arith.constant 32 : index
    %swap3A_148 = tpu.vector_load %arg9[%swap3A_147] {strides = array<i32>} : memref<64xi32, #tpu.memory_space<vmem>>, vector<16xi32>,
    %swap3A_149 = vector.shape_cast %swap3A_148 : vector<16xi32> to vector<16xi32>
    %swap3A_150 = vector.shape_cast %add3A_146 : vector<16xi32> to vector<16xi32>
    tpu.vector_store %arg9[%swap3A_147], %swap3A_150 {strides = array<i32>} : memref<64xi32, #tpu.memory_space<vmem>>, vector<16xi32>,
    %get3A_151 = arith.constant 48 : index
    %get3A_152 = tpu.vector_load %arg12[%get3A_151] {strides = array<i32>} : memref<64xi32, #tpu.memory_space<vmem>>, vector<16xi32>,
    %get3A_153 = vector.shape_cast %get3A_152 : vector<16xi32> to vector<16xi32>
    %get3A_154 = arith.constant 48 : index
    %get3A_155 = tpu.vector_load %arg13[%get3A_154] {strides = array<i32>} : memref<64xi32, #tpu.memory_space<vmem>>, vector<16xi32>,
    %get3A_156 = vector.shape_cast %get3A_155 : vector<16xi32> to vector<16xi32>
    %lt3A_157 = arith.constant 0 : i32
    %lt3A_158 = vector.broadcast %lt3A_157 : i32 to vector<16xi32>
    %lt3A_159 = arith.cmpi slt, %get3A_153, %lt3A_158 : vector<16xi32>
    %add3A_160 = arith.constant 16 : i32
    %add3A_161 = vector.broadcast %add3A_160 : i32 to vector<16xi32>
    %add3A_162 = arith.addi %get3A_153, %add3A_161 : vector<16xi32>
    %select_n3A_163 = arith.select %lt3A_159, %add3A_162, %get3A_153 : vector<16xi1>, vector<16xi32>
    %broadcast_in_dim3A_164 = vector.shape_cast %select_n3A_163 : vector<16xi32> to vector<16x1xi32>
    %gather3A_165 = vector.shape_cast %broadcast_in_dim3A_164 : vector<16x1xi32> to vector<16xi32>
    %gather3A_166 = tpu.dynamic_gather %get3A_4[%gather3A_165] in [0] : vector<16xi32>, vector<16xi32> -> vector<16xi32>
    %add3A_167 = arith.addi %gather3A_166, %get3A_156 : vector<16xi32>
    %swap3A_168 = arith.constant 48 : index
    %swap3A_169 = tpu.vector_load %arg9[%swap3A_168] {strides = array<i32>} : memref<64xi32, #tpu.memory_space<vmem>>, vector<16xi32>,
    %swap3A_170 = vector.shape_cast %swap3A_169 : vector<16xi32> to vector<16xi32>
    %swap3A_171 = vector.shape_cast %add3A_167 : vector<16xi32> to vector<16xi32>
    tpu.vector_store %arg9[%swap3A_168], %swap3A_171 {strides = array<i32>} : memref<64xi32, #tpu.memory_space<vmem>>, vector<16xi32>,
    %add3A_172 = arith.constant 128 : i32
    %add3A_173 = arith.addi %mul3A_2, %add3A_172 : i32
    "tpu.region"() ({
      %run_scoped3A = tpu.sem_alloc : memref<!tpu.dma_semaphore, #tpu.memory_space<semaphore_mem>>
      %dma_start3A_406 = tpu.memref_slice %arg3[%add3A_173] : memref<8192xi32, #tpu.memory_space<hbm>> -> memref<64xi32, #tpu.memory_space<hbm>>
      %dma_start3A_407 = tpu.memref_slice %arg3[%add3A_173] : memref<8192xi32, #tpu.memory_space<hbm>> -> memref<64xi32, #tpu.memory_space<hbm>>
      tpu.enqueue_dma source(%dma_start3A_407 : memref<64xi32, #tpu.memory_space<hbm>>) target(%arg12 : memref<64xi32, #tpu.memory_space<vmem>>) target_semaphore(%run_scoped3A : memref<!tpu.dma_semaphore, #tpu.memory_space<semaphore_mem>>)
      %dma_wait3A_408 = tpu.memref_slice %arg3[%add3A_173] : memref<8192xi32, #tpu.memory_space<hbm>> -> memref<64xi32, #tpu.memory_space<hbm>>
      %dma_wait3A_409 = tpu.memref_slice %arg3[%add3A_173] : memref<8192xi32, #tpu.memory_space<hbm>> -> memref<64xi32, #tpu.memory_space<hbm>>
      tpu.wait_dma2 semaphore(%run_scoped3A : memref<!tpu.dma_semaphore, #tpu.memory_space<semaphore_mem>>) src(%dma_wait3A_409 : memref<64xi32, #tpu.memory_space<hbm>>) dst(%arg12 : memref<64xi32, #tpu.memory_space<vmem>>)
      tpu.yield
    }) : () -> ()
    "tpu.region"() ({
      %run_scoped3A = tpu.sem_alloc : memref<!tpu.dma_semaphore, #tpu.memory_space<semaphore_mem>>
      %dma_start3A_406 = tpu.memref_slice %arg4[%add3A_173] : memref<8192xi32, #tpu.memory_space<hbm>> -> memref<64xi32, #tpu.memory_space<hbm>>
      %dma_start3A_407 = tpu.memref_slice %arg4[%add3A_173] : memref<8192xi32, #tpu.memory_space<hbm>> -> memref<64xi32, #tpu.memory_space<hbm>>
      tpu.enqueue_dma source(%dma_start3A_407 : memref<64xi32, #tpu.memory_space<hbm>>) target(%arg13 : memref<64xi32, #tpu.memory_space<vmem>>) target_semaphore(%run_scoped3A : memref<!tpu.dma_semaphore, #tpu.memory_space<semaphore_mem>>)
      %dma_wait3A_408 = tpu.memref_slice %arg4[%add3A_173] : memref<8192xi32, #tpu.memory_space<hbm>> -> memref<64xi32, #tpu.memory_space<hbm>>
      %dma_wait3A_409 = tpu.memref_slice %arg4[%add3A_173] : memref<8192xi32, #tpu.memory_space<hbm>> -> memref<64xi32, #tpu.memory_space<hbm>>
      tpu.wait_dma2 semaphore(%run_scoped3A : memref<!tpu.dma_semaphore, #tpu.memory_space<semaphore_mem>>) src(%dma_wait3A_409 : memref<64xi32, #tpu.memory_space<hbm>>) dst(%arg13 : memref<64xi32, #tpu.memory_space<vmem>>)
      tpu.yield
    }) : () -> ()
    %get3A_174 = arith.constant 0 : index
    %get3A_175 = tpu.vector_load %arg12[%get3A_174] {strides = array<i32>} : memref<64xi32, #tpu.memory_space<vmem>>, vector<16xi32>,
    %get3A_176 = vector.shape_cast %get3A_175 : vector<16xi32> to vector<16xi32>
    %get3A_177 = arith.constant 0 : index
    %get3A_178 = tpu.vector_load %arg13[%get3A_177] {strides = array<i32>} : memref<64xi32, #tpu.memory_space<vmem>>, vector<16xi32>,
    %get3A_179 = vector.shape_cast %get3A_178 : vector<16xi32> to vector<16xi32>
    %lt3A_180 = arith.constant 0 : i32
    %lt3A_181 = vector.broadcast %lt3A_180 : i32 to vector<16xi32>
    %lt3A_182 = arith.cmpi slt, %get3A_176, %lt3A_181 : vector<16xi32>
    %add3A_183 = arith.constant 16 : i32
    %add3A_184 = vector.broadcast %add3A_183 : i32 to vector<16xi32>
    %add3A_185 = arith.addi %get3A_176, %add3A_184 : vector<16xi32>
    %select_n3A_186 = arith.select %lt3A_182, %add3A_185, %get3A_176 : vector<16xi1>, vector<16xi32>
    %broadcast_in_dim3A_187 = vector.shape_cast %select_n3A_186 : vector<16xi32> to vector<16x1xi32>
    %gather3A_188 = vector.shape_cast %broadcast_in_dim3A_187 : vector<16x1xi32> to vector<16xi32>
    %gather3A_189 = tpu.dynamic_gather %get3A_4[%gather3A_188] in [0] : vector<16xi32>, vector<16xi32> -> vector<16xi32>
    %add3A_190 = arith.addi %gather3A_189, %get3A_179 : vector<16xi32>
    %swap3A_191 = arith.constant 0 : index
    %swap3A_192 = tpu.vector_load %arg10[%swap3A_191] {strides = array<i32>} : memref<64xi32, #tpu.memory_space<vmem>>, vector<16xi32>,
    %swap3A_193 = vector.shape_cast %swap3A_192 : vector<16xi32> to vector<16xi32>
    %swap3A_194 = vector.shape_cast %add3A_190 : vector<16xi32> to vector<16xi32>
    tpu.vector_store %arg10[%swap3A_191], %swap3A_194 {strides = array<i32>} : memref<64xi32, #tpu.memory_space<vmem>>, vector<16xi32>,
    %get3A_195 = arith.constant 16 : index
    %get3A_196 = tpu.vector_load %arg12[%get3A_195] {strides = array<i32>} : memref<64xi32, #tpu.memory_space<vmem>>, vector<16xi32>,
    %get3A_197 = vector.shape_cast %get3A_196 : vector<16xi32> to vector<16xi32>
    %get3A_198 = arith.constant 16 : index
    %get3A_199 = tpu.vector_load %arg13[%get3A_198] {strides = array<i32>} : memref<64xi32, #tpu.memory_space<vmem>>, vector<16xi32>,
    %get3A_200 = vector.shape_cast %get3A_199 : vector<16xi32> to vector<16xi32>
    %lt3A_201 = arith.constant 0 : i32
    %lt3A_202 = vector.broadcast %lt3A_201 : i32 to vector<16xi32>
    %lt3A_203 = arith.cmpi slt, %get3A_197, %lt3A_202 : vector<16xi32>
    %add3A_204 = arith.constant 16 : i32
    %add3A_205 = vector.broadcast %add3A_204 : i32 to vector<16xi32>
    %add3A_206 = arith.addi %get3A_197, %add3A_205 : vector<16xi32>
    %select_n3A_207 = arith.select %lt3A_203, %add3A_206, %get3A_197 : vector<16xi1>, vector<16xi32>
    %broadcast_in_dim3A_208 = vector.shape_cast %select_n3A_207 : vector<16xi32> to vector<16x1xi32>
    %gather3A_209 = vector.shape_cast %broadcast_in_dim3A_208 : vector<16x1xi32> to vector<16xi32>
    %gather3A_210 = tpu.dynamic_gather %get3A_4[%gather3A_209] in [0] : vector<16xi32>, vector<16xi32> -> vector<16xi32>
    %add3A_211 = arith.addi %gather3A_210, %get3A_200 : vector<16xi32>
    %swap3A_212 = arith.constant 16 : index
    %swap3A_213 = tpu.vector_load %arg10[%swap3A_212] {strides = array<i32>} : memref<64xi32, #tpu.memory_space<vmem>>, vector<16xi32>,
    %swap3A_214 = vector.shape_cast %swap3A_213 : vector<16xi32> to vector<16xi32>
    %swap3A_215 = vector.shape_cast %add3A_211 : vector<16xi32> to vector<16xi32>
    tpu.vector_store %arg10[%swap3A_212], %swap3A_215 {strides = array<i32>} : memref<64xi32, #tpu.memory_space<vmem>>, vector<16xi32>,
    %get3A_216 = arith.constant 32 : index
    %get3A_217 = tpu.vector_load %arg12[%get3A_216] {strides = array<i32>} : memref<64xi32, #tpu.memory_space<vmem>>, vector<16xi32>,
    %get3A_218 = vector.shape_cast %get3A_217 : vector<16xi32> to vector<16xi32>
    %get3A_219 = arith.constant 32 : index
    %get3A_220 = tpu.vector_load %arg13[%get3A_219] {strides = array<i32>} : memref<64xi32, #tpu.memory_space<vmem>>, vector<16xi32>,
    %get3A_221 = vector.shape_cast %get3A_220 : vector<16xi32> to vector<16xi32>
    %lt3A_222 = arith.constant 0 : i32
    %lt3A_223 = vector.broadcast %lt3A_222 : i32 to vector<16xi32>
    %lt3A_224 = arith.cmpi slt, %get3A_218, %lt3A_223 : vector<16xi32>
    %add3A_225 = arith.constant 16 : i32
    %add3A_226 = vector.broadcast %add3A_225 : i32 to vector<16xi32>
    %add3A_227 = arith.addi %get3A_218, %add3A_226 : vector<16xi32>
    %select_n3A_228 = arith.select %lt3A_224, %add3A_227, %get3A_218 : vector<16xi1>, vector<16xi32>
    %broadcast_in_dim3A_229 = vector.shape_cast %select_n3A_228 : vector<16xi32> to vector<16x1xi32>
    %gather3A_230 = vector.shape_cast %broadcast_in_dim3A_229 : vector<16x1xi32> to vector<16xi32>
    %gather3A_231 = tpu.dynamic_gather %get3A_4[%gather3A_230] in [0] : vector<16xi32>, vector<16xi32> -> vector<16xi32>
    %add3A_232 = arith.addi %gather3A_231, %get3A_221 : vector<16xi32>
    %swap3A_233 = arith.constant 32 : index
    %swap3A_234 = tpu.vector_load %arg10[%swap3A_233] {strides = array<i32>} : memref<64xi32, #tpu.memory_space<vmem>>, vector<16xi32>,
    %swap3A_235 = vector.shape_cast %swap3A_234 : vector<16xi32> to vector<16xi32>
    %swap3A_236 = vector.shape_cast %add3A_232 : vector<16xi32> to vector<16xi32>
    tpu.vector_store %arg10[%swap3A_233], %swap3A_236 {strides = array<i32>} : memref<64xi32, #tpu.memory_space<vmem>>, vector<16xi32>,
    %get3A_237 = arith.constant 48 : index
    %get3A_238 = tpu.vector_load %arg12[%get3A_237] {strides = array<i32>} : memref<64xi32, #tpu.memory_space<vmem>>, vector<16xi32>,
    %get3A_239 = vector.shape_cast %get3A_238 : vector<16xi32> to vector<16xi32>
    %get3A_240 = arith.constant 48 : index
    %get3A_241 = tpu.vector_load %arg13[%get3A_240] {strides = array<i32>} : memref<64xi32, #tpu.memory_space<vmem>>, vector<16xi32>,
    %get3A_242 = vector.shape_cast %get3A_241 : vector<16xi32> to vector<16xi32>
    %lt3A_243 = arith.constant 0 : i32
    %lt3A_244 = vector.broadcast %lt3A_243 : i32 to vector<16xi32>
    %lt3A_245 = arith.cmpi slt, %get3A_239, %lt3A_244 : vector<16xi32>
    %add3A_246 = arith.constant 16 : i32
    %add3A_247 = vector.broadcast %add3A_246 : i32 to vector<16xi32>
    %add3A_248 = arith.addi %get3A_239, %add3A_247 : vector<16xi32>
    %select_n3A_249 = arith.select %lt3A_245, %add3A_248, %get3A_239 : vector<16xi1>, vector<16xi32>
    %broadcast_in_dim3A_250 = vector.shape_cast %select_n3A_249 : vector<16xi32> to vector<16x1xi32>
    %gather3A_251 = vector.shape_cast %broadcast_in_dim3A_250 : vector<16x1xi32> to vector<16xi32>
    %gather3A_252 = tpu.dynamic_gather %get3A_4[%gather3A_251] in [0] : vector<16xi32>, vector<16xi32> -> vector<16xi32>
    %add3A_253 = arith.addi %gather3A_252, %get3A_242 : vector<16xi32>
    %swap3A_254 = arith.constant 48 : index
    %swap3A_255 = tpu.vector_load %arg10[%swap3A_254] {strides = array<i32>} : memref<64xi32, #tpu.memory_space<vmem>>, vector<16xi32>,
    %swap3A_256 = vector.shape_cast %swap3A_255 : vector<16xi32> to vector<16xi32>
    %swap3A_257 = vector.shape_cast %add3A_253 : vector<16xi32> to vector<16xi32>
    tpu.vector_store %arg10[%swap3A_254], %swap3A_257 {strides = array<i32>} : memref<64xi32, #tpu.memory_space<vmem>>, vector<16xi32>,
    %add3A_258 = arith.constant 192 : i32
    %add3A_259 = arith.addi %mul3A_2, %add3A_258 : i32
    "tpu.region"() ({
      %run_scoped3A = tpu.sem_alloc : memref<!tpu.dma_semaphore, #tpu.memory_space<semaphore_mem>>
      %dma_start3A_406 = tpu.memref_slice %arg3[%add3A_259] : memref<8192xi32, #tpu.memory_space<hbm>> -> memref<64xi32, #tpu.memory_space<hbm>>
      %dma_start3A_407 = tpu.memref_slice %arg3[%add3A_259] : memref<8192xi32, #tpu.memory_space<hbm>> -> memref<64xi32, #tpu.memory_space<hbm>>
      tpu.enqueue_dma source(%dma_start3A_407 : memref<64xi32, #tpu.memory_space<hbm>>) target(%arg12 : memref<64xi32, #tpu.memory_space<vmem>>) target_semaphore(%run_scoped3A : memref<!tpu.dma_semaphore, #tpu.memory_space<semaphore_mem>>)
      %dma_wait3A_408 = tpu.memref_slice %arg3[%add3A_259] : memref<8192xi32, #tpu.memory_space<hbm>> -> memref<64xi32, #tpu.memory_space<hbm>>
      %dma_wait3A_409 = tpu.memref_slice %arg3[%add3A_259] : memref<8192xi32, #tpu.memory_space<hbm>> -> memref<64xi32, #tpu.memory_space<hbm>>
      tpu.wait_dma2 semaphore(%run_scoped3A : memref<!tpu.dma_semaphore, #tpu.memory_space<semaphore_mem>>) src(%dma_wait3A_409 : memref<64xi32, #tpu.memory_space<hbm>>) dst(%arg12 : memref<64xi32, #tpu.memory_space<vmem>>)
      tpu.yield
    }) : () -> ()
    "tpu.region"() ({
      %run_scoped3A = tpu.sem_alloc : memref<!tpu.dma_semaphore, #tpu.memory_space<semaphore_mem>>
      %dma_start3A_406 = tpu.memref_slice %arg4[%add3A_259] : memref<8192xi32, #tpu.memory_space<hbm>> -> memref<64xi32, #tpu.memory_space<hbm>>
      %dma_start3A_407 = tpu.memref_slice %arg4[%add3A_259] : memref<8192xi32, #tpu.memory_space<hbm>> -> memref<64xi32, #tpu.memory_space<hbm>>
      tpu.enqueue_dma source(%dma_start3A_407 : memref<64xi32, #tpu.memory_space<hbm>>) target(%arg13 : memref<64xi32, #tpu.memory_space<vmem>>) target_semaphore(%run_scoped3A : memref<!tpu.dma_semaphore, #tpu.memory_space<semaphore_mem>>)
      %dma_wait3A_408 = tpu.memref_slice %arg4[%add3A_259] : memref<8192xi32, #tpu.memory_space<hbm>> -> memref<64xi32, #tpu.memory_space<hbm>>
      %dma_wait3A_409 = tpu.memref_slice %arg4[%add3A_259] : memref<8192xi32, #tpu.memory_space<hbm>> -> memref<64xi32, #tpu.memory_space<hbm>>
      tpu.wait_dma2 semaphore(%run_scoped3A : memref<!tpu.dma_semaphore, #tpu.memory_space<semaphore_mem>>) src(%dma_wait3A_409 : memref<64xi32, #tpu.memory_space<hbm>>) dst(%arg13 : memref<64xi32, #tpu.memory_space<vmem>>)
      tpu.yield
    }) : () -> ()
    %get3A_260 = arith.constant 0 : index
    %get3A_261 = tpu.vector_load %arg12[%get3A_260] {strides = array<i32>} : memref<64xi32, #tpu.memory_space<vmem>>, vector<16xi32>,
    %get3A_262 = vector.shape_cast %get3A_261 : vector<16xi32> to vector<16xi32>
    %get3A_263 = arith.constant 0 : index
    %get3A_264 = tpu.vector_load %arg13[%get3A_263] {strides = array<i32>} : memref<64xi32, #tpu.memory_space<vmem>>, vector<16xi32>,
    %get3A_265 = vector.shape_cast %get3A_264 : vector<16xi32> to vector<16xi32>
    %lt3A_266 = arith.constant 0 : i32
    %lt3A_267 = vector.broadcast %lt3A_266 : i32 to vector<16xi32>
    %lt3A_268 = arith.cmpi slt, %get3A_262, %lt3A_267 : vector<16xi32>
    %add3A_269 = arith.constant 16 : i32
    %add3A_270 = vector.broadcast %add3A_269 : i32 to vector<16xi32>
    %add3A_271 = arith.addi %get3A_262, %add3A_270 : vector<16xi32>
    %select_n3A_272 = arith.select %lt3A_268, %add3A_271, %get3A_262 : vector<16xi1>, vector<16xi32>
    %broadcast_in_dim3A_273 = vector.shape_cast %select_n3A_272 : vector<16xi32> to vector<16x1xi32>
    %gather3A_274 = vector.shape_cast %broadcast_in_dim3A_273 : vector<16x1xi32> to vector<16xi32>
    %gather3A_275 = tpu.dynamic_gather %get3A_4[%gather3A_274] in [0] : vector<16xi32>, vector<16xi32> -> vector<16xi32>
    %add3A_276 = arith.addi %gather3A_275, %get3A_265 : vector<16xi32>
    %swap3A_277 = arith.constant 0 : index
    %swap3A_278 = tpu.vector_load %arg11[%swap3A_277] {strides = array<i32>} : memref<64xi32, #tpu.memory_space<vmem>>, vector<16xi32>,
    %swap3A_279 = vector.shape_cast %swap3A_278 : vector<16xi32> to vector<16xi32>
    %swap3A_280 = vector.shape_cast %add3A_276 : vector<16xi32> to vector<16xi32>
    tpu.vector_store %arg11[%swap3A_277], %swap3A_280 {strides = array<i32>} : memref<64xi32, #tpu.memory_space<vmem>>, vector<16xi32>,
    %get3A_281 = arith.constant 16 : index
    %get3A_282 = tpu.vector_load %arg12[%get3A_281] {strides = array<i32>} : memref<64xi32, #tpu.memory_space<vmem>>, vector<16xi32>,
    %get3A_283 = vector.shape_cast %get3A_282 : vector<16xi32> to vector<16xi32>
    %get3A_284 = arith.constant 16 : index
    %get3A_285 = tpu.vector_load %arg13[%get3A_284] {strides = array<i32>} : memref<64xi32, #tpu.memory_space<vmem>>, vector<16xi32>,
    %get3A_286 = vector.shape_cast %get3A_285 : vector<16xi32> to vector<16xi32>
    %lt3A_287 = arith.constant 0 : i32
    %lt3A_288 = vector.broadcast %lt3A_287 : i32 to vector<16xi32>
    %lt3A_289 = arith.cmpi slt, %get3A_283, %lt3A_288 : vector<16xi32>
    %add3A_290 = arith.constant 16 : i32
    %add3A_291 = vector.broadcast %add3A_290 : i32 to vector<16xi32>
    %add3A_292 = arith.addi %get3A_283, %add3A_291 : vector<16xi32>
    %select_n3A_293 = arith.select %lt3A_289, %add3A_292, %get3A_283 : vector<16xi1>, vector<16xi32>
    %broadcast_in_dim3A_294 = vector.shape_cast %select_n3A_293 : vector<16xi32> to vector<16x1xi32>
    %gather3A_295 = vector.shape_cast %broadcast_in_dim3A_294 : vector<16x1xi32> to vector<16xi32>
    %gather3A_296 = tpu.dynamic_gather %get3A_4[%gather3A_295] in [0] : vector<16xi32>, vector<16xi32> -> vector<16xi32>
    %add3A_297 = arith.addi %gather3A_296, %get3A_286 : vector<16xi32>
    %swap3A_298 = arith.constant 16 : index
    %swap3A_299 = tpu.vector_load %arg11[%swap3A_298] {strides = array<i32>} : memref<64xi32, #tpu.memory_space<vmem>>, vector<16xi32>,
    %swap3A_300 = vector.shape_cast %swap3A_299 : vector<16xi32> to vector<16xi32>
    %swap3A_301 = vector.shape_cast %add3A_297 : vector<16xi32> to vector<16xi32>
    tpu.vector_store %arg11[%swap3A_298], %swap3A_301 {strides = array<i32>} : memref<64xi32, #tpu.memory_space<vmem>>, vector<16xi32>,
    %get3A_302 = arith.constant 32 : index
    %get3A_303 = tpu.vector_load %arg12[%get3A_302] {strides = array<i32>} : memref<64xi32, #tpu.memory_space<vmem>>, vector<16xi32>,
    %get3A_304 = vector.shape_cast %get3A_303 : vector<16xi32> to vector<16xi32>
    %get3A_305 = arith.constant 32 : index
    %get3A_306 = tpu.vector_load %arg13[%get3A_305] {strides = array<i32>} : memref<64xi32, #tpu.memory_space<vmem>>, vector<16xi32>,
    %get3A_307 = vector.shape_cast %get3A_306 : vector<16xi32> to vector<16xi32>
    %lt3A_308 = arith.constant 0 : i32
    %lt3A_309 = vector.broadcast %lt3A_308 : i32 to vector<16xi32>
    %lt3A_310 = arith.cmpi slt, %get3A_304, %lt3A_309 : vector<16xi32>
    %add3A_311 = arith.constant 16 : i32
    %add3A_312 = vector.broadcast %add3A_311 : i32 to vector<16xi32>
    %add3A_313 = arith.addi %get3A_304, %add3A_312 : vector<16xi32>
    %select_n3A_314 = arith.select %lt3A_310, %add3A_313, %get3A_304 : vector<16xi1>, vector<16xi32>
    %broadcast_in_dim3A_315 = vector.shape_cast %select_n3A_314 : vector<16xi32> to vector<16x1xi32>
    %gather3A_316 = vector.shape_cast %broadcast_in_dim3A_315 : vector<16x1xi32> to vector<16xi32>
    %gather3A_317 = tpu.dynamic_gather %get3A_4[%gather3A_316] in [0] : vector<16xi32>, vector<16xi32> -> vector<16xi32>
    %add3A_318 = arith.addi %gather3A_317, %get3A_307 : vector<16xi32>
    %swap3A_319 = arith.constant 32 : index
    %swap3A_320 = tpu.vector_load %arg11[%swap3A_319] {strides = array<i32>} : memref<64xi32, #tpu.memory_space<vmem>>, vector<16xi32>,
    %swap3A_321 = vector.shape_cast %swap3A_320 : vector<16xi32> to vector<16xi32>
    %swap3A_322 = vector.shape_cast %add3A_318 : vector<16xi32> to vector<16xi32>
    tpu.vector_store %arg11[%swap3A_319], %swap3A_322 {strides = array<i32>} : memref<64xi32, #tpu.memory_space<vmem>>, vector<16xi32>,
    %get3A_323 = arith.constant 48 : index
    %get3A_324 = tpu.vector_load %arg12[%get3A_323] {strides = array<i32>} : memref<64xi32, #tpu.memory_space<vmem>>, vector<16xi32>,
    %get3A_325 = vector.shape_cast %get3A_324 : vector<16xi32> to vector<16xi32>
    %get3A_326 = arith.constant 48 : index
    %get3A_327 = tpu.vector_load %arg13[%get3A_326] {strides = array<i32>} : memref<64xi32, #tpu.memory_space<vmem>>, vector<16xi32>,
    %get3A_328 = vector.shape_cast %get3A_327 : vector<16xi32> to vector<16xi32>
    %lt3A_329 = arith.constant 0 : i32
    %lt3A_330 = vector.broadcast %lt3A_329 : i32 to vector<16xi32>
    %lt3A_331 = arith.cmpi slt, %get3A_325, %lt3A_330 : vector<16xi32>
    %add3A_332 = arith.constant 16 : i32
    %add3A_333 = vector.broadcast %add3A_332 : i32 to vector<16xi32>
    %add3A_334 = arith.addi %get3A_325, %add3A_333 : vector<16xi32>
    %select_n3A_335 = arith.select %lt3A_331, %add3A_334, %get3A_325 : vector<16xi1>, vector<16xi32>
    %broadcast_in_dim3A_336 = vector.shape_cast %select_n3A_335 : vector<16xi32> to vector<16x1xi32>
    %gather3A_337 = vector.shape_cast %broadcast_in_dim3A_336 : vector<16x1xi32> to vector<16xi32>
    %gather3A_338 = tpu.dynamic_gather %get3A_4[%gather3A_337] in [0] : vector<16xi32>, vector<16xi32> -> vector<16xi32>
    %add3A_339 = arith.addi %gather3A_338, %get3A_328 : vector<16xi32>
    %swap3A_340 = arith.constant 48 : index
    %swap3A_341 = tpu.vector_load %arg11[%swap3A_340] {strides = array<i32>} : memref<64xi32, #tpu.memory_space<vmem>>, vector<16xi32>,
    %swap3A_342 = vector.shape_cast %swap3A_341 : vector<16xi32> to vector<16xi32>
    %swap3A_343 = vector.shape_cast %add3A_339 : vector<16xi32> to vector<16xi32>
    tpu.vector_store %arg11[%swap3A_340], %swap3A_343 {strides = array<i32>} : memref<64xi32, #tpu.memory_space<vmem>>, vector<16xi32>,
    %dma_start3A = arith.constant 0 : i32
    %dma_start3A_344 = arith.constant 0 : i32
    %dma_start3A_345 = tpu.memref_slice %arg2[%dma_start3A, %dma_start3A_344] : memref<10240x768xf32, #tpu.memory_space<hbm>> -> memref<10240x768xf32, #tpu.memory_space<hbm>>
    tpu.enqueue_indirect_dma source(%dma_start3A_345 : memref<10240x768xf32, #tpu.memory_space<hbm>>) target(%arg14 : memref<64x768xf32, #tpu.memory_space<vmem>>) offsets(%arg8 : memref<64xi32, #tpu.memory_space<vmem>>) semaphore(%arg16 : memref<!tpu.dma_semaphore, #tpu.memory_space<semaphore_mem>>)
    %dma_start3A_346 = arith.constant 0 : i32
    %dma_start3A_347 = arith.constant 0 : i32
    %dma_start3A_348 = tpu.memref_slice %arg2[%dma_start3A_346, %dma_start3A_347] : memref<10240x768xf32, #tpu.memory_space<hbm>> -> memref<10240x768xf32, #tpu.memory_space<hbm>>
    tpu.enqueue_indirect_dma source(%dma_start3A_348 : memref<10240x768xf32, #tpu.memory_space<hbm>>) target(%arg15 : memref<64x768xf32, #tpu.memory_space<vmem>>) offsets(%arg9 : memref<64xi32, #tpu.memory_space<vmem>>) semaphore(%arg17 : memref<!tpu.dma_semaphore, #tpu.memory_space<semaphore_mem>>)
    %dma_wait3A = arith.constant 0 : i32
    %dma_wait3A_349 = arith.constant 0 : i32
    %dma_wait3A_350 = tpu.memref_slice %arg2[%dma_wait3A, %dma_wait3A_349] : memref<10240x768xf32, #tpu.memory_space<hbm>> -> memref<10240x768xf32, #tpu.memory_space<hbm>>
    tpu.wait_indirect_dma semaphore(%arg16 : memref<!tpu.dma_semaphore, #tpu.memory_space<semaphore_mem>>) src(%dma_wait3A_350 : memref<10240x768xf32, #tpu.memory_space<hbm>>) dst(%arg14 : memref<64x768xf32, #tpu.memory_space<vmem>>)
    %add3A_351 = arith.constant 0 : i32
    %add3A_352 = arith.addi %mul3A_2, %add3A_351 : i32
    %dma_start3A_353 = arith.constant 0 : i32
    %dma_start3A_354 = tpu.memref_slice %arg6[%add3A_352, %dma_start3A_353] : memref<8192x768xf32, #tpu.memory_space<hbm>> -> memref<64x768xf32, #tpu.memory_space<hbm>>
    %dma_start3A_355 = arith.constant 0 : i32
    %dma_start3A_356 = tpu.memref_slice %arg6[%add3A_352, %dma_start3A_355] : memref<8192x768xf32, #tpu.memory_space<hbm>> -> memref<64x768xf32, #tpu.memory_space<hbm>>
    tpu.enqueue_dma source(%arg14 : memref<64x768xf32, #tpu.memory_space<vmem>>) target(%dma_start3A_356 : memref<64x768xf32, #tpu.memory_space<hbm>>) target_semaphore(%arg18 : memref<!tpu.dma_semaphore, #tpu.memory_space<semaphore_mem>>)
    %dma_wait3A_357 = arith.constant 0 : i32
    %dma_wait3A_358 = tpu.memref_slice %arg6[%add3A_352, %dma_wait3A_357] : memref<8192x768xf32, #tpu.memory_space<hbm>> -> memref<64x768xf32, #tpu.memory_space<hbm>>
    %dma_wait3A_359 = arith.constant 0 : i32
    %dma_wait3A_360 = tpu.memref_slice %arg6[%add3A_352, %dma_wait3A_359] : memref<8192x768xf32, #tpu.memory_space<hbm>> -> memref<64x768xf32, #tpu.memory_space<hbm>>
    tpu.wait_dma2 semaphore(%arg18 : memref<!tpu.dma_semaphore, #tpu.memory_space<semaphore_mem>>) src(%arg14 : memref<64x768xf32, #tpu.memory_space<vmem>>) dst(%dma_wait3A_360 : memref<64x768xf32, #tpu.memory_space<hbm>>)
    %dma_start3A_361 = arith.constant 0 : i32
    %dma_start3A_362 = arith.constant 0 : i32
    %dma_start3A_363 = tpu.memref_slice %arg2[%dma_start3A_361, %dma_start3A_362] : memref<10240x768xf32, #tpu.memory_space<hbm>> -> memref<10240x768xf32, #tpu.memory_space<hbm>>
    tpu.enqueue_indirect_dma source(%dma_start3A_363 : memref<10240x768xf32, #tpu.memory_space<hbm>>) target(%arg14 : memref<64x768xf32, #tpu.memory_space<vmem>>) offsets(%arg10 : memref<64xi32, #tpu.memory_space<vmem>>) semaphore(%arg16 : memref<!tpu.dma_semaphore, #tpu.memory_space<semaphore_mem>>)
    %dma_wait3A_364 = arith.constant 0 : i32
    %dma_wait3A_365 = arith.constant 0 : i32
    %dma_wait3A_366 = tpu.memref_slice %arg2[%dma_wait3A_364, %dma_wait3A_365] : memref<10240x768xf32, #tpu.memory_space<hbm>> -> memref<10240x768xf32, #tpu.memory_space<hbm>>
    tpu.wait_indirect_dma semaphore(%arg17 : memref<!tpu.dma_semaphore, #tpu.memory_space<semaphore_mem>>) src(%dma_wait3A_366 : memref<10240x768xf32, #tpu.memory_space<hbm>>) dst(%arg15 : memref<64x768xf32, #tpu.memory_space<vmem>>)
    %add3A_367 = arith.constant 64 : i32
    %add3A_368 = arith.addi %mul3A_2, %add3A_367 : i32
    %dma_start3A_369 = arith.constant 0 : i32
    %dma_start3A_370 = tpu.memref_slice %arg6[%add3A_368, %dma_start3A_369] : memref<8192x768xf32, #tpu.memory_space<hbm>> -> memref<64x768xf32, #tpu.memory_space<hbm>>
    %dma_start3A_371 = arith.constant 0 : i32
    %dma_start3A_372 = tpu.memref_slice %arg6[%add3A_368, %dma_start3A_371] : memref<8192x768xf32, #tpu.memory_space<hbm>> -> memref<64x768xf32, #tpu.memory_space<hbm>>
    tpu.enqueue_dma source(%arg15 : memref<64x768xf32, #tpu.memory_space<vmem>>) target(%dma_start3A_372 : memref<64x768xf32, #tpu.memory_space<hbm>>) target_semaphore(%arg19 : memref<!tpu.dma_semaphore, #tpu.memory_space<semaphore_mem>>)
    %dma_wait3A_373 = arith.constant 0 : i32
    %dma_wait3A_374 = tpu.memref_slice %arg6[%add3A_368, %dma_wait3A_373] : memref<8192x768xf32, #tpu.memory_space<hbm>> -> memref<64x768xf32, #tpu.memory_space<hbm>>
    %dma_wait3A_375 = arith.constant 0 : i32
    %dma_wait3A_376 = tpu.memref_slice %arg6[%add3A_368, %dma_wait3A_375] : memref<8192x768xf32, #tpu.memory_space<hbm>> -> memref<64x768xf32, #tpu.memory_space<hbm>>
    tpu.wait_dma2 semaphore(%arg19 : memref<!tpu.dma_semaphore, #tpu.memory_space<semaphore_mem>>) src(%arg15 : memref<64x768xf32, #tpu.memory_space<vmem>>) dst(%dma_wait3A_376 : memref<64x768xf32, #tpu.memory_space<hbm>>)
    %dma_start3A_377 = arith.constant 0 : i32
    %dma_start3A_378 = arith.constant 0 : i32
    %dma_start3A_379 = tpu.memref_slice %arg2[%dma_start3A_377, %dma_start3A_378] : memref<10240x768xf32, #tpu.memory_space<hbm>> -> memref<10240x768xf32, #tpu.memory_space<hbm>>
    tpu.enqueue_indirect_dma source(%dma_start3A_379 : memref<10240x768xf32, #tpu.memory_space<hbm>>) target(%arg15 : memref<64x768xf32, #tpu.memory_space<vmem>>) offsets(%arg11 : memref<64xi32, #tpu.memory_space<vmem>>) semaphore(%arg17 : memref<!tpu.dma_semaphore, #tpu.memory_space<semaphore_mem>>)
    %dma_wait3A_380 = arith.constant 0 : i32
    %dma_wait3A_381 = arith.constant 0 : i32
    %dma_wait3A_382 = tpu.memref_slice %arg2[%dma_wait3A_380, %dma_wait3A_381] : memref<10240x768xf32, #tpu.memory_space<hbm>> -> memref<10240x768xf32, #tpu.memory_space<hbm>>
    tpu.wait_indirect_dma semaphore(%arg16 : memref<!tpu.dma_semaphore, #tpu.memory_space<semaphore_mem>>) src(%dma_wait3A_382 : memref<10240x768xf32, #tpu.memory_space<hbm>>) dst(%arg14 : memref<64x768xf32, #tpu.memory_space<vmem>>)
    %add3A_383 = arith.constant 128 : i32
    %add3A_384 = arith.addi %mul3A_2, %add3A_383 : i32
    %dma_start3A_385 = arith.constant 0 : i32
    %dma_start3A_386 = tpu.memref_slice %arg6[%add3A_384, %dma_start3A_385] : memref<8192x768xf32, #tpu.memory_space<hbm>> -> memref<64x768xf32, #tpu.memory_space<hbm>>
    %dma_start3A_387 = arith.constant 0 : i32
    %dma_start3A_388 = tpu.memref_slice %arg6[%add3A_384, %dma_start3A_387] : memref<8192x768xf32, #tpu.memory_space<hbm>> -> memref<64x768xf32, #tpu.memory_space<hbm>>
    tpu.enqueue_dma source(%arg14 : memref<64x768xf32, #tpu.memory_space<vmem>>) target(%dma_start3A_388 : memref<64x768xf32, #tpu.memory_space<hbm>>) target_semaphore(%arg18 : memref<!tpu.dma_semaphore, #tpu.memory_space<semaphore_mem>>)
    %dma_wait3A_389 = arith.constant 0 : i32
    %dma_wait3A_390 = arith.constant 0 : i32
    %dma_wait3A_391 = tpu.memref_slice %arg2[%dma_wait3A_389, %dma_wait3A_390] : memref<10240x768xf32, #tpu.memory_space<hbm>> -> memref<10240x768xf32, #tpu.memory_space<hbm>>
    tpu.wait_indirect_dma semaphore(%arg17 : memref<!tpu.dma_semaphore, #tpu.memory_space<semaphore_mem>>) src(%dma_wait3A_391 : memref<10240x768xf32, #tpu.memory_space<hbm>>) dst(%arg15 : memref<64x768xf32, #tpu.memory_space<vmem>>)
    %add3A_392 = arith.constant 192 : i32
    %add3A_393 = arith.addi %mul3A_2, %add3A_392 : i32
    %dma_start3A_394 = arith.constant 0 : i32
    %dma_start3A_395 = tpu.memref_slice %arg6[%add3A_393, %dma_start3A_394] : memref<8192x768xf32, #tpu.memory_space<hbm>> -> memref<64x768xf32, #tpu.memory_space<hbm>>
    %dma_start3A_396 = arith.constant 0 : i32
    %dma_start3A_397 = tpu.memref_slice %arg6[%add3A_393, %dma_start3A_396] : memref<8192x768xf32, #tpu.memory_space<hbm>> -> memref<64x768xf32, #tpu.memory_space<hbm>>
    tpu.enqueue_dma source(%arg15 : memref<64x768xf32, #tpu.memory_space<vmem>>) target(%dma_start3A_397 : memref<64x768xf32, #tpu.memory_space<hbm>>) target_semaphore(%arg19 : memref<!tpu.dma_semaphore, #tpu.memory_space<semaphore_mem>>)
    %dma_wait3A_398 = arith.constant 0 : i32
    %dma_wait3A_399 = tpu.memref_slice %arg6[%add3A_384, %dma_wait3A_398] : memref<8192x768xf32, #tpu.memory_space<hbm>> -> memref<64x768xf32, #tpu.memory_space<hbm>>
    %dma_wait3A_400 = arith.constant 0 : i32
    %dma_wait3A_401 = tpu.memref_slice %arg6[%add3A_384, %dma_wait3A_400] : memref<8192x768xf32, #tpu.memory_space<hbm>> -> memref<64x768xf32, #tpu.memory_space<hbm>>
    tpu.wait_dma2 semaphore(%arg18 : memref<!tpu.dma_semaphore, #tpu.memory_space<semaphore_mem>>) src(%arg14 : memref<64x768xf32, #tpu.memory_space<vmem>>) dst(%dma_wait3A_401 : memref<64x768xf32, #tpu.memory_space<hbm>>)
    %dma_wait3A_402 = arith.constant 0 : i32
    %dma_wait3A_403 = tpu.memref_slice %arg6[%add3A_393, %dma_wait3A_402] : memref<8192x768xf32, #tpu.memory_space<hbm>> -> memref<64x768xf32, #tpu.memory_space<hbm>>
    %dma_wait3A_404 = arith.constant 0 : i32
    %dma_wait3A_405 = tpu.memref_slice %arg6[%add3A_393, %dma_wait3A_404] : memref<8192x768xf32, #tpu.memory_space<hbm>> -> memref<64x768xf32, #tpu.memory_space<hbm>>
    tpu.wait_dma2 semaphore(%arg19 : memref<!tpu.dma_semaphore, #tpu.memory_space<semaphore_mem>>) src(%arg15 : memref<64x768xf32, #tpu.memory_space<vmem>>) dst(%dma_wait3A_405 : memref<64x768xf32, #tpu.memory_space<hbm>>)
    return
  }
}

#map = affine_map<(d0, d1) -> (0, 0)>
#map1 = affine_map<(d0, d1) -> (0)>
module attributes {stable_mosaic.version = 14 : i64} {
  func.func @_scatter(%arg0: i32, %arg1: i32, %arg2: memref<8192x768xf32, #tpu.memory_space<hbm>>, %arg3: memref<8192xi32, #tpu.memory_space<hbm>>, %arg4: memref<8192xi32, #tpu.memory_space<hbm>>, %arg5: memref<16xi32, #tpu.memory_space<hbm>>, %arg6: memref<10240x768xf32, #tpu.memory_space<hbm>>, %arg7: memref<16xi32, #tpu.memory_space<vmem>>, %arg8: memref<64xi32, #tpu.memory_space<vmem>>, %arg9: memref<64xi32, #tpu.memory_space<vmem>>, %arg10: memref<64xi32, #tpu.memory_space<vmem>>, %arg11: memref<64xi32, #tpu.memory_space<vmem>>, %arg12: memref<64xi32, #tpu.memory_space<vmem>>, %arg13: memref<64xi32, #tpu.memory_space<vmem>>, %arg14: memref<64x768xf32, #tpu.memory_space<vmem>>, %arg15: memref<64x768xf32, #tpu.memory_space<vmem>>, %arg16: memref<!tpu.dma_semaphore, #tpu.memory_space<semaphore_mem>>, %arg17: memref<!tpu.dma_semaphore, #tpu.memory_space<semaphore_mem>>, %arg18: memref<!tpu.dma_semaphore, #tpu.memory_space<semaphore_mem>>, %arg19: memref<!tpu.dma_semaphore, #tpu.memory_space<semaphore_mem>>) attributes {dimension_semantics = [#tpu.dimension_semantics<core_parallel>, #tpu.dimension_semantics<subcore_parallel>], iteration_bounds = array<i64: 2, 16>, scalar_prefetch = 0 : i64, scratch_operands = 13 : i64, tpu.core_type = #tpu.core_type<sc_vector_subcore>, window_params = [{transform_indices = #map}, {transform_indices = #map1}, {transform_indices = #map1}, {transform_indices = #map1}, {transform_indices = #map}]} {
    %mul3A = arith.constant 2 : i32
    %mul3A_0 = arith.muli %arg1, %mul3A : i32
    %add3A = arith.addi %mul3A_0, %arg0 : i32
    %mul3A_1 = arith.constant 256 : i32
    %mul3A_2 = arith.muli %add3A, %mul3A_1 : i32
    %dma_start3A = arith.constant 0 : i32
    %dma_start3A_3 = tpu.memref_slice %arg2[%mul3A_2, %dma_start3A] : memref<8192x768xf32, #tpu.memory_space<hbm>> -> memref<64x768xf32, #tpu.memory_space<hbm>>
    %dma_start3A_4 = arith.constant 0 : i32
    %dma_start3A_5 = tpu.memref_slice %arg2[%mul3A_2, %dma_start3A_4] : memref<8192x768xf32, #tpu.memory_space<hbm>> -> memref<64x768xf32, #tpu.memory_space<hbm>>
    tpu.enqueue_dma source(%dma_start3A_5 : memref<64x768xf32, #tpu.memory_space<hbm>>) target(%arg14 : memref<64x768xf32, #tpu.memory_space<vmem>>) target_semaphore(%arg16 : memref<!tpu.dma_semaphore, #tpu.memory_space<semaphore_mem>>)
    "tpu.region"() ({
      %run_scoped3A = tpu.sem_alloc : memref<!tpu.dma_semaphore, #tpu.memory_space<semaphore_mem>>
      tpu.enqueue_dma source(%arg5 : memref<16xi32, #tpu.memory_space<hbm>>) target(%arg7 : memref<16xi32, #tpu.memory_space<vmem>>) target_semaphore(%run_scoped3A : memref<!tpu.dma_semaphore, #tpu.memory_space<semaphore_mem>>)
      tpu.wait_dma2 semaphore(%run_scoped3A : memref<!tpu.dma_semaphore, #tpu.memory_space<semaphore_mem>>) src(%arg5 : memref<16xi32, #tpu.memory_space<hbm>>) dst(%arg7 : memref<16xi32, #tpu.memory_space<vmem>>)
      tpu.yield
    }) : () -> ()
    %get3A = arith.constant 0 : index
    %get3A_6 = tpu.vector_load %arg7[%get3A] {strides = array<i32>} : memref<16xi32, #tpu.memory_space<vmem>>, vector<16xi32>,
    %get3A_7 = vector.shape_cast %get3A_6 : vector<16xi32> to vector<16xi32>
    %add3A_8 = arith.constant 0 : i32
    %add3A_9 = arith.addi %mul3A_2, %add3A_8 : i32
    "tpu.region"() ({
      %run_scoped3A = tpu.sem_alloc : memref<!tpu.dma_semaphore, #tpu.memory_space<semaphore_mem>>
      %dma_start3A_404 = tpu.memref_slice %arg3[%add3A_9] : memref<8192xi32, #tpu.memory_space<hbm>> -> memref<64xi32, #tpu.memory_space<hbm>>
      %dma_start3A_405 = tpu.memref_slice %arg3[%add3A_9] : memref<8192xi32, #tpu.memory_space<hbm>> -> memref<64xi32, #tpu.memory_space<hbm>>
      tpu.enqueue_dma source(%dma_start3A_405 : memref<64xi32, #tpu.memory_space<hbm>>) target(%arg12 : memref<64xi32, #tpu.memory_space<vmem>>) target_semaphore(%run_scoped3A : memref<!tpu.dma_semaphore, #tpu.memory_space<semaphore_mem>>)
      %dma_wait3A_406 = tpu.memref_slice %arg3[%add3A_9] : memref<8192xi32, #tpu.memory_space<hbm>> -> memref<64xi32, #tpu.memory_space<hbm>>
      %dma_wait3A_407 = tpu.memref_slice %arg3[%add3A_9] : memref<8192xi32, #tpu.memory_space<hbm>> -> memref<64xi32, #tpu.memory_space<hbm>>
      tpu.wait_dma2 semaphore(%run_scoped3A : memref<!tpu.dma_semaphore, #tpu.memory_space<semaphore_mem>>) src(%dma_wait3A_407 : memref<64xi32, #tpu.memory_space<hbm>>) dst(%arg12 : memref<64xi32, #tpu.memory_space<vmem>>)
      tpu.yield
    }) : () -> ()
    "tpu.region"() ({
      %run_scoped3A = tpu.sem_alloc : memref<!tpu.dma_semaphore, #tpu.memory_space<semaphore_mem>>
      %dma_start3A_404 = tpu.memref_slice %arg4[%add3A_9] : memref<8192xi32, #tpu.memory_space<hbm>> -> memref<64xi32, #tpu.memory_space<hbm>>
      %dma_start3A_405 = tpu.memref_slice %arg4[%add3A_9] : memref<8192xi32, #tpu.memory_space<hbm>> -> memref<64xi32, #tpu.memory_space<hbm>>
      tpu.enqueue_dma source(%dma_start3A_405 : memref<64xi32, #tpu.memory_space<hbm>>) target(%arg13 : memref<64xi32, #tpu.memory_space<vmem>>) target_semaphore(%run_scoped3A : memref<!tpu.dma_semaphore, #tpu.memory_space<semaphore_mem>>)
      %dma_wait3A_406 = tpu.memref_slice %arg4[%add3A_9] : memref<8192xi32, #tpu.memory_space<hbm>> -> memref<64xi32, #tpu.memory_space<hbm>>
      %dma_wait3A_407 = tpu.memref_slice %arg4[%add3A_9] : memref<8192xi32, #tpu.memory_space<hbm>> -> memref<64xi32, #tpu.memory_space<hbm>>
      tpu.wait_dma2 semaphore(%run_scoped3A : memref<!tpu.dma_semaphore, #tpu.memory_space<semaphore_mem>>) src(%dma_wait3A_407 : memref<64xi32, #tpu.memory_space<hbm>>) dst(%arg13 : memref<64xi32, #tpu.memory_space<vmem>>)
      tpu.yield
    }) : () -> ()
    %get3A_10 = arith.constant 0 : index
    %get3A_11 = tpu.vector_load %arg12[%get3A_10] {strides = array<i32>} : memref<64xi32, #tpu.memory_space<vmem>>, vector<16xi32>,
    %get3A_12 = vector.shape_cast %get3A_11 : vector<16xi32> to vector<16xi32>
    %get3A_13 = arith.constant 0 : index
    %get3A_14 = tpu.vector_load %arg13[%get3A_13] {strides = array<i32>} : memref<64xi32, #tpu.memory_space<vmem>>, vector<16xi32>,
    %get3A_15 = vector.shape_cast %get3A_14 : vector<16xi32> to vector<16xi32>
    %lt3A = arith.constant 0 : i32
    %lt3A_16 = vector.broadcast %lt3A : i32 to vector<16xi32>
    %lt3A_17 = arith.cmpi slt, %get3A_12, %lt3A_16 : vector<16xi32>
    %add3A_18 = arith.constant 16 : i32
    %add3A_19 = vector.broadcast %add3A_18 : i32 to vector<16xi32>
    %add3A_20 = arith.addi %get3A_12, %add3A_19 : vector<16xi32>
    %select_n3A = arith.select %lt3A_17, %add3A_20, %get3A_12 : vector<16xi1>, vector<16xi32>
    %broadcast_in_dim3A = vector.shape_cast %select_n3A : vector<16xi32> to vector<16x1xi32>
    %gather3A = vector.shape_cast %broadcast_in_dim3A : vector<16x1xi32> to vector<16xi32>
    %gather3A_21 = tpu.dynamic_gather %get3A_7[%gather3A] in [0] : vector<16xi32>, vector<16xi32> -> vector<16xi32>
    %add3A_22 = arith.addi %gather3A_21, %get3A_15 : vector<16xi32>
    %swap3A = arith.constant 0 : index
    %swap3A_23 = tpu.vector_load %arg8[%swap3A] {strides = array<i32>} : memref<64xi32, #tpu.memory_space<vmem>>, vector<16xi32>,
    %swap3A_24 = vector.shape_cast %swap3A_23 : vector<16xi32> to vector<16xi32>
    %swap3A_25 = vector.shape_cast %add3A_22 : vector<16xi32> to vector<16xi32>
    tpu.vector_store %arg8[%swap3A], %swap3A_25 {strides = array<i32>} : memref<64xi32, #tpu.memory_space<vmem>>, vector<16xi32>,
    %get3A_26 = arith.constant 16 : index
    %get3A_27 = tpu.vector_load %arg12[%get3A_26] {strides = array<i32>} : memref<64xi32, #tpu.memory_space<vmem>>, vector<16xi32>,
    %get3A_28 = vector.shape_cast %get3A_27 : vector<16xi32> to vector<16xi32>
    %get3A_29 = arith.constant 16 : index
    %get3A_30 = tpu.vector_load %arg13[%get3A_29] {strides = array<i32>} : memref<64xi32, #tpu.memory_space<vmem>>, vector<16xi32>,
    %get3A_31 = vector.shape_cast %get3A_30 : vector<16xi32> to vector<16xi32>
    %lt3A_32 = arith.constant 0 : i32
    %lt3A_33 = vector.broadcast %lt3A_32 : i32 to vector<16xi32>
    %lt3A_34 = arith.cmpi slt, %get3A_28, %lt3A_33 : vector<16xi32>
    %add3A_35 = arith.constant 16 : i32
    %add3A_36 = vector.broadcast %add3A_35 : i32 to vector<16xi32>
    %add3A_37 = arith.addi %get3A_28, %add3A_36 : vector<16xi32>
    %select_n3A_38 = arith.select %lt3A_34, %add3A_37, %get3A_28 : vector<16xi1>, vector<16xi32>
    %broadcast_in_dim3A_39 = vector.shape_cast %select_n3A_38 : vector<16xi32> to vector<16x1xi32>
    %gather3A_40 = vector.shape_cast %broadcast_in_dim3A_39 : vector<16x1xi32> to vector<16xi32>
    %gather3A_41 = tpu.dynamic_gather %get3A_7[%gather3A_40] in [0] : vector<16xi32>, vector<16xi32> -> vector<16xi32>
    %add3A_42 = arith.addi %gather3A_41, %get3A_31 : vector<16xi32>
    %swap3A_43 = arith.constant 16 : index
    %swap3A_44 = tpu.vector_load %arg8[%swap3A_43] {strides = array<i32>} : memref<64xi32, #tpu.memory_space<vmem>>, vector<16xi32>,
    %swap3A_45 = vector.shape_cast %swap3A_44 : vector<16xi32> to vector<16xi32>
    %swap3A_46 = vector.shape_cast %add3A_42 : vector<16xi32> to vector<16xi32>
    tpu.vector_store %arg8[%swap3A_43], %swap3A_46 {strides = array<i32>} : memref<64xi32, #tpu.memory_space<vmem>>, vector<16xi32>,
    %get3A_47 = arith.constant 32 : index
    %get3A_48 = tpu.vector_load %arg12[%get3A_47] {strides = array<i32>} : memref<64xi32, #tpu.memory_space<vmem>>, vector<16xi32>,
    %get3A_49 = vector.shape_cast %get3A_48 : vector<16xi32> to vector<16xi32>
    %get3A_50 = arith.constant 32 : index
    %get3A_51 = tpu.vector_load %arg13[%get3A_50] {strides = array<i32>} : memref<64xi32, #tpu.memory_space<vmem>>, vector<16xi32>,
    %get3A_52 = vector.shape_cast %get3A_51 : vector<16xi32> to vector<16xi32>
    %lt3A_53 = arith.constant 0 : i32
    %lt3A_54 = vector.broadcast %lt3A_53 : i32 to vector<16xi32>
    %lt3A_55 = arith.cmpi slt, %get3A_49, %lt3A_54 : vector<16xi32>
    %add3A_56 = arith.constant 16 : i32
    %add3A_57 = vector.broadcast %add3A_56 : i32 to vector<16xi32>
    %add3A_58 = arith.addi %get3A_49, %add3A_57 : vector<16xi32>
    %select_n3A_59 = arith.select %lt3A_55, %add3A_58, %get3A_49 : vector<16xi1>, vector<16xi32>
    %broadcast_in_dim3A_60 = vector.shape_cast %select_n3A_59 : vector<16xi32> to vector<16x1xi32>
    %gather3A_61 = vector.shape_cast %broadcast_in_dim3A_60 : vector<16x1xi32> to vector<16xi32>
    %gather3A_62 = tpu.dynamic_gather %get3A_7[%gather3A_61] in [0] : vector<16xi32>, vector<16xi32> -> vector<16xi32>
    %add3A_63 = arith.addi %gather3A_62, %get3A_52 : vector<16xi32>
    %swap3A_64 = arith.constant 32 : index
    %swap3A_65 = tpu.vector_load %arg8[%swap3A_64] {strides = array<i32>} : memref<64xi32, #tpu.memory_space<vmem>>, vector<16xi32>,
    %swap3A_66 = vector.shape_cast %swap3A_65 : vector<16xi32> to vector<16xi32>
    %swap3A_67 = vector.shape_cast %add3A_63 : vector<16xi32> to vector<16xi32>
    tpu.vector_store %arg8[%swap3A_64], %swap3A_67 {strides = array<i32>} : memref<64xi32, #tpu.memory_space<vmem>>, vector<16xi32>,
    %get3A_68 = arith.constant 48 : index
    %get3A_69 = tpu.vector_load %arg12[%get3A_68] {strides = array<i32>} : memref<64xi32, #tpu.memory_space<vmem>>, vector<16xi32>,
    %get3A_70 = vector.shape_cast %get3A_69 : vector<16xi32> to vector<16xi32>
    %get3A_71 = arith.constant 48 : index
    %get3A_72 = tpu.vector_load %arg13[%get3A_71] {strides = array<i32>} : memref<64xi32, #tpu.memory_space<vmem>>, vector<16xi32>,
    %get3A_73 = vector.shape_cast %get3A_72 : vector<16xi32> to vector<16xi32>
    %lt3A_74 = arith.constant 0 : i32
    %lt3A_75 = vector.broadcast %lt3A_74 : i32 to vector<16xi32>
    %lt3A_76 = arith.cmpi slt, %get3A_70, %lt3A_75 : vector<16xi32>
    %add3A_77 = arith.constant 16 : i32
    %add3A_78 = vector.broadcast %add3A_77 : i32 to vector<16xi32>
    %add3A_79 = arith.addi %get3A_70, %add3A_78 : vector<16xi32>
    %select_n3A_80 = arith.select %lt3A_76, %add3A_79, %get3A_70 : vector<16xi1>, vector<16xi32>
    %broadcast_in_dim3A_81 = vector.shape_cast %select_n3A_80 : vector<16xi32> to vector<16x1xi32>
    %gather3A_82 = vector.shape_cast %broadcast_in_dim3A_81 : vector<16x1xi32> to vector<16xi32>
    %gather3A_83 = tpu.dynamic_gather %get3A_7[%gather3A_82] in [0] : vector<16xi32>, vector<16xi32> -> vector<16xi32>
    %add3A_84 = arith.addi %gather3A_83, %get3A_73 : vector<16xi32>
    %swap3A_85 = arith.constant 48 : index
    %swap3A_86 = tpu.vector_load %arg8[%swap3A_85] {strides = array<i32>} : memref<64xi32, #tpu.memory_space<vmem>>, vector<16xi32>,
    %swap3A_87 = vector.shape_cast %swap3A_86 : vector<16xi32> to vector<16xi32>
    %swap3A_88 = vector.shape_cast %add3A_84 : vector<16xi32> to vector<16xi32>
    tpu.vector_store %arg8[%swap3A_85], %swap3A_88 {strides = array<i32>} : memref<64xi32, #tpu.memory_space<vmem>>, vector<16xi32>,
    %add3A_89 = arith.constant 64 : i32
    %add3A_90 = arith.addi %mul3A_2, %add3A_89 : i32
    "tpu.region"() ({
      %run_scoped3A = tpu.sem_alloc : memref<!tpu.dma_semaphore, #tpu.memory_space<semaphore_mem>>
      %dma_start3A_404 = tpu.memref_slice %arg3[%add3A_90] : memref<8192xi32, #tpu.memory_space<hbm>> -> memref<64xi32, #tpu.memory_space<hbm>>
      %dma_start3A_405 = tpu.memref_slice %arg3[%add3A_90] : memref<8192xi32, #tpu.memory_space<hbm>> -> memref<64xi32, #tpu.memory_space<hbm>>
      tpu.enqueue_dma source(%dma_start3A_405 : memref<64xi32, #tpu.memory_space<hbm>>) target(%arg12 : memref<64xi32, #tpu.memory_space<vmem>>) target_semaphore(%run_scoped3A : memref<!tpu.dma_semaphore, #tpu.memory_space<semaphore_mem>>)
      %dma_wait3A_406 = tpu.memref_slice %arg3[%add3A_90] : memref<8192xi32, #tpu.memory_space<hbm>> -> memref<64xi32, #tpu.memory_space<hbm>>
      %dma_wait3A_407 = tpu.memref_slice %arg3[%add3A_90] : memref<8192xi32, #tpu.memory_space<hbm>> -> memref<64xi32, #tpu.memory_space<hbm>>
      tpu.wait_dma2 semaphore(%run_scoped3A : memref<!tpu.dma_semaphore, #tpu.memory_space<semaphore_mem>>) src(%dma_wait3A_407 : memref<64xi32, #tpu.memory_space<hbm>>) dst(%arg12 : memref<64xi32, #tpu.memory_space<vmem>>)
      tpu.yield
    }) : () -> ()
    "tpu.region"() ({
      %run_scoped3A = tpu.sem_alloc : memref<!tpu.dma_semaphore, #tpu.memory_space<semaphore_mem>>
      %dma_start3A_404 = tpu.memref_slice %arg4[%add3A_90] : memref<8192xi32, #tpu.memory_space<hbm>> -> memref<64xi32, #tpu.memory_space<hbm>>
      %dma_start3A_405 = tpu.memref_slice %arg4[%add3A_90] : memref<8192xi32, #tpu.memory_space<hbm>> -> memref<64xi32, #tpu.memory_space<hbm>>
      tpu.enqueue_dma source(%dma_start3A_405 : memref<64xi32, #tpu.memory_space<hbm>>) target(%arg13 : memref<64xi32, #tpu.memory_space<vmem>>) target_semaphore(%run_scoped3A : memref<!tpu.dma_semaphore, #tpu.memory_space<semaphore_mem>>)
      %dma_wait3A_406 = tpu.memref_slice %arg4[%add3A_90] : memref<8192xi32, #tpu.memory_space<hbm>> -> memref<64xi32, #tpu.memory_space<hbm>>
      %dma_wait3A_407 = tpu.memref_slice %arg4[%add3A_90] : memref<8192xi32, #tpu.memory_space<hbm>> -> memref<64xi32, #tpu.memory_space<hbm>>
      tpu.wait_dma2 semaphore(%run_scoped3A : memref<!tpu.dma_semaphore, #tpu.memory_space<semaphore_mem>>) src(%dma_wait3A_407 : memref<64xi32, #tpu.memory_space<hbm>>) dst(%arg13 : memref<64xi32, #tpu.memory_space<vmem>>)
      tpu.yield
    }) : () -> ()
    %get3A_91 = arith.constant 0 : index
    %get3A_92 = tpu.vector_load %arg12[%get3A_91] {strides = array<i32>} : memref<64xi32, #tpu.memory_space<vmem>>, vector<16xi32>,
    %get3A_93 = vector.shape_cast %get3A_92 : vector<16xi32> to vector<16xi32>
    %get3A_94 = arith.constant 0 : index
    %get3A_95 = tpu.vector_load %arg13[%get3A_94] {strides = array<i32>} : memref<64xi32, #tpu.memory_space<vmem>>, vector<16xi32>,
    %get3A_96 = vector.shape_cast %get3A_95 : vector<16xi32> to vector<16xi32>
    %lt3A_97 = arith.constant 0 : i32
    %lt3A_98 = vector.broadcast %lt3A_97 : i32 to vector<16xi32>
    %lt3A_99 = arith.cmpi slt, %get3A_93, %lt3A_98 : vector<16xi32>
    %add3A_100 = arith.constant 16 : i32
    %add3A_101 = vector.broadcast %add3A_100 : i32 to vector<16xi32>
    %add3A_102 = arith.addi %get3A_93, %add3A_101 : vector<16xi32>
    %select_n3A_103 = arith.select %lt3A_99, %add3A_102, %get3A_93 : vector<16xi1>, vector<16xi32>
    %broadcast_in_dim3A_104 = vector.shape_cast %select_n3A_103 : vector<16xi32> to vector<16x1xi32>
    %gather3A_105 = vector.shape_cast %broadcast_in_dim3A_104 : vector<16x1xi32> to vector<16xi32>
    %gather3A_106 = tpu.dynamic_gather %get3A_7[%gather3A_105] in [0] : vector<16xi32>, vector<16xi32> -> vector<16xi32>
    %add3A_107 = arith.addi %gather3A_106, %get3A_96 : vector<16xi32>
    %swap3A_108 = arith.constant 0 : index
    %swap3A_109 = tpu.vector_load %arg9[%swap3A_108] {strides = array<i32>} : memref<64xi32, #tpu.memory_space<vmem>>, vector<16xi32>,
    %swap3A_110 = vector.shape_cast %swap3A_109 : vector<16xi32> to vector<16xi32>
    %swap3A_111 = vector.shape_cast %add3A_107 : vector<16xi32> to vector<16xi32>
    tpu.vector_store %arg9[%swap3A_108], %swap3A_111 {strides = array<i32>} : memref<64xi32, #tpu.memory_space<vmem>>, vector<16xi32>,
    %get3A_112 = arith.constant 16 : index
    %get3A_113 = tpu.vector_load %arg12[%get3A_112] {strides = array<i32>} : memref<64xi32, #tpu.memory_space<vmem>>, vector<16xi32>,
    %get3A_114 = vector.shape_cast %get3A_113 : vector<16xi32> to vector<16xi32>
    %get3A_115 = arith.constant 16 : index
    %get3A_116 = tpu.vector_load %arg13[%get3A_115] {strides = array<i32>} : memref<64xi32, #tpu.memory_space<vmem>>, vector<16xi32>,
    %get3A_117 = vector.shape_cast %get3A_116 : vector<16xi32> to vector<16xi32>
    %lt3A_118 = arith.constant 0 : i32
    %lt3A_119 = vector.broadcast %lt3A_118 : i32 to vector<16xi32>
    %lt3A_120 = arith.cmpi slt, %get3A_114, %lt3A_119 : vector<16xi32>
    %add3A_121 = arith.constant 16 : i32
    %add3A_122 = vector.broadcast %add3A_121 : i32 to vector<16xi32>
    %add3A_123 = arith.addi %get3A_114, %add3A_122 : vector<16xi32>
    %select_n3A_124 = arith.select %lt3A_120, %add3A_123, %get3A_114 : vector<16xi1>, vector<16xi32>
    %broadcast_in_dim3A_125 = vector.shape_cast %select_n3A_124 : vector<16xi32> to vector<16x1xi32>
    %gather3A_126 = vector.shape_cast %broadcast_in_dim3A_125 : vector<16x1xi32> to vector<16xi32>
    %gather3A_127 = tpu.dynamic_gather %get3A_7[%gather3A_126] in [0] : vector<16xi32>, vector<16xi32> -> vector<16xi32>
    %add3A_128 = arith.addi %gather3A_127, %get3A_117 : vector<16xi32>
    %swap3A_129 = arith.constant 16 : index
    %swap3A_130 = tpu.vector_load %arg9[%swap3A_129] {strides = array<i32>} : memref<64xi32, #tpu.memory_space<vmem>>, vector<16xi32>,
    %swap3A_131 = vector.shape_cast %swap3A_130 : vector<16xi32> to vector<16xi32>
    %swap3A_132 = vector.shape_cast %add3A_128 : vector<16xi32> to vector<16xi32>
    tpu.vector_store %arg9[%swap3A_129], %swap3A_132 {strides = array<i32>} : memref<64xi32, #tpu.memory_space<vmem>>, vector<16xi32>,
    %get3A_133 = arith.constant 32 : index
    %get3A_134 = tpu.vector_load %arg12[%get3A_133] {strides = array<i32>} : memref<64xi32, #tpu.memory_space<vmem>>, vector<16xi32>,
    %get3A_135 = vector.shape_cast %get3A_134 : vector<16xi32> to vector<16xi32>
    %get3A_136 = arith.constant 32 : index
    %get3A_137 = tpu.vector_load %arg13[%get3A_136] {strides = array<i32>} : memref<64xi32, #tpu.memory_space<vmem>>, vector<16xi32>,
    %get3A_138 = vector.shape_cast %get3A_137 : vector<16xi32> to vector<16xi32>
    %lt3A_139 = arith.constant 0 : i32
    %lt3A_140 = vector.broadcast %lt3A_139 : i32 to vector<16xi32>
    %lt3A_141 = arith.cmpi slt, %get3A_135, %lt3A_140 : vector<16xi32>
    %add3A_142 = arith.constant 16 : i32
    %add3A_143 = vector.broadcast %add3A_142 : i32 to vector<16xi32>
    %add3A_144 = arith.addi %get3A_135, %add3A_143 : vector<16xi32>
    %select_n3A_145 = arith.select %lt3A_141, %add3A_144, %get3A_135 : vector<16xi1>, vector<16xi32>
    %broadcast_in_dim3A_146 = vector.shape_cast %select_n3A_145 : vector<16xi32> to vector<16x1xi32>
    %gather3A_147 = vector.shape_cast %broadcast_in_dim3A_146 : vector<16x1xi32> to vector<16xi32>
    %gather3A_148 = tpu.dynamic_gather %get3A_7[%gather3A_147] in [0] : vector<16xi32>, vector<16xi32> -> vector<16xi32>
    %add3A_149 = arith.addi %gather3A_148, %get3A_138 : vector<16xi32>
    %swap3A_150 = arith.constant 32 : index
    %swap3A_151 = tpu.vector_load %arg9[%swap3A_150] {strides = array<i32>} : memref<64xi32, #tpu.memory_space<vmem>>, vector<16xi32>,
    %swap3A_152 = vector.shape_cast %swap3A_151 : vector<16xi32> to vector<16xi32>
    %swap3A_153 = vector.shape_cast %add3A_149 : vector<16xi32> to vector<16xi32>
    tpu.vector_store %arg9[%swap3A_150], %swap3A_153 {strides = array<i32>} : memref<64xi32, #tpu.memory_space<vmem>>, vector<16xi32>,
    %get3A_154 = arith.constant 48 : index
    %get3A_155 = tpu.vector_load %arg12[%get3A_154] {strides = array<i32>} : memref<64xi32, #tpu.memory_space<vmem>>, vector<16xi32>,
    %get3A_156 = vector.shape_cast %get3A_155 : vector<16xi32> to vector<16xi32>
    %get3A_157 = arith.constant 48 : index
    %get3A_158 = tpu.vector_load %arg13[%get3A_157] {strides = array<i32>} : memref<64xi32, #tpu.memory_space<vmem>>, vector<16xi32>,
    %get3A_159 = vector.shape_cast %get3A_158 : vector<16xi32> to vector<16xi32>
    %lt3A_160 = arith.constant 0 : i32
    %lt3A_161 = vector.broadcast %lt3A_160 : i32 to vector<16xi32>
    %lt3A_162 = arith.cmpi slt, %get3A_156, %lt3A_161 : vector<16xi32>
    %add3A_163 = arith.constant 16 : i32
    %add3A_164 = vector.broadcast %add3A_163 : i32 to vector<16xi32>
    %add3A_165 = arith.addi %get3A_156, %add3A_164 : vector<16xi32>
    %select_n3A_166 = arith.select %lt3A_162, %add3A_165, %get3A_156 : vector<16xi1>, vector<16xi32>
    %broadcast_in_dim3A_167 = vector.shape_cast %select_n3A_166 : vector<16xi32> to vector<16x1xi32>
    %gather3A_168 = vector.shape_cast %broadcast_in_dim3A_167 : vector<16x1xi32> to vector<16xi32>
    %gather3A_169 = tpu.dynamic_gather %get3A_7[%gather3A_168] in [0] : vector<16xi32>, vector<16xi32> -> vector<16xi32>
    %add3A_170 = arith.addi %gather3A_169, %get3A_159 : vector<16xi32>
    %swap3A_171 = arith.constant 48 : index
    %swap3A_172 = tpu.vector_load %arg9[%swap3A_171] {strides = array<i32>} : memref<64xi32, #tpu.memory_space<vmem>>, vector<16xi32>,
    %swap3A_173 = vector.shape_cast %swap3A_172 : vector<16xi32> to vector<16xi32>
    %swap3A_174 = vector.shape_cast %add3A_170 : vector<16xi32> to vector<16xi32>
    tpu.vector_store %arg9[%swap3A_171], %swap3A_174 {strides = array<i32>} : memref<64xi32, #tpu.memory_space<vmem>>, vector<16xi32>,
    %add3A_175 = arith.constant 128 : i32
    %add3A_176 = arith.addi %mul3A_2, %add3A_175 : i32
    "tpu.region"() ({
      %run_scoped3A = tpu.sem_alloc : memref<!tpu.dma_semaphore, #tpu.memory_space<semaphore_mem>>
      %dma_start3A_404 = tpu.memref_slice %arg3[%add3A_176] : memref<8192xi32, #tpu.memory_space<hbm>> -> memref<64xi32, #tpu.memory_space<hbm>>
      %dma_start3A_405 = tpu.memref_slice %arg3[%add3A_176] : memref<8192xi32, #tpu.memory_space<hbm>> -> memref<64xi32, #tpu.memory_space<hbm>>
      tpu.enqueue_dma source(%dma_start3A_405 : memref<64xi32, #tpu.memory_space<hbm>>) target(%arg12 : memref<64xi32, #tpu.memory_space<vmem>>) target_semaphore(%run_scoped3A : memref<!tpu.dma_semaphore, #tpu.memory_space<semaphore_mem>>)
      %dma_wait3A_406 = tpu.memref_slice %arg3[%add3A_176] : memref<8192xi32, #tpu.memory_space<hbm>> -> memref<64xi32, #tpu.memory_space<hbm>>
      %dma_wait3A_407 = tpu.memref_slice %arg3[%add3A_176] : memref<8192xi32, #tpu.memory_space<hbm>> -> memref<64xi32, #tpu.memory_space<hbm>>
      tpu.wait_dma2 semaphore(%run_scoped3A : memref<!tpu.dma_semaphore, #tpu.memory_space<semaphore_mem>>) src(%dma_wait3A_407 : memref<64xi32, #tpu.memory_space<hbm>>) dst(%arg12 : memref<64xi32, #tpu.memory_space<vmem>>)
      tpu.yield
    }) : () -> ()
    "tpu.region"() ({
      %run_scoped3A = tpu.sem_alloc : memref<!tpu.dma_semaphore, #tpu.memory_space<semaphore_mem>>
      %dma_start3A_404 = tpu.memref_slice %arg4[%add3A_176] : memref<8192xi32, #tpu.memory_space<hbm>> -> memref<64xi32, #tpu.memory_space<hbm>>
      %dma_start3A_405 = tpu.memref_slice %arg4[%add3A_176] : memref<8192xi32, #tpu.memory_space<hbm>> -> memref<64xi32, #tpu.memory_space<hbm>>
      tpu.enqueue_dma source(%dma_start3A_405 : memref<64xi32, #tpu.memory_space<hbm>>) target(%arg13 : memref<64xi32, #tpu.memory_space<vmem>>) target_semaphore(%run_scoped3A : memref<!tpu.dma_semaphore, #tpu.memory_space<semaphore_mem>>)
      %dma_wait3A_406 = tpu.memref_slice %arg4[%add3A_176] : memref<8192xi32, #tpu.memory_space<hbm>> -> memref<64xi32, #tpu.memory_space<hbm>>
      %dma_wait3A_407 = tpu.memref_slice %arg4[%add3A_176] : memref<8192xi32, #tpu.memory_space<hbm>> -> memref<64xi32, #tpu.memory_space<hbm>>
      tpu.wait_dma2 semaphore(%run_scoped3A : memref<!tpu.dma_semaphore, #tpu.memory_space<semaphore_mem>>) src(%dma_wait3A_407 : memref<64xi32, #tpu.memory_space<hbm>>) dst(%arg13 : memref<64xi32, #tpu.memory_space<vmem>>)
      tpu.yield
    }) : () -> ()
    %get3A_177 = arith.constant 0 : index
    %get3A_178 = tpu.vector_load %arg12[%get3A_177] {strides = array<i32>} : memref<64xi32, #tpu.memory_space<vmem>>, vector<16xi32>,
    %get3A_179 = vector.shape_cast %get3A_178 : vector<16xi32> to vector<16xi32>
    %get3A_180 = arith.constant 0 : index
    %get3A_181 = tpu.vector_load %arg13[%get3A_180] {strides = array<i32>} : memref<64xi32, #tpu.memory_space<vmem>>, vector<16xi32>,
    %get3A_182 = vector.shape_cast %get3A_181 : vector<16xi32> to vector<16xi32>
    %lt3A_183 = arith.constant 0 : i32
    %lt3A_184 = vector.broadcast %lt3A_183 : i32 to vector<16xi32>
    %lt3A_185 = arith.cmpi slt, %get3A_179, %lt3A_184 : vector<16xi32>
    %add3A_186 = arith.constant 16 : i32
    %add3A_187 = vector.broadcast %add3A_186 : i32 to vector<16xi32>
    %add3A_188 = arith.addi %get3A_179, %add3A_187 : vector<16xi32>
    %select_n3A_189 = arith.select %lt3A_185, %add3A_188, %get3A_179 : vector<16xi1>, vector<16xi32>
    %broadcast_in_dim3A_190 = vector.shape_cast %select_n3A_189 : vector<16xi32> to vector<16x1xi32>
    %gather3A_191 = vector.shape_cast %broadcast_in_dim3A_190 : vector<16x1xi32> to vector<16xi32>
    %gather3A_192 = tpu.dynamic_gather %get3A_7[%gather3A_191] in [0] : vector<16xi32>, vector<16xi32> -> vector<16xi32>
    %add3A_193 = arith.addi %gather3A_192, %get3A_182 : vector<16xi32>
    %swap3A_194 = arith.constant 0 : index
    %swap3A_195 = tpu.vector_load %arg10[%swap3A_194] {strides = array<i32>} : memref<64xi32, #tpu.memory_space<vmem>>, vector<16xi32>,
    %swap3A_196 = vector.shape_cast %swap3A_195 : vector<16xi32> to vector<16xi32>
    %swap3A_197 = vector.shape_cast %add3A_193 : vector<16xi32> to vector<16xi32>
    tpu.vector_store %arg10[%swap3A_194], %swap3A_197 {strides = array<i32>} : memref<64xi32, #tpu.memory_space<vmem>>, vector<16xi32>,
    %get3A_198 = arith.constant 16 : index
    %get3A_199 = tpu.vector_load %arg12[%get3A_198] {strides = array<i32>} : memref<64xi32, #tpu.memory_space<vmem>>, vector<16xi32>,
    %get3A_200 = vector.shape_cast %get3A_199 : vector<16xi32> to vector<16xi32>
    %get3A_201 = arith.constant 16 : index
    %get3A_202 = tpu.vector_load %arg13[%get3A_201] {strides = array<i32>} : memref<64xi32, #tpu.memory_space<vmem>>, vector<16xi32>,
    %get3A_203 = vector.shape_cast %get3A_202 : vector<16xi32> to vector<16xi32>
    %lt3A_204 = arith.constant 0 : i32
    %lt3A_205 = vector.broadcast %lt3A_204 : i32 to vector<16xi32>
    %lt3A_206 = arith.cmpi slt, %get3A_200, %lt3A_205 : vector<16xi32>
    %add3A_207 = arith.constant 16 : i32
    %add3A_208 = vector.broadcast %add3A_207 : i32 to vector<16xi32>
    %add3A_209 = arith.addi %get3A_200, %add3A_208 : vector<16xi32>
    %select_n3A_210 = arith.select %lt3A_206, %add3A_209, %get3A_200 : vector<16xi1>, vector<16xi32>
    %broadcast_in_dim3A_211 = vector.shape_cast %select_n3A_210 : vector<16xi32> to vector<16x1xi32>
    %gather3A_212 = vector.shape_cast %broadcast_in_dim3A_211 : vector<16x1xi32> to vector<16xi32>
    %gather3A_213 = tpu.dynamic_gather %get3A_7[%gather3A_212] in [0] : vector<16xi32>, vector<16xi32> -> vector<16xi32>
    %add3A_214 = arith.addi %gather3A_213, %get3A_203 : vector<16xi32>
    %swap3A_215 = arith.constant 16 : index
    %swap3A_216 = tpu.vector_load %arg10[%swap3A_215] {strides = array<i32>} : memref<64xi32, #tpu.memory_space<vmem>>, vector<16xi32>,
    %swap3A_217 = vector.shape_cast %swap3A_216 : vector<16xi32> to vector<16xi32>
    %swap3A_218 = vector.shape_cast %add3A_214 : vector<16xi32> to vector<16xi32>
    tpu.vector_store %arg10[%swap3A_215], %swap3A_218 {strides = array<i32>} : memref<64xi32, #tpu.memory_space<vmem>>, vector<16xi32>,
    %get3A_219 = arith.constant 32 : index
    %get3A_220 = tpu.vector_load %arg12[%get3A_219] {strides = array<i32>} : memref<64xi32, #tpu.memory_space<vmem>>, vector<16xi32>,
    %get3A_221 = vector.shape_cast %get3A_220 : vector<16xi32> to vector<16xi32>
    %get3A_222 = arith.constant 32 : index
    %get3A_223 = tpu.vector_load %arg13[%get3A_222] {strides = array<i32>} : memref<64xi32, #tpu.memory_space<vmem>>, vector<16xi32>,
    %get3A_224 = vector.shape_cast %get3A_223 : vector<16xi32> to vector<16xi32>
    %lt3A_225 = arith.constant 0 : i32
    %lt3A_226 = vector.broadcast %lt3A_225 : i32 to vector<16xi32>
    %lt3A_227 = arith.cmpi slt, %get3A_221, %lt3A_226 : vector<16xi32>
    %add3A_228 = arith.constant 16 : i32
    %add3A_229 = vector.broadcast %add3A_228 : i32 to vector<16xi32>
    %add3A_230 = arith.addi %get3A_221, %add3A_229 : vector<16xi32>
    %select_n3A_231 = arith.select %lt3A_227, %add3A_230, %get3A_221 : vector<16xi1>, vector<16xi32>
    %broadcast_in_dim3A_232 = vector.shape_cast %select_n3A_231 : vector<16xi32> to vector<16x1xi32>
    %gather3A_233 = vector.shape_cast %broadcast_in_dim3A_232 : vector<16x1xi32> to vector<16xi32>
    %gather3A_234 = tpu.dynamic_gather %get3A_7[%gather3A_233] in [0] : vector<16xi32>, vector<16xi32> -> vector<16xi32>
    %add3A_235 = arith.addi %gather3A_234, %get3A_224 : vector<16xi32>
    %swap3A_236 = arith.constant 32 : index
    %swap3A_237 = tpu.vector_load %arg10[%swap3A_236] {strides = array<i32>} : memref<64xi32, #tpu.memory_space<vmem>>, vector<16xi32>,
    %swap3A_238 = vector.shape_cast %swap3A_237 : vector<16xi32> to vector<16xi32>
    %swap3A_239 = vector.shape_cast %add3A_235 : vector<16xi32> to vector<16xi32>
    tpu.vector_store %arg10[%swap3A_236], %swap3A_239 {strides = array<i32>} : memref<64xi32, #tpu.memory_space<vmem>>, vector<16xi32>,
    %get3A_240 = arith.constant 48 : index
    %get3A_241 = tpu.vector_load %arg12[%get3A_240] {strides = array<i32>} : memref<64xi32, #tpu.memory_space<vmem>>, vector<16xi32>,
    %get3A_242 = vector.shape_cast %get3A_241 : vector<16xi32> to vector<16xi32>
    %get3A_243 = arith.constant 48 : index
    %get3A_244 = tpu.vector_load %arg13[%get3A_243] {strides = array<i32>} : memref<64xi32, #tpu.memory_space<vmem>>, vector<16xi32>,
    %get3A_245 = vector.shape_cast %get3A_244 : vector<16xi32> to vector<16xi32>
    %lt3A_246 = arith.constant 0 : i32
    %lt3A_247 = vector.broadcast %lt3A_246 : i32 to vector<16xi32>
    %lt3A_248 = arith.cmpi slt, %get3A_242, %lt3A_247 : vector<16xi32>
    %add3A_249 = arith.constant 16 : i32
    %add3A_250 = vector.broadcast %add3A_249 : i32 to vector<16xi32>
    %add3A_251 = arith.addi %get3A_242, %add3A_250 : vector<16xi32>
    %select_n3A_252 = arith.select %lt3A_248, %add3A_251, %get3A_242 : vector<16xi1>, vector<16xi32>
    %broadcast_in_dim3A_253 = vector.shape_cast %select_n3A_252 : vector<16xi32> to vector<16x1xi32>
    %gather3A_254 = vector.shape_cast %broadcast_in_dim3A_253 : vector<16x1xi32> to vector<16xi32>
    %gather3A_255 = tpu.dynamic_gather %get3A_7[%gather3A_254] in [0] : vector<16xi32>, vector<16xi32> -> vector<16xi32>
    %add3A_256 = arith.addi %gather3A_255, %get3A_245 : vector<16xi32>
    %swap3A_257 = arith.constant 48 : index
    %swap3A_258 = tpu.vector_load %arg10[%swap3A_257] {strides = array<i32>} : memref<64xi32, #tpu.memory_space<vmem>>, vector<16xi32>,
    %swap3A_259 = vector.shape_cast %swap3A_258 : vector<16xi32> to vector<16xi32>
    %swap3A_260 = vector.shape_cast %add3A_256 : vector<16xi32> to vector<16xi32>
    tpu.vector_store %arg10[%swap3A_257], %swap3A_260 {strides = array<i32>} : memref<64xi32, #tpu.memory_space<vmem>>, vector<16xi32>,
    %add3A_261 = arith.constant 192 : i32
    %add3A_262 = arith.addi %mul3A_2, %add3A_261 : i32
    "tpu.region"() ({
      %run_scoped3A = tpu.sem_alloc : memref<!tpu.dma_semaphore, #tpu.memory_space<semaphore_mem>>
      %dma_start3A_404 = tpu.memref_slice %arg3[%add3A_262] : memref<8192xi32, #tpu.memory_space<hbm>> -> memref<64xi32, #tpu.memory_space<hbm>>
      %dma_start3A_405 = tpu.memref_slice %arg3[%add3A_262] : memref<8192xi32, #tpu.memory_space<hbm>> -> memref<64xi32, #tpu.memory_space<hbm>>
      tpu.enqueue_dma source(%dma_start3A_405 : memref<64xi32, #tpu.memory_space<hbm>>) target(%arg12 : memref<64xi32, #tpu.memory_space<vmem>>) target_semaphore(%run_scoped3A : memref<!tpu.dma_semaphore, #tpu.memory_space<semaphore_mem>>)
      %dma_wait3A_406 = tpu.memref_slice %arg3[%add3A_262] : memref<8192xi32, #tpu.memory_space<hbm>> -> memref<64xi32, #tpu.memory_space<hbm>>
      %dma_wait3A_407 = tpu.memref_slice %arg3[%add3A_262] : memref<8192xi32, #tpu.memory_space<hbm>> -> memref<64xi32, #tpu.memory_space<hbm>>
      tpu.wait_dma2 semaphore(%run_scoped3A : memref<!tpu.dma_semaphore, #tpu.memory_space<semaphore_mem>>) src(%dma_wait3A_407 : memref<64xi32, #tpu.memory_space<hbm>>) dst(%arg12 : memref<64xi32, #tpu.memory_space<vmem>>)
      tpu.yield
    }) : () -> ()
    "tpu.region"() ({
      %run_scoped3A = tpu.sem_alloc : memref<!tpu.dma_semaphore, #tpu.memory_space<semaphore_mem>>
      %dma_start3A_404 = tpu.memref_slice %arg4[%add3A_262] : memref<8192xi32, #tpu.memory_space<hbm>> -> memref<64xi32, #tpu.memory_space<hbm>>
      %dma_start3A_405 = tpu.memref_slice %arg4[%add3A_262] : memref<8192xi32, #tpu.memory_space<hbm>> -> memref<64xi32, #tpu.memory_space<hbm>>
      tpu.enqueue_dma source(%dma_start3A_405 : memref<64xi32, #tpu.memory_space<hbm>>) target(%arg13 : memref<64xi32, #tpu.memory_space<vmem>>) target_semaphore(%run_scoped3A : memref<!tpu.dma_semaphore, #tpu.memory_space<semaphore_mem>>)
      %dma_wait3A_406 = tpu.memref_slice %arg4[%add3A_262] : memref<8192xi32, #tpu.memory_space<hbm>> -> memref<64xi32, #tpu.memory_space<hbm>>
      %dma_wait3A_407 = tpu.memref_slice %arg4[%add3A_262] : memref<8192xi32, #tpu.memory_space<hbm>> -> memref<64xi32, #tpu.memory_space<hbm>>
      tpu.wait_dma2 semaphore(%run_scoped3A : memref<!tpu.dma_semaphore, #tpu.memory_space<semaphore_mem>>) src(%dma_wait3A_407 : memref<64xi32, #tpu.memory_space<hbm>>) dst(%arg13 : memref<64xi32, #tpu.memory_space<vmem>>)
      tpu.yield
    }) : () -> ()
    %get3A_263 = arith.constant 0 : index
    %get3A_264 = tpu.vector_load %arg12[%get3A_263] {strides = array<i32>} : memref<64xi32, #tpu.memory_space<vmem>>, vector<16xi32>,
    %get3A_265 = vector.shape_cast %get3A_264 : vector<16xi32> to vector<16xi32>
    %get3A_266 = arith.constant 0 : index
    %get3A_267 = tpu.vector_load %arg13[%get3A_266] {strides = array<i32>} : memref<64xi32, #tpu.memory_space<vmem>>, vector<16xi32>,
    %get3A_268 = vector.shape_cast %get3A_267 : vector<16xi32> to vector<16xi32>
    %lt3A_269 = arith.constant 0 : i32
    %lt3A_270 = vector.broadcast %lt3A_269 : i32 to vector<16xi32>
    %lt3A_271 = arith.cmpi slt, %get3A_265, %lt3A_270 : vector<16xi32>
    %add3A_272 = arith.constant 16 : i32
    %add3A_273 = vector.broadcast %add3A_272 : i32 to vector<16xi32>
    %add3A_274 = arith.addi %get3A_265, %add3A_273 : vector<16xi32>
    %select_n3A_275 = arith.select %lt3A_271, %add3A_274, %get3A_265 : vector<16xi1>, vector<16xi32>
    %broadcast_in_dim3A_276 = vector.shape_cast %select_n3A_275 : vector<16xi32> to vector<16x1xi32>
    %gather3A_277 = vector.shape_cast %broadcast_in_dim3A_276 : vector<16x1xi32> to vector<16xi32>
    %gather3A_278 = tpu.dynamic_gather %get3A_7[%gather3A_277] in [0] : vector<16xi32>, vector<16xi32> -> vector<16xi32>
    %add3A_279 = arith.addi %gather3A_278, %get3A_268 : vector<16xi32>
    %swap3A_280 = arith.constant 0 : index
    %swap3A_281 = tpu.vector_load %arg11[%swap3A_280] {strides = array<i32>} : memref<64xi32, #tpu.memory_space<vmem>>, vector<16xi32>,
    %swap3A_282 = vector.shape_cast %swap3A_281 : vector<16xi32> to vector<16xi32>
    %swap3A_283 = vector.shape_cast %add3A_279 : vector<16xi32> to vector<16xi32>
    tpu.vector_store %arg11[%swap3A_280], %swap3A_283 {strides = array<i32>} : memref<64xi32, #tpu.memory_space<vmem>>, vector<16xi32>,
    %get3A_284 = arith.constant 16 : index
    %get3A_285 = tpu.vector_load %arg12[%get3A_284] {strides = array<i32>} : memref<64xi32, #tpu.memory_space<vmem>>, vector<16xi32>,
    %get3A_286 = vector.shape_cast %get3A_285 : vector<16xi32> to vector<16xi32>
    %get3A_287 = arith.constant 16 : index
    %get3A_288 = tpu.vector_load %arg13[%get3A_287] {strides = array<i32>} : memref<64xi32, #tpu.memory_space<vmem>>, vector<16xi32>,
    %get3A_289 = vector.shape_cast %get3A_288 : vector<16xi32> to vector<16xi32>
    %lt3A_290 = arith.constant 0 : i32
    %lt3A_291 = vector.broadcast %lt3A_290 : i32 to vector<16xi32>
    %lt3A_292 = arith.cmpi slt, %get3A_286, %lt3A_291 : vector<16xi32>
    %add3A_293 = arith.constant 16 : i32
    %add3A_294 = vector.broadcast %add3A_293 : i32 to vector<16xi32>
    %add3A_295 = arith.addi %get3A_286, %add3A_294 : vector<16xi32>
    %select_n3A_296 = arith.select %lt3A_292, %add3A_295, %get3A_286 : vector<16xi1>, vector<16xi32>
    %broadcast_in_dim3A_297 = vector.shape_cast %select_n3A_296 : vector<16xi32> to vector<16x1xi32>
    %gather3A_298 = vector.shape_cast %broadcast_in_dim3A_297 : vector<16x1xi32> to vector<16xi32>
    %gather3A_299 = tpu.dynamic_gather %get3A_7[%gather3A_298] in [0] : vector<16xi32>, vector<16xi32> -> vector<16xi32>
    %add3A_300 = arith.addi %gather3A_299, %get3A_289 : vector<16xi32>
    %swap3A_301 = arith.constant 16 : index
    %swap3A_302 = tpu.vector_load %arg11[%swap3A_301] {strides = array<i32>} : memref<64xi32, #tpu.memory_space<vmem>>, vector<16xi32>,
    %swap3A_303 = vector.shape_cast %swap3A_302 : vector<16xi32> to vector<16xi32>
    %swap3A_304 = vector.shape_cast %add3A_300 : vector<16xi32> to vector<16xi32>
    tpu.vector_store %arg11[%swap3A_301], %swap3A_304 {strides = array<i32>} : memref<64xi32, #tpu.memory_space<vmem>>, vector<16xi32>,
    %get3A_305 = arith.constant 32 : index
    %get3A_306 = tpu.vector_load %arg12[%get3A_305] {strides = array<i32>} : memref<64xi32, #tpu.memory_space<vmem>>, vector<16xi32>,
    %get3A_307 = vector.shape_cast %get3A_306 : vector<16xi32> to vector<16xi32>
    %get3A_308 = arith.constant 32 : index
    %get3A_309 = tpu.vector_load %arg13[%get3A_308] {strides = array<i32>} : memref<64xi32, #tpu.memory_space<vmem>>, vector<16xi32>,
    %get3A_310 = vector.shape_cast %get3A_309 : vector<16xi32> to vector<16xi32>
    %lt3A_311 = arith.constant 0 : i32
    %lt3A_312 = vector.broadcast %lt3A_311 : i32 to vector<16xi32>
    %lt3A_313 = arith.cmpi slt, %get3A_307, %lt3A_312 : vector<16xi32>
    %add3A_314 = arith.constant 16 : i32
    %add3A_315 = vector.broadcast %add3A_314 : i32 to vector<16xi32>
    %add3A_316 = arith.addi %get3A_307, %add3A_315 : vector<16xi32>
    %select_n3A_317 = arith.select %lt3A_313, %add3A_316, %get3A_307 : vector<16xi1>, vector<16xi32>
    %broadcast_in_dim3A_318 = vector.shape_cast %select_n3A_317 : vector<16xi32> to vector<16x1xi32>
    %gather3A_319 = vector.shape_cast %broadcast_in_dim3A_318 : vector<16x1xi32> to vector<16xi32>
    %gather3A_320 = tpu.dynamic_gather %get3A_7[%gather3A_319] in [0] : vector<16xi32>, vector<16xi32> -> vector<16xi32>
    %add3A_321 = arith.addi %gather3A_320, %get3A_310 : vector<16xi32>
    %swap3A_322 = arith.constant 32 : index
    %swap3A_323 = tpu.vector_load %arg11[%swap3A_322] {strides = array<i32>} : memref<64xi32, #tpu.memory_space<vmem>>, vector<16xi32>,
    %swap3A_324 = vector.shape_cast %swap3A_323 : vector<16xi32> to vector<16xi32>
    %swap3A_325 = vector.shape_cast %add3A_321 : vector<16xi32> to vector<16xi32>
    tpu.vector_store %arg11[%swap3A_322], %swap3A_325 {strides = array<i32>} : memref<64xi32, #tpu.memory_space<vmem>>, vector<16xi32>,
    %get3A_326 = arith.constant 48 : index
    %get3A_327 = tpu.vector_load %arg12[%get3A_326] {strides = array<i32>} : memref<64xi32, #tpu.memory_space<vmem>>, vector<16xi32>,
    %get3A_328 = vector.shape_cast %get3A_327 : vector<16xi32> to vector<16xi32>
    %get3A_329 = arith.constant 48 : index
    %get3A_330 = tpu.vector_load %arg13[%get3A_329] {strides = array<i32>} : memref<64xi32, #tpu.memory_space<vmem>>, vector<16xi32>,
    %get3A_331 = vector.shape_cast %get3A_330 : vector<16xi32> to vector<16xi32>
    %lt3A_332 = arith.constant 0 : i32
    %lt3A_333 = vector.broadcast %lt3A_332 : i32 to vector<16xi32>
    %lt3A_334 = arith.cmpi slt, %get3A_328, %lt3A_333 : vector<16xi32>
    %add3A_335 = arith.constant 16 : i32
    %add3A_336 = vector.broadcast %add3A_335 : i32 to vector<16xi32>
    %add3A_337 = arith.addi %get3A_328, %add3A_336 : vector<16xi32>
    %select_n3A_338 = arith.select %lt3A_334, %add3A_337, %get3A_328 : vector<16xi1>, vector<16xi32>
    %broadcast_in_dim3A_339 = vector.shape_cast %select_n3A_338 : vector<16xi32> to vector<16x1xi32>
    %gather3A_340 = vector.shape_cast %broadcast_in_dim3A_339 : vector<16x1xi32> to vector<16xi32>
    %gather3A_341 = tpu.dynamic_gather %get3A_7[%gather3A_340] in [0] : vector<16xi32>, vector<16xi32> -> vector<16xi32>
    %add3A_342 = arith.addi %gather3A_341, %get3A_331 : vector<16xi32>
    %swap3A_343 = arith.constant 48 : index
    %swap3A_344 = tpu.vector_load %arg11[%swap3A_343] {strides = array<i32>} : memref<64xi32, #tpu.memory_space<vmem>>, vector<16xi32>,
    %swap3A_345 = vector.shape_cast %swap3A_344 : vector<16xi32> to vector<16xi32>
    %swap3A_346 = vector.shape_cast %add3A_342 : vector<16xi32> to vector<16xi32>
    tpu.vector_store %arg11[%swap3A_343], %swap3A_346 {strides = array<i32>} : memref<64xi32, #tpu.memory_space<vmem>>, vector<16xi32>,
    %add3A_347 = arith.constant 64 : i32
    %add3A_348 = arith.addi %mul3A_2, %add3A_347 : i32
    %dma_start3A_349 = arith.constant 0 : i32
    %dma_start3A_350 = tpu.memref_slice %arg2[%add3A_348, %dma_start3A_349] : memref<8192x768xf32, #tpu.memory_space<hbm>> -> memref<64x768xf32, #tpu.memory_space<hbm>>
    %dma_start3A_351 = arith.constant 0 : i32
    %dma_start3A_352 = tpu.memref_slice %arg2[%add3A_348, %dma_start3A_351] : memref<8192x768xf32, #tpu.memory_space<hbm>> -> memref<64x768xf32, #tpu.memory_space<hbm>>
    tpu.enqueue_dma source(%dma_start3A_352 : memref<64x768xf32, #tpu.memory_space<hbm>>) target(%arg15 : memref<64x768xf32, #tpu.memory_space<vmem>>) target_semaphore(%arg17 : memref<!tpu.dma_semaphore, #tpu.memory_space<semaphore_mem>>)
    %dma_wait3A = arith.constant 0 : i32
    %dma_wait3A_353 = tpu.memref_slice %arg2[%mul3A_2, %dma_wait3A] : memref<8192x768xf32, #tpu.memory_space<hbm>> -> memref<64x768xf32, #tpu.memory_space<hbm>>
    %dma_wait3A_354 = arith.constant 0 : i32
    %dma_wait3A_355 = tpu.memref_slice %arg2[%mul3A_2, %dma_wait3A_354] : memref<8192x768xf32, #tpu.memory_space<hbm>> -> memref<64x768xf32, #tpu.memory_space<hbm>>
    tpu.wait_dma2 semaphore(%arg16 : memref<!tpu.dma_semaphore, #tpu.memory_space<semaphore_mem>>) src(%dma_wait3A_355 : memref<64x768xf32, #tpu.memory_space<hbm>>) dst(%arg14 : memref<64x768xf32, #tpu.memory_space<vmem>>)
    %dma_start3A_356 = arith.constant 0 : i32
    %dma_start3A_357 = arith.constant 0 : i32
    %dma_start3A_358 = tpu.memref_slice %arg6[%dma_start3A_356, %dma_start3A_357] : memref<10240x768xf32, #tpu.memory_space<hbm>> -> memref<10240x768xf32, #tpu.memory_space<hbm>>
    tpu.enqueue_indirect_dma source(%arg14 : memref<64x768xf32, #tpu.memory_space<vmem>>) target(%dma_start3A_358 : memref<10240x768xf32, #tpu.memory_space<hbm>>) offsets(%arg8 : memref<64xi32, #tpu.memory_space<vmem>>) semaphore(%arg18 : memref<!tpu.dma_semaphore, #tpu.memory_space<semaphore_mem>>)
    %dma_wait3A_359 = arith.constant 0 : i32
    %dma_wait3A_360 = arith.constant 0 : i32
    %dma_wait3A_361 = tpu.memref_slice %arg6[%dma_wait3A_359, %dma_wait3A_360] : memref<10240x768xf32, #tpu.memory_space<hbm>> -> memref<10240x768xf32, #tpu.memory_space<hbm>>
    tpu.wait_indirect_dma semaphore(%arg18 : memref<!tpu.dma_semaphore, #tpu.memory_space<semaphore_mem>>) src(%arg14 : memref<64x768xf32, #tpu.memory_space<vmem>>) dst(%dma_wait3A_361 : memref<10240x768xf32, #tpu.memory_space<hbm>>)
    %add3A_362 = arith.constant 128 : i32
    %add3A_363 = arith.addi %mul3A_2, %add3A_362 : i32
    %dma_start3A_364 = arith.constant 0 : i32
    %dma_start3A_365 = tpu.memref_slice %arg2[%add3A_363, %dma_start3A_364] : memref<8192x768xf32, #tpu.memory_space<hbm>> -> memref<64x768xf32, #tpu.memory_space<hbm>>
    %dma_start3A_366 = arith.constant 0 : i32
    %dma_start3A_367 = tpu.memref_slice %arg2[%add3A_363, %dma_start3A_366] : memref<8192x768xf32, #tpu.memory_space<hbm>> -> memref<64x768xf32, #tpu.memory_space<hbm>>
    tpu.enqueue_dma source(%dma_start3A_367 : memref<64x768xf32, #tpu.memory_space<hbm>>) target(%arg14 : memref<64x768xf32, #tpu.memory_space<vmem>>) target_semaphore(%arg16 : memref<!tpu.dma_semaphore, #tpu.memory_space<semaphore_mem>>)
    %dma_wait3A_368 = arith.constant 0 : i32
    %dma_wait3A_369 = tpu.memref_slice %arg2[%add3A_348, %dma_wait3A_368] : memref<8192x768xf32, #tpu.memory_space<hbm>> -> memref<64x768xf32, #tpu.memory_space<hbm>>
    %dma_wait3A_370 = arith.constant 0 : i32
    %dma_wait3A_371 = tpu.memref_slice %arg2[%add3A_348, %dma_wait3A_370] : memref<8192x768xf32, #tpu.memory_space<hbm>> -> memref<64x768xf32, #tpu.memory_space<hbm>>
    tpu.wait_dma2 semaphore(%arg17 : memref<!tpu.dma_semaphore, #tpu.memory_space<semaphore_mem>>) src(%dma_wait3A_371 : memref<64x768xf32, #tpu.memory_space<hbm>>) dst(%arg15 : memref<64x768xf32, #tpu.memory_space<vmem>>)
    %dma_start3A_372 = arith.constant 0 : i32
    %dma_start3A_373 = arith.constant 0 : i32
    %dma_start3A_374 = tpu.memref_slice %arg6[%dma_start3A_372, %dma_start3A_373] : memref<10240x768xf32, #tpu.memory_space<hbm>> -> memref<10240x768xf32, #tpu.memory_space<hbm>>
    tpu.enqueue_indirect_dma source(%arg15 : memref<64x768xf32, #tpu.memory_space<vmem>>) target(%dma_start3A_374 : memref<10240x768xf32, #tpu.memory_space<hbm>>) offsets(%arg9 : memref<64xi32, #tpu.memory_space<vmem>>) semaphore(%arg19 : memref<!tpu.dma_semaphore, #tpu.memory_space<semaphore_mem>>)
    %dma_wait3A_375 = arith.constant 0 : i32
    %dma_wait3A_376 = arith.constant 0 : i32
    %dma_wait3A_377 = tpu.memref_slice %arg6[%dma_wait3A_375, %dma_wait3A_376] : memref<10240x768xf32, #tpu.memory_space<hbm>> -> memref<10240x768xf32, #tpu.memory_space<hbm>>
    tpu.wait_indirect_dma semaphore(%arg19 : memref<!tpu.dma_semaphore, #tpu.memory_space<semaphore_mem>>) src(%arg15 : memref<64x768xf32, #tpu.memory_space<vmem>>) dst(%dma_wait3A_377 : memref<10240x768xf32, #tpu.memory_space<hbm>>)
    %add3A_378 = arith.constant 192 : i32
    %add3A_379 = arith.addi %mul3A_2, %add3A_378 : i32
    %dma_start3A_380 = arith.constant 0 : i32
    %dma_start3A_381 = tpu.memref_slice %arg2[%add3A_379, %dma_start3A_380] : memref<8192x768xf32, #tpu.memory_space<hbm>> -> memref<64x768xf32, #tpu.memory_space<hbm>>
    %dma_start3A_382 = arith.constant 0 : i32
    %dma_start3A_383 = tpu.memref_slice %arg2[%add3A_379, %dma_start3A_382] : memref<8192x768xf32, #tpu.memory_space<hbm>> -> memref<64x768xf32, #tpu.memory_space<hbm>>
    tpu.enqueue_dma source(%dma_start3A_383 : memref<64x768xf32, #tpu.memory_space<hbm>>) target(%arg15 : memref<64x768xf32, #tpu.memory_space<vmem>>) target_semaphore(%arg17 : memref<!tpu.dma_semaphore, #tpu.memory_space<semaphore_mem>>)
    %dma_wait3A_384 = arith.constant 0 : i32
    %dma_wait3A_385 = tpu.memref_slice %arg2[%add3A_363, %dma_wait3A_384] : memref<8192x768xf32, #tpu.memory_space<hbm>> -> memref<64x768xf32, #tpu.memory_space<hbm>>
    %dma_wait3A_386 = arith.constant 0 : i32
    %dma_wait3A_387 = tpu.memref_slice %arg2[%add3A_363, %dma_wait3A_386] : memref<8192x768xf32, #tpu.memory_space<hbm>> -> memref<64x768xf32, #tpu.memory_space<hbm>>
    tpu.wait_dma2 semaphore(%arg16 : memref<!tpu.dma_semaphore, #tpu.memory_space<semaphore_mem>>) src(%dma_wait3A_387 : memref<64x768xf32, #tpu.memory_space<hbm>>) dst(%arg14 : memref<64x768xf32, #tpu.memory_space<vmem>>)
    %dma_start3A_388 = arith.constant 0 : i32
    %dma_start3A_389 = arith.constant 0 : i32
    %dma_start3A_390 = tpu.memref_slice %arg6[%dma_start3A_388, %dma_start3A_389] : memref<10240x768xf32, #tpu.memory_space<hbm>> -> memref<10240x768xf32, #tpu.memory_space<hbm>>
    tpu.enqueue_indirect_dma source(%arg14 : memref<64x768xf32, #tpu.memory_space<vmem>>) target(%dma_start3A_390 : memref<10240x768xf32, #tpu.memory_space<hbm>>) offsets(%arg10 : memref<64xi32, #tpu.memory_space<vmem>>) semaphore(%arg18 : memref<!tpu.dma_semaphore, #tpu.memory_space<semaphore_mem>>)
    %dma_wait3A_391 = arith.constant 0 : i32
    %dma_wait3A_392 = tpu.memref_slice %arg2[%add3A_379, %dma_wait3A_391] : memref<8192x768xf32, #tpu.memory_space<hbm>> -> memref<64x768xf32, #tpu.memory_space<hbm>>
    %dma_wait3A_393 = arith.constant 0 : i32
    %dma_wait3A_394 = tpu.memref_slice %arg2[%add3A_379, %dma_wait3A_393] : memref<8192x768xf32, #tpu.memory_space<hbm>> -> memref<64x768xf32, #tpu.memory_space<hbm>>
    tpu.wait_dma2 semaphore(%arg17 : memref<!tpu.dma_semaphore, #tpu.memory_space<semaphore_mem>>) src(%dma_wait3A_394 : memref<64x768xf32, #tpu.memory_space<hbm>>) dst(%arg15 : memref<64x768xf32, #tpu.memory_space<vmem>>)
    %dma_start3A_395 = arith.constant 0 : i32
    %dma_start3A_396 = arith.constant 0 : i32
    %dma_start3A_397 = tpu.memref_slice %arg6[%dma_start3A_395, %dma_start3A_396] : memref<10240x768xf32, #tpu.memory_space<hbm>> -> memref<10240x768xf32, #tpu.memory_space<hbm>>
    tpu.enqueue_indirect_dma source(%arg15 : memref<64x768xf32, #tpu.memory_space<vmem>>) target(%dma_start3A_397 : memref<10240x768xf32, #tpu.memory_space<hbm>>) offsets(%arg11 : memref<64xi32, #tpu.memory_space<vmem>>) semaphore(%arg19 : memref<!tpu.dma_semaphore, #tpu.memory_space<semaphore_mem>>)
    %dma_wait3A_398 = arith.constant 0 : i32
    %dma_wait3A_399 = arith.constant 0 : i32
    %dma_wait3A_400 = tpu.memref_slice %arg6[%dma_wait3A_398, %dma_wait3A_399] : memref<10240x768xf32, #tpu.memory_space<hbm>> -> memref<10240x768xf32, #tpu.memory_space<hbm>>
    tpu.wait_indirect_dma semaphore(%arg18 : memref<!tpu.dma_semaphore, #tpu.memory_space<semaphore_mem>>) src(%arg14 : memref<64x768xf32, #tpu.memory_space<vmem>>) dst(%dma_wait3A_400 : memref<10240x768xf32, #tpu.memory_space<hbm>>)
    %dma_wait3A_401 = arith.constant 0 : i32
    %dma_wait3A_402 = arith.constant 0 : i32
    %dma_wait3A_403 = tpu.memref_slice %arg6[%dma_wait3A_401, %dma_wait3A_402] : memref<10240x768xf32, #tpu.memory_space<hbm>> -> memref<10240x768xf32, #tpu.memory_space<hbm>>
    tpu.wait_indirect_dma semaphore(%arg19 : memref<!tpu.dma_semaphore, #tpu.memory_space<semaphore_mem>>) src(%arg15 : memref<64x768xf32, #tpu.memory_space<vmem>>) dst(%dma_wait3A_403 : memref<10240x768xf32, #tpu.memory_space<hbm>>)
    return
  }
}

module attributes {stable_mosaic.version = 14 : i64} {
  func.func @_router_kernel(%arg0: i32, %arg1: memref<512x768xf32, #tpu.memory_space<vmem>>, %arg2: memref<768x8xf32, #tpu.memory_space<vmem>>, %arg3: memref<512x8xf32, #tpu.memory_space<vmem>>, %arg4: memref<512x8xf32, #tpu.memory_space<vmem>>, %arg5: memref<512x8xf32, #tpu.memory_space<vmem>>, %arg6: memref<512x1xi32, #tpu.memory_space<vmem>>, %arg7: memref<512x1xi32, #tpu.memory_space<vmem>>, %arg8: memref<1x16xi32, #tpu.memory_space<vmem>>, %arg9: memref<1x8xf32, #tpu.memory_space<vmem>>, %arg10: memref<512x512xf32, #tpu.memory_space<vmem>>) attributes {dimension_semantics = [#tpu.dimension_semantics<arbitrary>], iteration_bounds = array<i64: 16>, scalar_prefetch = 0 : i64, scratch_operands = 2 : i64, tpu.core_type = #tpu.core_type<tc>, window_params = [{transform_indices = @transform_0, window_bounds = array<i64: 512, 768>}, {pipeline_mode = #tpu.pipeline_mode<synchronous>, transform_indices = @transform_1, window_bounds = array<i64: 768, 8>}, {transform_indices = @transform_2, window_bounds = array<i64: 512, 8>}, {transform_indices = @transform_3, window_bounds = array<i64: 512, 8>}, {transform_indices = @transform_4, window_bounds = array<i64: 512, 8>}, {transform_indices = @transform_5, window_bounds = array<i64: 512, 1>}, {transform_indices = @transform_6, window_bounds = array<i64: 512, 1>}, {pipeline_mode = #tpu.pipeline_mode<synchronous>, transform_indices = @transform_7, window_bounds = array<i64: 1, 16>}]} {
    %eq3A = arith.constant 0 : i32
    %eq3A_0 = arith.cmpi eq, %arg0, %eq3A : i32
    %convert_element_type3A = arith.extui %eq3A_0 : i1 to i32
    %cond3A = arith.constant 0 : i32
    %cond3A_1 = arith.cmpi ne, %convert_element_type3A, %cond3A : i32
    scf.if %cond3A_1 {
      %broadcast_in_dim3A_61 = arith.constant 0.000000e+00 : f32
      %broadcast_in_dim3A_62 = vector.broadcast %broadcast_in_dim3A_61 : f32 to vector<1x8xf32>
      %swap3A_63 = arith.constant 0 : index
      %swap3A_64 = arith.constant 0 : index
      %swap3A_65 = vector.load %arg9[%swap3A_63, %swap3A_64] : memref<1x8xf32, #tpu.memory_space<vmem>>, vector<1x8xf32>
      tpu.vector_store %arg9[%swap3A_63, %swap3A_64], %broadcast_in_dim3A_62 {strides = array<i32>} : memref<1x8xf32, #tpu.memory_space<vmem>>, vector<1x8xf32>,
      %iota3A_66 = tpu.iota {dimensions = array<i32: 0>} : vector<512x512xi32>
      %iota3A_67 = tpu.iota {dimensions = array<i32: 1>} : vector<512x512xi32>
      %lt3A = arith.cmpi slt, %iota3A_67, %iota3A_66 : vector<512x512xi32>
      %convert_element_type3A_68 = arith.extui %lt3A : vector<512x512xi1> to vector<512x512xi32>
      %convert_element_type3A_69 = arith.sitofp %convert_element_type3A_68 : vector<512x512xi32> to vector<512x512xf32>
      %swap3A_70 = arith.constant 0 : index
      %swap3A_71 = arith.constant 0 : index
      %swap3A_72 = vector.load %arg10[%swap3A_70, %swap3A_71] : memref<512x512xf32, #tpu.memory_space<vmem>>, vector<512x512xf32>
      tpu.vector_store %arg10[%swap3A_70, %swap3A_71], %convert_element_type3A_69 {strides = array<i32>} : memref<512x512xf32, #tpu.memory_space<vmem>>, vector<512x512xf32>,
    } else {
    }
    %get3A = arith.constant 0 : index
    %get3A_2 = arith.constant 0 : index
    %get3A_3 = vector.load %arg1[%get3A, %get3A_2] : memref<512x768xf32, #tpu.memory_space<vmem>>, vector<512x768xf32>
    %get3A_4 = arith.constant 0 : index
    %get3A_5 = arith.constant 0 : index
    %get3A_6 = vector.load %arg2[%get3A_4, %get3A_5] : memref<768x8xf32, #tpu.memory_space<vmem>>, vector<768x8xf32>
    %dot_general3A = arith.constant dense<0.000000e+00> : vector<512x8xf32>
    %dot_general3A_7 = tpu.matmul %get3A_3, %get3A_6, %dot_general3A {dimension_numbers = #tpu.dot_dimension_numbers<[1], [0], [0], [1], [0, 0, 1, 1], [], []>, transpose_lhs_hint = false} : vector<512x768xf32>, vector<768x8xf32>, vector<512x8xf32> -> vector<512x8xf32>
    %reduce_max3A = arith.constant dense<0xFF800000> : vector<512xf32>
    %reduce_max3A_8 = vector.multi_reduction <maximumf>, %dot_general3A_7, %reduce_max3A [1] : vector<512x8xf32> to vector<512xf32>
    %broadcast_in_dim3A = vector.shape_cast %reduce_max3A_8 : vector<512xf32> to vector<512x1xf32>
    %sub3A = vector.broadcast %broadcast_in_dim3A : vector<512x1xf32> to vector<512x8xf32>
    %sub3A_9 = arith.subf %dot_general3A_7, %sub3A : vector<512x8xf32>
    %exp3A = math.exp %sub3A_9 : vector<512x8xf32>
    %reduce_sum3A = arith.constant dense<0.000000e+00> : vector<512xf32>
    %reduce_sum3A_10 = vector.multi_reduction <add>, %exp3A, %reduce_sum3A [1] : vector<512x8xf32> to vector<512xf32>
    %broadcast_in_dim3A_11 = vector.shape_cast %reduce_sum3A_10 : vector<512xf32> to vector<512x1xf32>
    %div3A = vector.broadcast %broadcast_in_dim3A_11 : vector<512x1xf32> to vector<512x8xf32>
    %div3A_12 = arith.divf %exp3A, %div3A : vector<512x8xf32>
    %argmax3A = tpu.reduce_index %div3A_12 {axis = 1 : i32, kind = #tpu.reduction_kind<arg_max>} : vector<512x8xf32> -> vector<512xi32>
    %iota3A = tpu.iota {dimensions = array<i32: 1>} : vector<512x8xi32>
    %broadcast_in_dim3A_13 = vector.shape_cast %argmax3A : vector<512xi32> to vector<512x1xi32>
    %eq3A_14 = vector.broadcast %broadcast_in_dim3A_13 : vector<512x1xi32> to vector<512x8xi32>
    %eq3A_15 = arith.cmpi eq, %iota3A, %eq3A_14 : vector<512x8xi32>
    %convert_element_type3A_16 = arith.extui %eq3A_15 : vector<512x8xi1> to vector<512x8xi32>
    %convert_element_type3A_17 = arith.sitofp %convert_element_type3A_16 : vector<512x8xi32> to vector<512x8xf32>
    %swap3A = arith.constant 0 : index
    %swap3A_18 = arith.constant 0 : index
    %swap3A_19 = vector.load %arg3[%swap3A, %swap3A_18] : memref<512x8xf32, #tpu.memory_space<vmem>>, vector<512x8xf32>
    tpu.vector_store %arg3[%swap3A, %swap3A_18], %div3A_12 {strides = array<i32>} : memref<512x8xf32, #tpu.memory_space<vmem>>, vector<512x8xf32>,
    %swap3A_20 = arith.constant 0 : index
    %swap3A_21 = arith.constant 0 : index
    %swap3A_22 = vector.load %arg4[%swap3A_20, %swap3A_21] : memref<512x8xf32, #tpu.memory_space<vmem>>, vector<512x8xf32>
    tpu.vector_store %arg4[%swap3A_20, %swap3A_21], %convert_element_type3A_17 {strides = array<i32>} : memref<512x8xf32, #tpu.memory_space<vmem>>, vector<512x8xf32>,
    %swap3A_23 = arith.constant 0 : index
    %swap3A_24 = arith.constant 0 : index
    %swap3A_25 = vector.load %arg5[%swap3A_23, %swap3A_24] : memref<512x8xf32, #tpu.memory_space<vmem>>, vector<512x8xf32>
    tpu.vector_store %arg5[%swap3A_23, %swap3A_24], %convert_element_type3A_17 {strides = array<i32>} : memref<512x8xf32, #tpu.memory_space<vmem>>, vector<512x8xf32>,
    %broadcast_in_dim3A_26 = vector.shape_cast %argmax3A : vector<512xi32> to vector<512x1xi32>
    %swap3A_27 = arith.constant 0 : index
    %swap3A_28 = arith.constant 0 : index
    %swap3A_29 = vector.load %arg6[%swap3A_27, %swap3A_28] : memref<512x1xi32, #tpu.memory_space<vmem>>, vector<512x1xi32>
    tpu.vector_store %arg6[%swap3A_27, %swap3A_28], %broadcast_in_dim3A_26 {strides = array<i32>} : memref<512x1xi32, #tpu.memory_space<vmem>>, vector<512x1xi32>,
    %get3A_30 = arith.constant 0 : index
    %get3A_31 = arith.constant 0 : index
    %get3A_32 = vector.load %arg10[%get3A_30, %get3A_31] : memref<512x512xf32, #tpu.memory_space<vmem>>, vector<512x512xf32>
    %dot_general3A_33 = arith.constant dense<0.000000e+00> : vector<512x8xf32>
    %dot_general3A_34 = tpu.matmul %get3A_32, %convert_element_type3A_17, %dot_general3A_33 {dimension_numbers = #tpu.dot_dimension_numbers<[1], [0], [0], [1], [0, 0, 1, 1], [], []>, transpose_lhs_hint = false} : vector<512x512xf32>, vector<512x8xf32>, vector<512x8xf32> -> vector<512x8xf32>
    %get3A_35 = arith.constant 0 : index
    %get3A_36 = arith.constant 0 : index
    %get3A_37 = vector.load %arg9[%get3A_35, %get3A_36] : memref<1x8xf32, #tpu.memory_space<vmem>>, vector<1x8xf32>
    %add3A = vector.broadcast %get3A_37 : vector<1x8xf32> to vector<512x8xf32>
    %add3A_38 = arith.addf %dot_general3A_34, %add3A : vector<512x8xf32>
    %mul3A = arith.mulf %add3A_38, %convert_element_type3A_17 : vector<512x8xf32>
    %reduce_sum3A_39 = arith.constant dense<0.000000e+00> : vector<512xf32>
    %reduce_sum3A_40 = vector.multi_reduction <add>, %mul3A, %reduce_sum3A_39 [1] : vector<512x8xf32> to vector<512xf32>
    %broadcast_in_dim3A_41 = vector.shape_cast %reduce_sum3A_40 : vector<512xf32> to vector<512x1xf32>
    %convert_element_type3A_42 = arith.fptosi %broadcast_in_dim3A_41 : vector<512x1xf32> to vector<512x1xi32>
    %swap3A_43 = arith.constant 0 : index
    %swap3A_44 = arith.constant 0 : index
    %swap3A_45 = vector.load %arg7[%swap3A_43, %swap3A_44] : memref<512x1xi32, #tpu.memory_space<vmem>>, vector<512x1xi32>
    tpu.vector_store %arg7[%swap3A_43, %swap3A_44], %convert_element_type3A_42 {strides = array<i32>} : memref<512x1xi32, #tpu.memory_space<vmem>>, vector<512x1xi32>,
    %get3A_46 = arith.constant 0 : index
    %get3A_47 = arith.constant 0 : index
    %get3A_48 = vector.load %arg9[%get3A_46, %get3A_47] : memref<1x8xf32, #tpu.memory_space<vmem>>, vector<1x8xf32>
    %reduce_sum3A_49 = arith.constant dense<0.000000e+00> : vector<8xf32>
    %reduce_sum3A_50 = vector.multi_reduction <add>, %convert_element_type3A_17, %reduce_sum3A_49 [0] : vector<512x8xf32> to vector<8xf32>
    %broadcast_in_dim3A_51 = vector.shape_cast %reduce_sum3A_50 : vector<8xf32> to vector<1x8xf32>
    %add3A_52 = arith.addf %get3A_48, %broadcast_in_dim3A_51 : vector<1x8xf32>
    %swap3A_53 = arith.constant 0 : index
    %swap3A_54 = arith.constant 0 : index
    %swap3A_55 = vector.load %arg9[%swap3A_53, %swap3A_54] : memref<1x8xf32, #tpu.memory_space<vmem>>, vector<1x8xf32>
    tpu.vector_store %arg9[%swap3A_53, %swap3A_54], %add3A_52 {strides = array<i32>} : memref<1x8xf32, #tpu.memory_space<vmem>>, vector<1x8xf32>,
    %eq3A_56 = arith.constant 15 : i32
    %eq3A_57 = arith.cmpi eq, %arg0, %eq3A_56 : i32
    %convert_element_type3A_58 = arith.extui %eq3A_57 : i1 to i32
    %cond3A_59 = arith.constant 0 : i32
    %cond3A_60 = arith.cmpi ne, %convert_element_type3A_58, %cond3A_59 : i32
    scf.if %cond3A_60 {
      %get3A_61 = arith.constant 0 : index
      %get3A_62 = arith.constant 0 : index
      %get3A_63 = vector.load %arg9[%get3A_61, %get3A_62] : memref<1x8xf32, #tpu.memory_space<vmem>>, vector<1x8xf32>
      %div3A_64 = arith.constant 2.560000e+02 : f32
      %div3A_65 = vector.broadcast %div3A_64 : f32 to vector<1x8xf32>
      %div3A_66 = arith.divf %get3A_63, %div3A_65 : vector<1x8xf32>
      %ceil3A = math.ceil %div3A_66 : vector<1x8xf32>
      %mul3A_67 = arith.constant 2.560000e+02 : f32
      %mul3A_68 = vector.broadcast %mul3A_67 : f32 to vector<1x8xf32>
      %mul3A_69 = arith.mulf %ceil3A, %mul3A_68 : vector<1x8xf32>
      %iota3A_70 = tpu.iota {dimensions = array<i32: 0>} : vector<8x8xi32>
      %iota3A_71 = tpu.iota {dimensions = array<i32: 1>} : vector<8x8xi32>
      %lt3A = arith.cmpi slt, %iota3A_70, %iota3A_71 : vector<8x8xi32>
      %convert_element_type3A_72 = arith.extui %lt3A : vector<8x8xi1> to vector<8x8xi32>
      %convert_element_type3A_73 = arith.sitofp %convert_element_type3A_72 : vector<8x8xi32> to vector<8x8xf32>
      %dot_general3A_74 = arith.constant dense<0.000000e+00> : vector<1x8xf32>
      %dot_general3A_75 = tpu.matmul %mul3A_69, %convert_element_type3A_73, %dot_general3A_74 {dimension_numbers = #tpu.dot_dimension_numbers<[1], [0], [0], [1], [0, 0, 1, 1], [], []>, transpose_lhs_hint = false} : vector<1x8xf32>, vector<8x8xf32>, vector<1x8xf32> -> vector<1x8xf32>
      %add3A_76 = arith.addf %dot_general3A_75, %mul3A_69 : vector<1x8xf32>
      %concatenate3A = tpu.concatenate %dot_general3A_75, %add3A_76 in 1 : vector<1x8xf32>, vector<1x8xf32> -> vector<1x16xf32>
      %convert_element_type3A_77 = arith.fptosi %concatenate3A : vector<1x16xf32> to vector<1x16xi32>
      %swap3A_78 = arith.constant 0 : index
      %swap3A_79 = arith.constant 0 : index
      %swap3A_80 = vector.load %arg8[%swap3A_78, %swap3A_79] : memref<1x16xi32, #tpu.memory_space<vmem>>, vector<1x16xi32>
      tpu.vector_store %arg8[%swap3A_78, %swap3A_79], %convert_element_type3A_77 {strides = array<i32>} : memref<1x16xi32, #tpu.memory_space<vmem>>, vector<1x16xi32>,
    } else {
    }
    return
  }
  func.func @transform_0(%arg0: i32) -> (i32, i32) {
    %c0_i32 = arith.constant 0 : i32
    %c0_i32_0 = arith.constant 0 : i32
    return %arg0, %c0_i32 : i32, i32
  }
  func.func @transform_1(%arg0: i32) -> (i32, i32) {
    %c0_i32 = arith.constant 0 : i32
    %c0_i32_0 = arith.constant 0 : i32
    %c0_i32_1 = arith.constant 0 : i32
    return %c0_i32, %c0_i32_0 : i32, i32
  }
  func.func @transform_2(%arg0: i32) -> (i32, i32) {
    %c0_i32 = arith.constant 0 : i32
    %c0_i32_0 = arith.constant 0 : i32
    return %arg0, %c0_i32 : i32, i32
  }
  func.func @transform_3(%arg0: i32) -> (i32, i32) {
    %c0_i32 = arith.constant 0 : i32
    %c0_i32_0 = arith.constant 0 : i32
    return %arg0, %c0_i32 : i32, i32
  }
  func.func @transform_4(%arg0: i32) -> (i32, i32) {
    %c0_i32 = arith.constant 0 : i32
    %c0_i32_0 = arith.constant 0 : i32
    return %arg0, %c0_i32 : i32, i32
  }
  func.func @transform_5(%arg0: i32) -> (i32, i32) {
    %c0_i32 = arith.constant 0 : i32
    %c0_i32_0 = arith.constant 0 : i32
    return %arg0, %c0_i32 : i32, i32
  }
  func.func @transform_6(%arg0: i32) -> (i32, i32) {
    %c0_i32 = arith.constant 0 : i32
    %c0_i32_0 = arith.constant 0 : i32
    return %arg0, %c0_i32 : i32, i32
  }
  func.func @transform_7(%arg0: i32) -> (i32, i32) {
    %c0_i32 = arith.constant 0 : i32
    %c0_i32_0 = arith.constant 0 : i32
    %c0_i32_1 = arith.constant 0 : i32
    return %c0_i32, %c0_i32_0 : i32, i32
  }
}

module attributes {stable_mosaic.version = 14 : i64} {
  func.func @_gmm_kernel(%arg0: i32, %arg1: memref<40xi32, #tpu.memory_space<smem>>, %arg2: memref<256x768xf32, #tpu.memory_space<vmem>>, %arg3: memref<1x768x768xf32, #tpu.memory_space<vmem>>, %arg4: memref<256x768xf32, #tpu.memory_space<vmem>>) attributes {dimension_semantics = [#tpu.dimension_semantics<arbitrary>], iteration_bounds = array<i64: 40>, scalar_prefetch = 1 : i64, scratch_operands = 0 : i64, tpu.core_type = #tpu.core_type<tc>, window_params = [{transform_indices = @transform_0, window_bounds = array<i64: 256, 768>}, {transform_indices = @transform_1, window_bounds = array<i64: 1, 768, 768>}, {transform_indices = @transform_2, window_bounds = array<i64: 256, 768>}]} {
    %get3A = arith.constant 0 : index
    %get3A_0 = arith.constant 0 : index
    %get3A_1 = arith.constant 0 : index
    %get3A_2 = vector.load %arg3[%get3A, %get3A_0, %get3A_1] : memref<1x768x768xf32, #tpu.memory_space<vmem>>, vector<1x768x768xf32>
    %get3A_3 = vector.shape_cast %get3A_2 : vector<1x768x768xf32> to vector<768x768xf32>
    %convert_element_type3A = arith.truncf %get3A_3 : vector<768x768xf32> to vector<768x768xbf16>
    %get3A_4 = arith.constant 0 : index
    %get3A_5 = arith.constant 0 : index
    %get3A_6 = vector.load %arg2[%get3A_4, %get3A_5] : memref<256x768xf32, #tpu.memory_space<vmem>>, vector<256x768xf32>
    %convert_element_type3A_7 = arith.truncf %get3A_6 : vector<256x768xf32> to vector<256x768xbf16>
    %dot_general3A = arith.constant dense<0.000000e+00> : vector<256x768xf32>
    %dot_general3A_8 = tpu.matmul %convert_element_type3A_7, %convert_element_type3A, %dot_general3A {dimension_numbers = #tpu.dot_dimension_numbers<[1], [0], [0], [1], [0, 0, 1, 1], [], []>, transpose_lhs_hint = false} : vector<256x768xbf16>, vector<768x768xbf16>, vector<256x768xf32> -> vector<256x768xf32>
    %swap3A = arith.constant 0 : index
    %swap3A_9 = arith.constant 0 : index
    %swap3A_10 = vector.load %arg4[%swap3A, %swap3A_9] : memref<256x768xf32, #tpu.memory_space<vmem>>, vector<256x768xf32>
    tpu.vector_store %arg4[%swap3A, %swap3A_9], %dot_general3A_8 {strides = array<i32>} : memref<256x768xf32, #tpu.memory_space<vmem>>, vector<256x768xf32>,
    return
  }
  func.func @transform_0(%arg0: i32, %arg1: memref<40xi32, #tpu.memory_space<smem>>) -> (i32, i32) {
    %c0_i32 = arith.constant 0 : i32
    %c0_i32_0 = arith.constant 0 : i32
    return %arg0, %c0_i32 : i32, i32
  }
  func.func @transform_1(%arg0: i32, %arg1: memref<40xi32, #tpu.memory_space<smem>>) -> (i32, i32, i32) {
    %get3A = arith.index_cast %arg0 : i32 to index
    %get3A_0 = memref.load %arg1[%get3A] : memref<40xi32, #tpu.memory_space<smem>>
    %c0_i32 = arith.constant 0 : i32
    %c0_i32_1 = arith.constant 0 : i32
    %c0_i32_2 = arith.constant 0 : i32
    return %get3A_0, %c0_i32, %c0_i32_1 : i32, i32, i32
  }
  func.func @transform_2(%arg0: i32, %arg1: memref<40xi32, #tpu.memory_space<smem>>) -> (i32, i32) {
    %c0_i32 = arith.constant 0 : i32
    %c0_i32_0 = arith.constant 0 : i32
    return %arg0, %c0_i32 : i32, i32
  }
}

</mosaic_0001>

<sc_bundles>
// kernel: kernel.6.cloned.1.call-start
scs
__scs_entry_jumppad:
0x0: {  	(pc) =	sbr.rel $0x88, $3  }
0x1: {  	(tag) =	ssettag $0x0;
	lr =	simm.s32 $0x1  }
0x2: {  	[smem:$0x3F9E] =	sst lr;
	_ =	strace $0xD0000000  }
0x3: {  	_ = 	snop  }
0x4: {  	_ = 	snop  }
0x5: {  	_ = 	snop  }
0x6: {  	_ = 	snop  }
0x7: {  	_ = 	snop  }
__scs_overlays_trampoline_lowered:
0x8: {  	[smem:$0x3FAD] =	sst s0  }
0x9: {  	[smem:$0x3FAE] =	sst s1  }
0xa: {  	[smem:$0x3FAF] =	sst s2  }
0xb: {  	[smem:$0x3FB0] =	sst s3  }
0xc: {  	[smem:$0x3FB1] =	sst s4  }
0xd: {  	[smem:$0x3FB2] =	sst s5  }
0xe: {  	[smem:$0x3FB3] =	sst s6  }
0xf: {  	[smem:$0x3FB4] =	sst s7  }
0x10: {  	[smem:$0x3FB5] =	sst s8  }
0x11: {  	[smem:$0x3FB6] =	sst s9;
	s0 =	simm.s32 @!p0 $0x0  }
0x12: {  	s1 =	sld [smem:$0x3F9C];
	s0 =	simm.s32 @p0 $0x1  }
0x13: {  	[smem:$0x3FB7] =	sst s0;
	s0 =	simm.s32 @!p1 $0x0  }
0x14: {  	s2 =	sld [smem:$0x3F9B];
	s0 =	simm.s32 @p1 $0x1  }
0x15: {  	[smem:$0x3FB8] =	sst s0;
	s0 =	simm.s32 @!p2 $0x0  }
0x16: {  	s3 =	sld [smem:$0x3FDB];
	s0 =	simm.s32 @p2 $0x1  }
0x17: {  	s4 =	simm.s32 $0x1BF5;
	[smem:$0x3FBA] =	sst s0  }
0x18: {  	s0 =	sld [smem:$0x3F9D];
	_ =	swait.ge [sflag:s4], $0x0  }
0x19: {  	s7 =	sld [smem:$0x3F9E]  }
0x1a: {  	s8 =	sadd.s32 $0xFFFFE003, lr  }
0x1b: {  	s9 =	sadd.s32 $0xFFFFFEF7, lr;
	s5 =	simm.s32 $0xFFFFFFFF;
	p2 =	slt.u32 s8, $0xFFFFF086  }
0x1c: {  	p1 =	slt.u32 s9, $0xF7A;
	s5 =	simm.s32 @!p2 $0x0  }
0x1d: {  	s5 =	simm.s32 @p1 $0x1;
	p0 =	seq.s32 s7, s2  }
0x1e: {  	s7 =	smul.u32 @!p0 $0xF7A, s2;
	p2 =	seq.s32 @!p0 s5, $0x0  }
0x1f: {  	s9 =	smul.u32 $0xF7A, s1;
	s8 =	simm.s32 @!p0 $0x1BF5;
	p2 =	por !p2, p0  }
0x20: {  	[sflag:s8] =	ssyncset.s32 @!p0 $0xFFFFF086;
	s6 =	sadd.s32 @!p0 s3, s7;
	s7 =	simm.s32 @!p0 $0x108  }
0x21: {  	s3 =	sadd.s32 s3, s9;
	s6 =	sadd.s32 @!p0 $0x88, s6;
	s7 =	simm.s32 @p2 $0x1082  }
0x22: {  	[simem:s7], [sflag:s8] =	dma.local @!p0 [hbm:s6], $0xF7A  }
0x23: {  	s9 =	sor.u32 $0xD0000000, s2;
	s6 =	simm.s32 $0x108;
	_ =	swait.ge @!p0 [sflag:s8], $0x0  }
0x24: {  	s3 =	sadd.s32 $0x88, s3;
	s6 =	simm.s32 @!p1 $0x1082;
	[sflag:s4] =	ssyncset.s32 $0xFFFFF086  }
0x25: {  	[simem:s6], [sflag:s4] =	dma.local [hbm:s3], $0xF7A  }
0x26: {  	[smem:$0x3F9E] =	sst s1;
	(tag) =	ssettag s2;
	_ =	strace s9  }
0x27: {  	s1 =	sld [smem:$0x3FAE]  }
0x28: {  	s2 =	sld [smem:$0x3FAF]  }
0x29: {  	s4 =	sld [smem:$0x3FB1]  }
0x2a: {  	p0 =	seq.s32 s5, $0x0;
	s5 =	sld [smem:$0x3FB2]  }
0x2b: {  	s6 =	sld [smem:$0x3FB3]  }
0x2c: {  	s7 =	sld [smem:$0x3FB4]  }
0x2d: {  	s3 =	simm.s32 $0x108;
	s8 =	sld [smem:$0x3FB5]  }
0x2e: {  	s3 =	simm.s32 @!p0 $0x1082;
	s9 =	sld [smem:$0x3FB6]  }
0x2f: {  	lr =	sadd.s32 s0, s3;
	s0 =	sld [smem:$0x3FAD]  }
0x30: {  	s3 =	sld [smem:$0x3FB0]  }
0x31: {  	[smem:$0x3FB9] =	sst s10  }
0x32: {  	s10 =	sld [smem:$0x3FB7];
	_ =	sdelay $0x3  }
0x33: {  	p0 =	seq.s32 s10, $0x1;
	s10 =	sld [smem:$0x3FB9];
	_ =	sdelay $0x3  }
0x34: {  	[smem:$0x3FB9] =	sst s10  }
0x35: {  	s10 =	sld [smem:$0x3FB8];
	_ =	sdelay $0x3  }
0x36: {  	p1 =	seq.s32 s10, $0x1;
	s10 =	sld [smem:$0x3FB9];
	_ =	sdelay $0x3  }
0x37: {  	[smem:$0x3FB9] =	sst s10  }
0x38: {  	s10 =	sld [smem:$0x3FBA]  }
0x39: {  	_ = 	snop;
	(pc) =	sbr.ind lr, $3  }
0x3a: {  	_ = 	snop  }
0x3b: {  	_ = 	snop  }
0x3c: {  	p2 =	seq.s32 s10, $0x1;
	s10 =	sld [smem:$0x3FB9]  }
0x3d: {  	_ =	shalt  }
0x3e: {  	_ =	shalt  }
0x3f: {  	_ =	shalt  }
0x40: {  	_ =	shalt  }
0x41: {  	_ =	shalt  }
0x42: {  	_ =	shalt  }
0x43: {  	_ =	shalt  }
0x44: {  	_ =	shalt  }
0x45: {  	_ =	shalt  }
0x46: {  	_ =	shalt  }
0x47: {  	_ =	shalt  }
0x48: {  	_ =	shalt  }
0x49: {  	_ =	shalt  }
0x4a: {  	_ =	shalt  }
0x4b: {  	_ =	shalt  }
0x4c: {  	_ =	shalt  }
0x4d: {  	_ =	shalt  }
0x4e: {  	_ =	shalt  }
0x4f: {  	_ =	shalt  }
0x50: {  	_ =	shalt  }
0x51: {  	_ =	shalt  }
0x52: {  	_ =	shalt  }
0x53: {  	_ =	shalt  }
0x54: {  	_ =	shalt  }
0x55: {  	_ =	shalt  }
0x56: {  	_ =	shalt  }
0x57: {  	_ =	shalt  }
0x58: {  	_ =	shalt  }
0x59: {  	_ =	shalt  }
0x5a: {  	_ =	shalt  }
0x5b: {  	_ =	shalt  }
0x5c: {  	_ =	shalt  }
0x5d: {  	_ =	shalt  }
0x5e: {  	_ =	shalt  }
0x5f: {  	_ =	shalt  }
0x60: {  	_ =	shalt  }
0x61: {  	_ =	shalt  }
0x62: {  	_ =	shalt  }
0x63: {  	_ =	shalt  }
0x64: {  	_ =	shalt  }
0x65: {  	_ =	shalt  }
0x66: {  	_ =	shalt  }
0x67: {  	_ =	shalt  }
0x68: {  	_ =	shalt  }
0x69: {  	_ =	shalt  }
0x6a: {  	_ =	shalt  }
0x6b: {  	_ =	shalt  }
0x6c: {  	_ =	shalt  }
0x6d: {  	_ =	shalt  }
0x6e: {  	_ =	shalt  }
0x6f: {  	_ =	shalt  }
0x70: {  	_ =	shalt  }
0x71: {  	_ =	shalt  }
0x72: {  	_ =	shalt  }
0x73: {  	_ =	shalt  }
0x74: {  	_ =	shalt  }
0x75: {  	_ =	shalt  }
0x76: {  	_ =	shalt  }
0x77: {  	_ =	shalt  }
0x78: {  	_ =	shalt  }
0x79: {  	_ =	shalt  }
0x7a: {  	_ =	shalt  }
0x7b: {  	_ =	shalt  }
0x7c: {  	_ =	shalt  }
0x7d: {  	_ =	shalt  }
0x7e: {  	_ =	shalt  }
0x7f: {  	_ =	shalt  }
0x80: {  	_ =	shalt  }
0x81: {  	_ =	shalt  }
0x82: {  	_ =	shalt  }
0x83: {  	_ =	shalt  }
0x84: {  	_ =	shalt  }
0x85: {  	_ =	shalt  }
0x86: {  	_ =	shalt  }
0x87: {  	_ =	shalt  }
.Lfunc_end0:
.L_simem_size_0:
called_computation_lowered:
.L_overlay_start_0:
0x88: {  	s2 =	sld [smem:$0x3FD9]  }
0x89: {  	s3 =	sld [smem:$0x3FFE];
	_ =	sdelay $0x1  }
0x8a: {  	s1 =	srdreg.scid  }
0x8b: {  	s0 =	sand.u32 $0x1, s1  }
0x8c: {  	s14 =	sshll.u32 s0, $0xA;
	s2 =	sadd.s32 s3, s2  }
0x8d: {  	s2 =	sadd.s32 s2, s14  }
0x8e: {  	[smem:$0x3FC5] =	sst s2  }
0x8f: {  	_ = 	snop  }
0x90: {  	s2 =	sld [smem:$0x3FD0];
	_ =	sdelay $0x2  }
0x91: {  	s4 =	simm.s32 $0xA;
	s5 =	simm.s32 $0x10;
	s15 =	sld [smem:$0x3FC9]  }
0x92: {  	[smem:s5], [sflag:s4] =	dma.local [hbm:s2], $0x1  }
0x93: {  	_ =	swait.eq [sflag:s4], $0x1  }
0x94: {  	[sflag:s4] =	ssyncset.done $0x0  }
0x95: {  	[sflag:s4] =	ssyncadd.s32 $0xFFFFFFFF  }
0x96: {  	s16 =	sld [smem:$0x11];
	(tm) =	ssettm $0x1  }
0x97: {  	s17 =	sld [smem:$0x3FFB];
	_ =	sdelay $0x3  }
0x98: {  	_ =	strace s17  }
0x99: {  	s4 =	sld [smem:$0x3FFC];
	_ =	sdelay $0x3  }
0x9a: {  	_ =	strace s4  }
0x9b: {  	s4 =	sld [smem:$0x3FFD];
	_ =	sdelay $0x3  }
0x9c: {  	_ =	strace s4  }
0x9d: {  	_ =	strace $0x8FFFFFFF  }
0x9e: {  	s18 =	sld [smem:$0x3FDB];
	_ =	sdelay $0x1  }
0x9f: {  	s19 =	simm.s32 $_scs_section_size  }
0xa0: {  	s6 =	simm.s32 $_size__tile_overlayer_lowered;
	s7 =	simm.s32 $_tile_overlayer_lowered  }
0xa1: {  	s22 =	simm.s32 $0x1BFF;
	s21 =	sshll.u32 s7, $0x1;
	s4 =	sadd.s32 s19, s18  }
0xa2: {  	s8 =	simm.s32 $0x0;
	s20 =	sshll.u32 s6, $0x1;
	s6 =	sadd.s32 s21, s4  }
0xa3: {  	[timem:s8], [sflag:s22] =	dma.local [hbm:s6], s20  }
0xa4: {  	_ =	swait.ge [sflag:s22], s20  }
0xa5: {  	s5 =	ssub.s32 $0x0, s20;
	[sflag:s22] =	ssyncset.done $0x0  }
0xa6: {  	[sflag:s22] =	ssyncadd.s32 s5;
	_ =	sdelay $0x1  }
0xa7: {  	s23 =	simm.s32 $0x1B8B  }
0xa8: {  	_ =	swait.ge [sflag:s23], $0x1  }
0xa9: {  	[sflag:s23] =	ssyncset.done $0x0  }
0xaa: {  	s25 =	simm.s32 $0x1B8E;
	s24 =	sld [smem:$0x3FFE];
	[sflag:s23] =	ssyncadd.s32 $0xFFFFFFFF  }
0xab: {  	s26 =	simm.s32 $execute0_lowered;
	[smem:$0x3FD2] =	sst s25  }
0xac: {  	s6 =	sshll.u32 s26, $0x1;
	_ =	strace $0x80000046;
	[dreg:$0x1] =	wrdreg $0xFFFFFFFF  }
0xad: {  	s28 =	simm.s32 $_size_execute0_lowered;
	s4 =	sadd.s32 s4, s6;
	[dreg:$0x0] =	wrdreg $0x0  }
0xae: {  	s6 =	sshll.u32 s28, $0x1;
	[dreg:$0x2] =	wrdreg s4  }
0xaf: {  	[dreg:$0x3] =	wrdreg s6  }
0xb0: {  	[dreg:$0x4] =	wrdreg $0xC0  }
0xb1: {  	_ =	task [dreg:s8], $0x5FFFF  }
0xb2: {  	[dreg:$0x1] =	wrdreg $0xFFFFFFFF  }
0xb3: {  	[dreg:$0x0] =	wrdreg $0x60  }
0xb4: {  	[dreg:$0x2] =	wrdreg s15  }
0xb5: {  	[dreg:$0x3] =	wrdreg s16  }
0xb6: {  	[dreg:$0x4] =	wrdreg s24  }
0xb7: {  	[dreg:$0x5] =	wrdreg $0x9  }
0xb8: {  	_ =	task.clear_ibuf [dreg:s8], $0x6FFFF;
	_ =	strace $0x90000046  }
0xb9: {  	s29 =	simm.s32 $0x9;
	_ =	strace $0x80000048  }
0xba: {  	_ =	swait.ge [sflag:s29], $0x1  }
0xbb: {  	[sflag:s29] =	ssyncadd.s32 $0xFFFFFFFF  }
0xbc: {  	_ =	strace $0x90000048  }
0xbd: {  	_ =	sfence  }
0xbe: {  	s30 =	sld [smem:$0x0];
	_ =	sdelay $0x2  }
0xbf: {  	s31 =	sshll.u32 s1, $0xD;
	s1 =	sshrl.u32 s1, $0x2  }
0xc0: {  	s3 =	sand.u32 $0x4000, s31;
	s1 =	sadd.s32 s1, s30  }
0xc1: {  	s0 =	sor.u32 s3, s0;
	s1 =	sshll.u32 s1, $0x11  }
0xc2: {  	s0 =	sor.u32 s1, s0  }
0xc3: {  	s0 =	sadd.s32 $0x8F2B, s0  }
0xc4: {  	[sflag:s0] =	ssyncadd.remote.s32 $0x1  }
0xc5: {  	_ =	sfence.sel $0xFFFF  }
0xc6: {  	[dreg:$0x0] =	wrdreg $0xFFFFFFFF;
	(pc) =	sbr.abs _section_cstart, $3  }
0xc7: {  	[dreg:$0x1] =	wrdreg $0xFFFFFFFF  }
0xc8: {  	_ =	task.clear_ibuf [dreg:s8], $0x2FFFF;
	_ =	strace $0x9FFFFFFF  }
0xc9: {  	(tm) =	ssettm $0x7FFFFFFF  }
tec
execute0_lowered:
.L_overlay_start_1:
0x0: {  	(tag) =	ssettag $0x1  }
0x1: {  	s0 =	rddreg [dreg:$0x0];
	s1 =	srdreg.scid  }
0x2: {  	s4 =	rddreg [dreg:$0x1];
	s2 =	stileid.u32  }
0x3: {  	s5 =	rddreg [dreg:$0x2];
	s12 =	simm.s32 $0xC380;
	s13 =	simm.s32 $0xEB80  }
0x4: {  	s14 =	simm.s32 $0xF380;
	s28 =	simm.s32 $0x14B80;
	s29 =	simm.s32 $0x15380  }
0x5: {  	s30 =	simm.s32 $0x15B80;
	s31 =	simm.s32 $0x16380;
	s1 =	sand.u32 $0x1, s1  }
0x6: {  	s3 =	sshll.u32 s2, $0x6;
	s2 =	simm.s32 $0x0;
	s8 =	sadd.s32 $0x21800, s5  }
0x7: {  	s15 =	sadd.s32 $0x21600, s5;
	s6 =	sshll.u32 s1, $0x5;
	[smem:$0x7FF] =	sst s2  }
0x8: {  	s1 =	ssub.s32 $0x2, s1;
	s6 =	sor.u32 s6, s3;
	_ =	strace $0x80000047  }
0x9: {  	[dreg:$0x4] =	wrdreg s15;
	s3 =	sadd.s32 $0x21C00, s5;
	s10 =	sshrl.u32 s1, $0x1  }
0xa: {  	s15 =	simm.s32 $0xFB80;
	s7 =	smul.u32 $0x300, s6;
	s16 =	sadd.s32 s4, s6  }
0xb: {  	s17 =	sadd.s32 s8, s6;
	s9 =	sor.u32 $0x8, s6;
	s11 =	sor.u32 $0x10, s6  }
0xc: {  	s1 =	ssub.s32 s1, s10;
	s6 =	sor.u32 $0x18, s6;
	[dreg:$0x6] =	wrdreg s16  }
0xd: {  	s10 =	simm.s32 $0xDB80;
	[dreg:$0x7] =	wrdreg s17;
	s18 =	sadd.s32 s4, s9  }
0xe: {  	s19 =	sadd.s32 s8, s9;
	s20 =	sadd.s32 s4, s11;
	s21 =	sadd.s32 s8, s11  }
0xf: {  	s4 =	sadd.s32 s4, s6;
	s22 =	smul.u32 $0x300, s9;
	[dreg:$0x8] =	wrdreg s18  }
0x10: {  	s23 =	sadd.s32 s8, s6;
	s24 =	smul.u32 $0x300, s11;
	[dreg:$0x9] =	wrdreg s19  }
0x11: {  	s6 =	smul.u32 $0x300, s6;
	s9 =	smax.u32 s1, $0x1;
	[dreg:$0xa] =	wrdreg s20  }
0x12: {  	s8 =	simm.s32 $0x5;
	s11 =	simm.s32 $0xE380;
	[dreg:$0xb] =	wrdreg s21  }
0x13: {  	s17 =	simm.s32 $0x10380;
	s7 =	sadd.s32 s0, s7;
	[dreg:$0xc] =	wrdreg s4  }
0x14: {  	[dreg:$0xd] =	wrdreg s23;
	s4 =	sadd.s32 $0x21D00, s5;
	s5 =	sadd.s32 $0x21E00, s5  }
0x15: {  	s18 =	simm.s32 $0x10B80;
	s19 =	simm.s32 $0x11380;
	s20 =	simm.s32 $0x11B80  }
0x16: {  	s21 =	simm.s32 $0x12380;
	[dreg:$0x5] =	wrdreg s7;
	s25 =	sadd.s32 s0, s22  }
0x17: {  	v2 =	vlaneseq.u32;
	s23 =	simm.s32 $0x13380;
	s26 =	sadd.s32 s0, s24;
	[dreg:$0xe] =	wrdreg s25  }
0x18: {  	vm0 =	vmmov $0xffff;
	v1 =	vshrl.u32 v2, $0x3;
	s0 =	sadd.s32 s0, s6;
	s6 =	simm.s32 $0x2;
	[dreg:$0xf] =	wrdreg s26  }
0x19: {  	v0 =	vand.u32 $0x7, v2;
	v2 =	vor.u32 $0x8, v2;
	v1 =	vmul.u32 $0x8, v1;
	s22 =	simm.s32 $0x12B80;
	[dreg:$0x10] =	wrdreg s0;
	s26 =	simm.s32 $0x14380  }
.LBB2_1:
0x1a: {  	s24 =	rddreg [dreg:$0x5];
	s0 =	simm.s32 $0x380  }
0x1b: {  	[tilespmem:s0], [sflag:$0x1] =	stream.linear.gather [hbm4b:s24+s2], $0xC000, $0x38;
	[tilespmem:$0x18380] =	vst v63  }
0x1c: {  	s25 =	rddreg [dreg:$0x4]  }
0x1d: {  	[tilespmem:s2], [sflag:$0x5] =	stream.linear.gather [hbm4b:s25+s2], $0x80, $0x38;
	[tilespmem:$0x18380] =	vst v63  }
0x1e: {  	_ =	swait.ge [sflag:s8], $0x80  }
0x1f: {  	[sflag:s8] =	ssyncset.done $0x0  }
0x20: {  	s0 =	simm.s32 $0x280;
	s1 =	rddreg [dreg:$0x6];
	[sflag:s8] =	ssyncadd.s32 $0xFFFFFF80  }
0x21: {  	v3 =	vld [tilespmem:$0x0];
	[tilespmem:s0], [sflag:$0x5] =	stream.linear.gather [hbm4b:s1+s2], $0x40, $0x38  }
0x22: {  	_ =	swait.ge [sflag:s8], $0x40  }
0x23: {  	[sflag:s8] =	ssyncset.done $0x0  }
0x24: {  	s1 =	simm.s32 $0x300;
	s7 =	rddreg [dreg:$0x7];
	[sflag:s8] =	ssyncadd.s32 $0xFFFFFFC0  }
0x25: {  	[tilespmem:s1], [sflag:$0x5] =	stream.linear.gather [hbm4b:s7+s2], $0x40, $0x38;
	[tilespmem:$0x18380] =	vst v63  }
0x26: {  	_ =	swait.ge [sflag:s8], $0x40  }
0x27: {  	[sflag:s8] =	ssyncset.done $0x0  }
0x28: {  	[sflag:s8] =	ssyncadd.s32 $0xFFFFFFC0  }
0x29: {  	v4 =	vld [tilespmem:$0x280]  }
0x2a: {  	v5 =	vld [tilespmem:$0x300]  }
0x2b: {  	v6 =	vld [tilespmem:$0x290]  }
0x2c: {  	v7 =	vld [tilespmem:$0x310]  }
0x2d: {  	v8 =	vld [tilespmem:$0x2A0]  }
0x2e: {  	v9 =	vld [tilespmem:$0x2B0]  }
0x2f: {  	v10 =	vld [tilespmem:$0x320]  }
0x30: {  	v11 =	vld [tilespmem:$0x330];
	v4 =	vperm.xlane v3, v4  }
0x31: {  	v6 =	vperm.xlane v3, v6  }
0x32: {  	v58 =	vperm.xlane v3, v8;
	v4 =	vadd.s32 v5, v4  }
0x33: {  	v60 =	vperm.xlane v3, v9;
	v59 =	vadd.s32 v7, v6;
	[tilespmem:$0x80] =	vst v4  }
0x34: {  	v61 =	vadd.s32 v10, v58;
	[tilespmem:$0x90] =	vst v59  }
0x35: {  	v62 =	vadd.s32 v11, v60;
	[tilespmem:$0xA0] =	vst v61  }
0x36: {  	s16 =	rddreg [dreg:$0x8];
	[tilespmem:$0xB0] =	vst v62  }
0x37: {  	[tilespmem:s0], [sflag:$0x5] =	stream.linear.gather [hbm4b:s16+s2], $0x40, $0x38;
	[tilespmem:$0x18380] =	vst v63  }
0x38: {  	_ =	swait.ge [sflag:s8], $0x40  }
0x39: {  	[sflag:s8] =	ssyncset.done $0x0  }
0x3a: {  	s25 =	rddreg [dreg:$0x9];
	[sflag:s8] =	ssyncadd.s32 $0xFFFFFFC0  }
0x3b: {  	[tilespmem:s1], [sflag:$0x5] =	stream.linear.gather [hbm4b:s25+s2], $0x40, $0x38;
	[tilespmem:$0x18380] =	vst v63  }
0x3c: {  	_ =	swait.ge [sflag:s8], $0x40  }
0x3d: {  	[sflag:s8] =	ssyncset.done $0x0  }
0x3e: {  	[sflag:s8] =	ssyncadd.s32 $0xFFFFFFC0  }
0x3f: {  	v63 =	vld [tilespmem:$0x280]  }
0x40: {  	v12 =	vld [tilespmem:$0x300]  }
0x41: {  	v13 =	vld [tilespmem:$0x290]  }
0x42: {  	v14 =	vld [tilespmem:$0x310]  }
0x43: {  	v15 =	vld [tilespmem:$0x2A0]  }
0x44: {  	v16 =	vld [tilespmem:$0x2B0]  }
0x45: {  	v17 =	vld [tilespmem:$0x320]  }
0x46: {  	v18 =	vld [tilespmem:$0x330];
	v4 =	vperm.xlane v3, v63  }
0x47: {  	v6 =	vperm.xlane v3, v13  }
0x48: {  	v19 =	vperm.xlane v3, v15;
	v4 =	vadd.s32 v12, v4  }
0x49: {  	v21 =	vperm.xlane v3, v16;
	v20 =	vadd.s32 v14, v6;
	[tilespmem:$0x100] =	vst v4  }
0x4a: {  	v22 =	vadd.s32 v17, v19;
	[tilespmem:$0x110] =	vst v20  }
0x4b: {  	v23 =	vadd.s32 v18, v21;
	[tilespmem:$0x120] =	vst v22  }
0x4c: {  	s7 =	rddreg [dreg:$0xa];
	[tilespmem:$0x130] =	vst v23  }
0x4d: {  	[tilespmem:s0], [sflag:$0x5] =	stream.linear.gather [hbm4b:s7+s2], $0x40, $0x38;
	[tilespmem:$0x18380] =	vst v63  }
0x4e: {  	_ =	swait.ge [sflag:s8], $0x40  }
0x4f: {  	[sflag:s8] =	ssyncset.done $0x0  }
0x50: {  	s16 =	rddreg [dreg:$0xb];
	[sflag:s8] =	ssyncadd.s32 $0xFFFFFFC0  }
0x51: {  	[tilespmem:s1], [sflag:$0x5] =	stream.linear.gather [hbm4b:s16+s2], $0x40, $0x38;
	[tilespmem:$0x18380] =	vst v63  }
0x52: {  	_ =	swait.ge [sflag:s8], $0x40  }
0x53: {  	[sflag:s8] =	ssyncset.done $0x0  }
0x54: {  	[sflag:s8] =	ssyncadd.s32 $0xFFFFFFC0  }
0x55: {  	v24 =	vld [tilespmem:$0x280]  }
0x56: {  	v25 =	vld [tilespmem:$0x300]  }
0x57: {  	v26 =	vld [tilespmem:$0x290]  }
0x58: {  	v27 =	vld [tilespmem:$0x310]  }
0x59: {  	v28 =	vld [tilespmem:$0x2A0]  }
0x5a: {  	v29 =	vld [tilespmem:$0x2B0]  }
0x5b: {  	v30 =	vld [tilespmem:$0x320]  }
0x5c: {  	v31 =	vld [tilespmem:$0x330];
	v4 =	vperm.xlane v3, v24  }
0x5d: {  	v6 =	vperm.xlane v3, v26  }
0x5e: {  	v32 =	vperm.xlane v3, v28;
	v4 =	vadd.s32 v25, v4  }
0x5f: {  	v34 =	vperm.xlane v3, v29;
	v33 =	vadd.s32 v27, v6;
	[tilespmem:$0x180] =	vst v4  }
0x60: {  	v35 =	vadd.s32 v30, v32;
	[tilespmem:$0x190] =	vst v33  }
0x61: {  	v36 =	vadd.s32 v31, v34;
	[tilespmem:$0x1A0] =	vst v35  }
0x62: {  	s25 =	rddreg [dreg:$0xc];
	[tilespmem:$0x1B0] =	vst v36  }
0x63: {  	[tilespmem:s0], [sflag:$0x5] =	stream.linear.gather [hbm4b:s25+s2], $0x40, $0x38;
	[tilespmem:$0x18380] =	vst v63  }
0x64: {  	_ =	swait.ge [sflag:s8], $0x40  }
0x65: {  	[sflag:s8] =	ssyncset.done $0x0  }
0x66: {  	s7 =	rddreg [dreg:$0xd];
	[sflag:s8] =	ssyncadd.s32 $0xFFFFFFC0  }
0x67: {  	[tilespmem:s1], [sflag:$0x5] =	stream.linear.gather [hbm4b:s7+s2], $0x40, $0x38;
	[tilespmem:$0x18380] =	vst v63  }
0x68: {  	_ =	swait.ge [sflag:s8], $0x40  }
0x69: {  	[sflag:s8] =	ssyncset.done $0x0  }
0x6a: {  	[sflag:s8] =	ssyncadd.s32 $0xFFFFFFC0  }
0x6b: {  	v37 =	vld [tilespmem:$0x280]  }
0x6c: {  	v38 =	vld [tilespmem:$0x300]  }
0x6d: {  	v39 =	vld [tilespmem:$0x290]  }
0x6e: {  	v40 =	vld [tilespmem:$0x310]  }
0x6f: {  	v41 =	vld [tilespmem:$0x2A0]  }
0x70: {  	v42 =	vld [tilespmem:$0x2B0]  }
0x71: {  	v43 =	vld [tilespmem:$0x320]  }
0x72: {  	v44 =	vld [tilespmem:$0x330];
	v4 =	vperm.xlane v3, v37  }
0x73: {  	v6 =	vperm.xlane v3, v39  }
0x74: {  	v45 =	vperm.xlane v3, v41;
	v4 =	vadd.s32 v38, v4  }
0x75: {  	v3 =	vperm.xlane v3, v42;
	v46 =	vadd.s32 v40, v6;
	[tilespmem:$0x200] =	vst v4  }
0x76: {  	v47 =	vadd.s32 v43, v45;
	[tilespmem:$0x210] =	vst v46  }
0x77: {  	v3 =	vadd.s32 v44, v3;
	[tilespmem:$0x220] =	vst v47  }
0x78: {  	s16 =	rddreg [dreg:$0xe];
	[tilespmem:$0x230] =	vst v3  }
0x79: {  	[tilespmem:s12], [sflag:$0x2] =	stream.linear.gather [hbm4b:s16+s2], $0xC000, $0x38;
	[tilespmem:$0x18380] =	vst v63  }
0x7a: {  	s16 =	simm.s32 $0x1  }
0x7b: {  	_ =	swait.ge [sflag:s16], $0xC000  }
0x7c: {  	[sflag:s16] =	ssyncset.done $0x0  }
0x7d: {  	[sflag:s16] =	ssyncadd.s32 $0xFFFF4000  }
0x7e: {  	v3 =	vld [tilespmem:$0x80];
	_ =	sdelay $0x4  }
0x7f: {  	v48 =	vshrl.u32 v3, $0x3  }
0x80: {  	v4 =	vmul.u32 $0x30, v48  }
0x81: {  	v3 =	vand.u32 $0x7, v3  }
0x82: {  	v3 =	vor.u32 v3, v4  }
0x83: {  	v4 =	vperm.xlane v3, v0;
	_ =	sdelay $0x1  }
0x84: {  	v4 =	vadd.s32 v1, v4;
	_ =	sdelay $0x3  }
0x85: {  	s1 =	simm.s32 $0x380;
	v3 =	vperm.xlane v3, v2  }
0x86: {  	[hbm4b:s3+s2] =	stream.indirect_vreg.scatter [tilespmem:s1], [sflag:$0x3], $0x80, v4, vm0, $0xb8;
	[tilespmem:$0x18380] =	vst v63  }
0x87: {  	s24 =	simm.s32 $0xB80;
	v3 =	vadd.s32 v1, v3  }
0x88: {  	[hbm4b:s4+s2] =	stream.indirect_vreg.scatter [tilespmem:s24], [sflag:$0x3], $0x80, v4, vm0, $0xb8;
	[tilespmem:$0x18380] =	vst v63  }
0x89: {  	s25 =	simm.s32 $0x1380  }
0x8a: {  	[hbm4b:s5+s2] =	stream.indirect_vreg.scatter [tilespmem:s25], [sflag:$0x3], $0x80, v4, vm0, $0xb8;
	[tilespmem:$0x18380] =	vst v63  }
0x8b: {  	s7 =	simm.s32 $0x1B80  }
0x8c: {  	[hbm4b:s3+s2] =	stream.indirect_vreg.scatter [tilespmem:s7], [sflag:$0x3], $0x80, v3, vm0, $0xb8;
	[tilespmem:$0x18380] =	vst v63  }
0x8d: {  	s24 =	simm.s32 $0x2380  }
0x8e: {  	[hbm4b:s4+s2] =	stream.indirect_vreg.scatter [tilespmem:s24], [sflag:$0x3], $0x80, v3, vm0, $0xb8;
	[tilespmem:$0x18380] =	vst v63  }
0x8f: {  	s25 =	simm.s32 $0x2B80  }
0x90: {  	[hbm4b:s5+s2] =	stream.indirect_vreg.scatter [tilespmem:s25], [sflag:$0x3], $0x80, v3, vm0, $0xb8;
	[tilespmem:$0x18380] =	vst v63  }
0x91: {  	v3 =	vld [tilespmem:$0x90];
	_ =	sdelay $0x4  }
0x92: {  	v49 =	vshrl.u32 v3, $0x3  }
0x93: {  	v4 =	vmul.u32 $0x30, v49  }
0x94: {  	v3 =	vand.u32 $0x7, v3  }
0x95: {  	v3 =	vor.u32 v3, v4  }
0x96: {  	v4 =	vperm.xlane v3, v0;
	_ =	sdelay $0x1  }
0x97: {  	v4 =	vadd.s32 v1, v4;
	_ =	sdelay $0x3  }
0x98: {  	s7 =	simm.s32 $0x3380;
	v3 =	vperm.xlane v3, v2  }
0x99: {  	[hbm4b:s3+s2] =	stream.indirect_vreg.scatter [tilespmem:s7], [sflag:$0x3], $0x80, v4, vm0, $0xb8;
	[tilespmem:$0x18380] =	vst v63  }
0x9a: {  	s24 =	simm.s32 $0x3B80;
	v3 =	vadd.s32 v1, v3  }
0x9b: {  	[hbm4b:s4+s2] =	stream.indirect_vreg.scatter [tilespmem:s24], [sflag:$0x3], $0x80, v4, vm0, $0xb8;
	[tilespmem:$0x18380] =	vst v63  }
0x9c: {  	s25 =	simm.s32 $0x4380  }
0x9d: {  	[hbm4b:s5+s2] =	stream.indirect_vreg.scatter [tilespmem:s25], [sflag:$0x3], $0x80, v4, vm0, $0xb8;
	[tilespmem:$0x18380] =	vst v63  }
0x9e: {  	s7 =	simm.s32 $0x4B80  }
0x9f: {  	[hbm4b:s3+s2] =	stream.indirect_vreg.scatter [tilespmem:s7], [sflag:$0x3], $0x80, v3, vm0, $0xb8;
	[tilespmem:$0x18380] =	vst v63  }
0xa0: {  	s24 =	simm.s32 $0x5380  }
0xa1: {  	[hbm4b:s4+s2] =	stream.indirect_vreg.scatter [tilespmem:s24], [sflag:$0x3], $0x80, v3, vm0, $0xb8;
	[tilespmem:$0x18380] =	vst v63  }
0xa2: {  	s25 =	simm.s32 $0x5B80  }
0xa3: {  	[hbm4b:s5+s2] =	stream.indirect_vreg.scatter [tilespmem:s25], [sflag:$0x3], $0x80, v3, vm0, $0xb8;
	[tilespmem:$0x18380] =	vst v63  }
0xa4: {  	v3 =	vld [tilespmem:$0xA0];
	_ =	sdelay $0x4  }
0xa5: {  	v50 =	vshrl.u32 v3, $0x3  }
0xa6: {  	v4 =	vmul.u32 $0x30, v50  }
0xa7: {  	v3 =	vand.u32 $0x7, v3  }
0xa8: {  	v3 =	vor.u32 v3, v4  }
0xa9: {  	v4 =	vperm.xlane v3, v0;
	_ =	sdelay $0x1  }
0xaa: {  	v4 =	vadd.s32 v1, v4;
	_ =	sdelay $0x3  }
0xab: {  	s7 =	simm.s32 $0x6380;
	v3 =	vperm.xlane v3, v2  }
0xac: {  	[hbm4b:s3+s2] =	stream.indirect_vreg.scatter [tilespmem:s7], [sflag:$0x3], $0x80, v4, vm0, $0xb8;
	[tilespmem:$0x18380] =	vst v63  }
0xad: {  	s24 =	simm.s32 $0x6B80;
	v3 =	vadd.s32 v1, v3  }
0xae: {  	[hbm4b:s4+s2] =	stream.indirect_vreg.scatter [tilespmem:s24], [sflag:$0x3], $0x80, v4, vm0, $0xb8;
	[tilespmem:$0x18380] =	vst v63  }
0xaf: {  	s25 =	simm.s32 $0x7380  }
0xb0: {  	[hbm4b:s5+s2] =	stream.indirect_vreg.scatter [tilespmem:s25], [sflag:$0x3], $0x80, v4, vm0, $0xb8;
	[tilespmem:$0x18380] =	vst v63  }
0xb1: {  	s7 =	simm.s32 $0x7B80  }
0xb2: {  	[hbm4b:s3+s2] =	stream.indirect_vreg.scatter [tilespmem:s7], [sflag:$0x3], $0x80, v3, vm0, $0xb8;
	[tilespmem:$0x18380] =	vst v63  }
0xb3: {  	s24 =	simm.s32 $0x8380  }
0xb4: {  	[hbm4b:s4+s2] =	stream.indirect_vreg.scatter [tilespmem:s24], [sflag:$0x3], $0x80, v3, vm0, $0xb8;
	[tilespmem:$0x18380] =	vst v63  }
0xb5: {  	s25 =	simm.s32 $0x8B80  }
0xb6: {  	[hbm4b:s5+s2] =	stream.indirect_vreg.scatter [tilespmem:s25], [sflag:$0x3], $0x80, v3, vm0, $0xb8;
	[tilespmem:$0x18380] =	vst v63  }
0xb7: {  	v3 =	vld [tilespmem:$0xB0];
	_ =	sdelay $0x4  }
0xb8: {  	v51 =	vshrl.u32 v3, $0x3  }
0xb9: {  	v4 =	vmul.u32 $0x30, v51  }
0xba: {  	v3 =	vand.u32 $0x7, v3  }
0xbb: {  	v3 =	vor.u32 v3, v4  }
0xbc: {  	v4 =	vperm.xlane v3, v0;
	_ =	sdelay $0x1  }
0xbd: {  	v4 =	vadd.s32 v1, v4;
	_ =	sdelay $0x3  }
0xbe: {  	s7 =	simm.s32 $0x9380;
	v3 =	vperm.xlane v3, v2  }
0xbf: {  	[hbm4b:s3+s2] =	stream.indirect_vreg.scatter [tilespmem:s7], [sflag:$0x3], $0x80, v4, vm0, $0xb8;
	[tilespmem:$0x18380] =	vst v63  }
0xc0: {  	s24 =	simm.s32 $0x9B80;
	v3 =	vadd.s32 v1, v3  }
0xc1: {  	[hbm4b:s4+s2] =	stream.indirect_vreg.scatter [tilespmem:s24], [sflag:$0x3], $0x80, v4, vm0, $0xb8;
	[tilespmem:$0x18380] =	vst v63  }
0xc2: {  	s25 =	simm.s32 $0xA380  }
0xc3: {  	[hbm4b:s5+s2] =	stream.indirect_vreg.scatter [tilespmem:s25], [sflag:$0x3], $0x80, v4, vm0, $0xb8;
	[tilespmem:$0x18380] =	vst v63  }
0xc4: {  	s7 =	simm.s32 $0xAB80  }
0xc5: {  	[hbm4b:s3+s2] =	stream.indirect_vreg.scatter [tilespmem:s7], [sflag:$0x3], $0x80, v3, vm0, $0xb8;
	[tilespmem:$0x18380] =	vst v63  }
0xc6: {  	s24 =	simm.s32 $0xB380  }
0xc7: {  	[hbm4b:s4+s2] =	stream.indirect_vreg.scatter [tilespmem:s24], [sflag:$0x3], $0x80, v3, vm0, $0xb8;
	[tilespmem:$0x18380] =	vst v63  }
0xc8: {  	s0 =	simm.s32 $0x3;
	s25 =	simm.s32 $0xBB80  }
0xc9: {  	[hbm4b:s5+s2] =	stream.indirect_vreg.scatter [tilespmem:s25], [sflag:$0x3], $0x80, v3, vm0, $0xb8;
	[tilespmem:$0x18380] =	vst v63  }
0xca: {  	_ =	swait.ge [sflag:s0], $0xC000  }
0xcb: {  	[sflag:s0] =	ssyncset.done $0x0  }
0xcc: {  	s7 =	rddreg [dreg:$0xf];
	[sflag:s0] =	ssyncadd.s32 $0xFFFF4000  }
0xcd: {  	[tilespmem:s1], [sflag:$0x1] =	stream.linear.gather [hbm4b:s7+s2], $0xC000, $0x38;
	[tilespmem:$0x18380] =	vst v63  }
0xce: {  	_ =	swait.ge [sflag:s6], $0xC000  }
0xcf: {  	[sflag:s6] =	ssyncset.done $0x0  }
0xd0: {  	[sflag:s6] =	ssyncadd.s32 $0xFFFF4000  }
0xd1: {  	v3 =	vld [tilespmem:$0x100];
	_ =	sdelay $0x4  }
0xd2: {  	v52 =	vshrl.u32 v3, $0x3  }
0xd3: {  	v4 =	vmul.u32 $0x30, v52  }
0xd4: {  	v3 =	vand.u32 $0x7, v3  }
0xd5: {  	v3 =	vor.u32 v3, v4  }
0xd6: {  	v4 =	vperm.xlane v3, v0;
	_ =	sdelay $0x1  }
0xd7: {  	v4 =	vadd.s32 v1, v4;
	_ =	sdelay $0x3  }
0xd8: {  	v3 =	vperm.xlane v3, v2  }
0xd9: {  	[hbm4b:s3+s2] =	stream.indirect_vreg.scatter [tilespmem:s12], [sflag:$0x4], $0x80, v4, vm0, $0xb8;
	[tilespmem:$0x18380] =	vst v63  }
0xda: {  	s1 =	simm.s32 $0xCB80;
	v3 =	vadd.s32 v1, v3  }
0xdb: {  	[hbm4b:s4+s2] =	stream.indirect_vreg.scatter [tilespmem:s1], [sflag:$0x4], $0x80, v4, vm0, $0xb8;
	[tilespmem:$0x18380] =	vst v63  }
0xdc: {  	s7 =	simm.s32 $0xD380  }
0xdd: {  	[hbm4b:s5+s2] =	stream.indirect_vreg.scatter [tilespmem:s7], [sflag:$0x4], $0x80, v4, vm0, $0xb8;
	[tilespmem:$0x18380] =	vst v63  }
0xde: {  	_ = 	snop  }
0xdf: {  	[hbm4b:s3+s2] =	stream.indirect_vreg.scatter [tilespmem:s10], [sflag:$0x4], $0x80, v3, vm0, $0xb8;
	[tilespmem:$0x18380] =	vst v63  }
0xe0: {  	_ = 	snop  }
0xe1: {  	[hbm4b:s4+s2] =	stream.indirect_vreg.scatter [tilespmem:s11], [sflag:$0x4], $0x80, v3, vm0, $0xb8;
	[tilespmem:$0x18380] =	vst v63  }
0xe2: {  	_ = 	snop  }
0xe3: {  	[hbm4b:s5+s2] =	stream.indirect_vreg.scatter [tilespmem:s13], [sflag:$0x4], $0x80, v3, vm0, $0xb8;
	[tilespmem:$0x18380] =	vst v63  }
0xe4: {  	v3 =	vld [tilespmem:$0x110];
	_ =	sdelay $0x4  }
0xe5: {  	v53 =	vshrl.u32 v3, $0x3  }
0xe6: {  	v4 =	vmul.u32 $0x30, v53  }
0xe7: {  	v3 =	vand.u32 $0x7, v3  }
0xe8: {  	v3 =	vor.u32 v3, v4  }
0xe9: {  	v4 =	vperm.xlane v3, v0;
	_ =	sdelay $0x1  }
0xea: {  	v4 =	vadd.s32 v1, v4;
	_ =	sdelay $0x3  }
0xeb: {  	v3 =	vperm.xlane v3, v2  }
0xec: {  	[hbm4b:s3+s2] =	stream.indirect_vreg.scatter [tilespmem:s14], [sflag:$0x4], $0x80, v4, vm0, $0xb8;
	[tilespmem:$0x18380] =	vst v63  }
0xed: {  	v3 =	vadd.s32 v1, v3  }
0xee: {  	[hbm4b:s4+s2] =	stream.indirect_vreg.scatter [tilespmem:s15], [sflag:$0x4], $0x80, v4, vm0, $0xb8;
	[tilespmem:$0x18380] =	vst v63  }
0xef: {  	_ = 	snop  }
0xf0: {  	[hbm4b:s5+s2] =	stream.indirect_vreg.scatter [tilespmem:s17], [sflag:$0x4], $0x80, v4, vm0, $0xb8;
	[tilespmem:$0x18380] =	vst v63  }
0xf1: {  	_ = 	snop  }
0xf2: {  	[hbm4b:s3+s2] =	stream.indirect_vreg.scatter [tilespmem:s18], [sflag:$0x4], $0x80, v3, vm0, $0xb8;
	[tilespmem:$0x18380] =	vst v63  }
0xf3: {  	_ = 	snop  }
0xf4: {  	[hbm4b:s4+s2] =	stream.indirect_vreg.scatter [tilespmem:s19], [sflag:$0x4], $0x80, v3, vm0, $0xb8;
	[tilespmem:$0x18380] =	vst v63  }
0xf5: {  	_ = 	snop  }
0xf6: {  	[hbm4b:s5+s2] =	stream.indirect_vreg.scatter [tilespmem:s20], [sflag:$0x4], $0x80, v3, vm0, $0xb8;
	[tilespmem:$0x18380] =	vst v63  }
0xf7: {  	v3 =	vld [tilespmem:$0x120];
	_ =	sdelay $0x4  }
0xf8: {  	v54 =	vshrl.u32 v3, $0x3  }
0xf9: {  	v4 =	vmul.u32 $0x30, v54  }
0xfa: {  	v3 =	vand.u32 $0x7, v3  }
0xfb: {  	v3 =	vor.u32 v3, v4  }
0xfc: {  	v4 =	vperm.xlane v3, v0;
	_ =	sdelay $0x1  }
0xfd: {  	v4 =	vadd.s32 v1, v4;
	_ =	sdelay $0x3  }
0xfe: {  	v3 =	vperm.xlane v3, v2  }
0xff: {  	[hbm4b:s3+s2] =	stream.indirect_vreg.scatter [tilespmem:s21], [sflag:$0x4], $0x80, v4, vm0, $0xb8;
	[tilespmem:$0x18380] =	vst v63  }
0x100: {  	v3 =	vadd.s32 v1, v3  }
0x101: {  	[hbm4b:s4+s2] =	stream.indirect_vreg.scatter [tilespmem:s22], [sflag:$0x4], $0x80, v4, vm0, $0xb8;
	[tilespmem:$0x18380] =	vst v63  }
0x102: {  	_ = 	snop  }
0x103: {  	[hbm4b:s5+s2] =	stream.indirect_vreg.scatter [tilespmem:s23], [sflag:$0x4], $0x80, v4, vm0, $0xb8;
	[tilespmem:$0x18380] =	vst v63  }
0x104: {  	s25 =	simm.s32 $0x13B80  }
0x105: {  	[hbm4b:s3+s2] =	stream.indirect_vreg.scatter [tilespmem:s25], [sflag:$0x4], $0x80, v3, vm0, $0xb8;
	[tilespmem:$0x18380] =	vst v63  }
0x106: {  	_ = 	snop  }
0x107: {  	[hbm4b:s4+s2] =	stream.indirect_vreg.scatter [tilespmem:s26], [sflag:$0x4], $0x80, v3, vm0, $0xb8;
	[tilespmem:$0x18380] =	vst v63  }
0x108: {  	_ = 	snop  }
0x109: {  	[hbm4b:s5+s2] =	stream.indirect_vreg.scatter [tilespmem:s28], [sflag:$0x4], $0x80, v3, vm0, $0xb8;
	[tilespmem:$0x18380] =	vst v63  }
0x10a: {  	v3 =	vld [tilespmem:$0x130];
	_ =	sdelay $0x4  }
0x10b: {  	v55 =	vshrl.u32 v3, $0x3  }
0x10c: {  	v4 =	vmul.u32 $0x30, v55  }
0x10d: {  	v3 =	vand.u32 $0x7, v3  }
0x10e: {  	v3 =	vor.u32 v3, v4  }
0x10f: {  	v4 =	vperm.xlane v3, v0;
	_ =	sdelay $0x1  }
0x110: {  	v4 =	vadd.s32 v1, v4;
	_ =	sdelay $0x3  }
0x111: {  	v3 =	vperm.xlane v3, v2  }
0x112: {  	[hbm4b:s3+s2] =	stream.indirect_vreg.scatter [tilespmem:s29], [sflag:$0x4], $0x80, v4, vm0, $0xb8;
	[tilespmem:$0x18380] =	vst v63  }
0x113: {  	v3 =	vadd.s32 v1, v3  }
0x114: {  	[hbm4b:s4+s2] =	stream.indirect_vreg.scatter [tilespmem:s30], [sflag:$0x4], $0x80, v4, vm0, $0xb8;
	[tilespmem:$0x18380] =	vst v63  }
0x115: {  	_ = 	snop  }
0x116: {  	[hbm4b:s5+s2] =	stream.indirect_vreg.scatter [tilespmem:s31], [sflag:$0x4], $0x80, v4, vm0, $0xb8;
	[tilespmem:$0x18380] =	vst v63  }
0x117: {  	s24 =	simm.s32 $0x16B80  }
0x118: {  	[hbm4b:s3+s2] =	stream.indirect_vreg.scatter [tilespmem:s24], [sflag:$0x4], $0x80, v3, vm0, $0xb8;
	[tilespmem:$0x18380] =	vst v63  }
0x119: {  	s24 =	simm.s32 $0x17380  }
0x11a: {  	[hbm4b:s4+s2] =	stream.indirect_vreg.scatter [tilespmem:s24], [sflag:$0x4], $0x80, v3, vm0, $0xb8;
	[tilespmem:$0x18380] =	vst v63  }
0x11b: {  	s7 =	simm.s32 $0x4;
	s24 =	simm.s32 $0x17B80  }
0x11c: {  	[hbm4b:s5+s2] =	stream.indirect_vreg.scatter [tilespmem:s24], [sflag:$0x4], $0x80, v3, vm0, $0xb8;
	[tilespmem:$0x18380] =	vst v63  }
0x11d: {  	_ =	swait.ge [sflag:s7], $0xC000  }
0x11e: {  	[sflag:s7] =	ssyncset.done $0x0  }
0x11f: {  	s24 =	rddreg [dreg:$0x10];
	[sflag:s7] =	ssyncadd.s32 $0xFFFF4000  }
0x120: {  	[tilespmem:s12], [sflag:$0x2] =	stream.linear.gather [hbm4b:s24+s2], $0xC000, $0x38;
	[tilespmem:$0x18380] =	vst v63  }
0x121: {  	_ =	swait.ge [sflag:s16], $0xC000  }
0x122: {  	[sflag:s16] =	ssyncset.done $0x0  }
0x123: {  	[sflag:s16] =	ssyncadd.s32 $0xFFFF4000  }
0x124: {  	v3 =	vld [tilespmem:$0x180];
	_ =	sdelay $0x4  }
0x125: {  	v56 =	vshrl.u32 v3, $0x3  }
0x126: {  	v4 =	vmul.u32 $0x30, v56  }
0x127: {  	v3 =	vand.u32 $0x7, v3  }
0x128: {  	v3 =	vor.u32 v3, v4  }
0x129: {  	v4 =	vperm.xlane v3, v0;
	_ =	sdelay $0x1  }
0x12a: {  	v4 =	vadd.s32 v1, v4;
	_ =	sdelay $0x3  }
0x12b: {  	s24 =	simm.s32 $0x380;
	v3 =	vperm.xlane v3, v2  }
0x12c: {  	[hbm4b:s3+s2] =	stream.indirect_vreg.scatter [tilespmem:s24], [sflag:$0x3], $0x80, v4, vm0, $0xb8;
	[tilespmem:$0x18380] =	vst v63  }
0x12d: {  	v3 =	vadd.s32 v1, v3;
	s24 =	simm.s32 $0xB80  }
0x12e: {  	[hbm4b:s4+s2] =	stream.indirect_vreg.scatter [tilespmem:s24], [sflag:$0x3], $0x80, v4, vm0, $0xb8;
	[tilespmem:$0x18380] =	vst v63  }
0x12f: {  	s24 =	simm.s32 $0x1380  }
0x130: {  	[hbm4b:s5+s2] =	stream.indirect_vreg.scatter [tilespmem:s24], [sflag:$0x3], $0x80, v4, vm0, $0xb8;
	[tilespmem:$0x18380] =	vst v63  }
0x131: {  	s24 =	simm.s32 $0x1B80  }
0x132: {  	[hbm4b:s3+s2] =	stream.indirect_vreg.scatter [tilespmem:s24], [sflag:$0x3], $0x80, v3, vm0, $0xb8;
	[tilespmem:$0x18380] =	vst v63  }
0x133: {  	s24 =	simm.s32 $0x2380  }
0x134: {  	[hbm4b:s4+s2] =	stream.indirect_vreg.scatter [tilespmem:s24], [sflag:$0x3], $0x80, v3, vm0, $0xb8;
	[tilespmem:$0x18380] =	vst v63  }
0x135: {  	s24 =	simm.s32 $0x2B80  }
0x136: {  	[hbm4b:s5+s2] =	stream.indirect_vreg.scatter [tilespmem:s24], [sflag:$0x3], $0x80, v3, vm0, $0xb8;
	[tilespmem:$0x18380] =	vst v63  }
0x137: {  	v3 =	vld [tilespmem:$0x190];
	_ =	sdelay $0x4  }
0x138: {  	v57 =	vshrl.u32 v3, $0x3  }
0x139: {  	v4 =	vmul.u32 $0x30, v57  }
0x13a: {  	v3 =	vand.u32 $0x7, v3  }
0x13b: {  	v3 =	vor.u32 v3, v4  }
0x13c: {  	v4 =	vperm.xlane v3, v0;
	_ =	sdelay $0x1  }
0x13d: {  	v4 =	vadd.s32 v1, v4;
	_ =	sdelay $0x3  }
0x13e: {  	s24 =	simm.s32 $0x3380;
	v3 =	vperm.xlane v3, v2  }
0x13f: {  	[hbm4b:s3+s2] =	stream.indirect_vreg.scatter [tilespmem:s24], [sflag:$0x3], $0x80, v4, vm0, $0xb8;
	[tilespmem:$0x18380] =	vst v63  }
0x140: {  	v3 =	vadd.s32 v1, v3;
	s24 =	simm.s32 $0x3B80  }
0x141: {  	[hbm4b:s4+s2] =	stream.indirect_vreg.scatter [tilespmem:s24], [sflag:$0x3], $0x80, v4, vm0, $0xb8;
	[tilespmem:$0x18380] =	vst v63  }
0x142: {  	s24 =	simm.s32 $0x4380  }
0x143: {  	[hbm4b:s5+s2] =	stream.indirect_vreg.scatter [tilespmem:s24], [sflag:$0x3], $0x80, v4, vm0, $0xb8;
	[tilespmem:$0x18380] =	vst v63  }
0x144: {  	s24 =	simm.s32 $0x4B80  }
0x145: {  	[hbm4b:s3+s2] =	stream.indirect_vreg.scatter [tilespmem:s24], [sflag:$0x3], $0x80, v3, vm0, $0xb8;
	[tilespmem:$0x18380] =	vst v63  }
0x146: {  	s24 =	simm.s32 $0x5380  }
0x147: {  	[hbm4b:s4+s2] =	stream.indirect_vreg.scatter [tilespmem:s24], [sflag:$0x3], $0x80, v3, vm0, $0xb8;
	[tilespmem:$0x18380] =	vst v63  }
0x148: {  	s24 =	simm.s32 $0x5B80  }
0x149: {  	[hbm4b:s5+s2] =	stream.indirect_vreg.scatter [tilespmem:s24], [sflag:$0x3], $0x80, v3, vm0, $0xb8;
	[tilespmem:$0x18380] =	vst v63  }
0x14a: {  	v3 =	vld [tilespmem:$0x1A0];
	_ =	sdelay $0x4  }
0x14b: {  	v58 =	vshrl.u32 v3, $0x3  }
0x14c: {  	v4 =	vmul.u32 $0x30, v58  }
0x14d: {  	v3 =	vand.u32 $0x7, v3  }
0x14e: {  	v3 =	vor.u32 v3, v4  }
0x14f: {  	v4 =	vperm.xlane v3, v0;
	_ =	sdelay $0x1  }
0x150: {  	v4 =	vadd.s32 v1, v4;
	_ =	sdelay $0x3  }
0x151: {  	s24 =	simm.s32 $0x6380;
	v3 =	vperm.xlane v3, v2  }
0x152: {  	[hbm4b:s3+s2] =	stream.indirect_vreg.scatter [tilespmem:s24], [sflag:$0x3], $0x80, v4, vm0, $0xb8;
	[tilespmem:$0x18380] =	vst v63  }
0x153: {  	v3 =	vadd.s32 v1, v3;
	s24 =	simm.s32 $0x6B80  }
0x154: {  	[hbm4b:s4+s2] =	stream.indirect_vreg.scatter [tilespmem:s24], [sflag:$0x3], $0x80, v4, vm0, $0xb8;
	[tilespmem:$0x18380] =	vst v63  }
0x155: {  	s24 =	simm.s32 $0x7380  }
0x156: {  	[hbm4b:s5+s2] =	stream.indirect_vreg.scatter [tilespmem:s24], [sflag:$0x3], $0x80, v4, vm0, $0xb8;
	[tilespmem:$0x18380] =	vst v63  }
0x157: {  	s24 =	simm.s32 $0x7B80  }
0x158: {  	[hbm4b:s3+s2] =	stream.indirect_vreg.scatter [tilespmem:s24], [sflag:$0x3], $0x80, v3, vm0, $0xb8;
	[tilespmem:$0x18380] =	vst v63  }
0x159: {  	s24 =	simm.s32 $0x8380  }
0x15a: {  	[hbm4b:s4+s2] =	stream.indirect_vreg.scatter [tilespmem:s24], [sflag:$0x3], $0x80, v3, vm0, $0xb8;
	[tilespmem:$0x18380] =	vst v63  }
0x15b: {  	s24 =	simm.s32 $0x8B80  }
0x15c: {  	[hbm4b:s5+s2] =	stream.indirect_vreg.scatter [tilespmem:s24], [sflag:$0x3], $0x80, v3, vm0, $0xb8;
	[tilespmem:$0x18380] =	vst v63  }
0x15d: {  	v3 =	vld [tilespmem:$0x1B0];
	_ =	sdelay $0x4  }
0x15e: {  	v59 =	vshrl.u32 v3, $0x3  }
0x15f: {  	v4 =	vmul.u32 $0x30, v59  }
0x160: {  	v3 =	vand.u32 $0x7, v3  }
0x161: {  	v3 =	vor.u32 v3, v4  }
0x162: {  	v4 =	vperm.xlane v3, v0;
	_ =	sdelay $0x1  }
0x163: {  	v4 =	vadd.s32 v1, v4;
	_ =	sdelay $0x3  }
0x164: {  	s24 =	simm.s32 $0x9380;
	v3 =	vperm.xlane v3, v2  }
0x165: {  	[hbm4b:s3+s2] =	stream.indirect_vreg.scatter [tilespmem:s24], [sflag:$0x3], $0x80, v4, vm0, $0xb8;
	[tilespmem:$0x18380] =	vst v63  }
0x166: {  	v3 =	vadd.s32 v1, v3;
	s24 =	simm.s32 $0x9B80  }
0x167: {  	[hbm4b:s4+s2] =	stream.indirect_vreg.scatter [tilespmem:s24], [sflag:$0x3], $0x80, v4, vm0, $0xb8;
	[tilespmem:$0x18380] =	vst v63  }
0x168: {  	s24 =	simm.s32 $0xA380  }
0x169: {  	[hbm4b:s5+s2] =	stream.indirect_vreg.scatter [tilespmem:s24], [sflag:$0x3], $0x80, v4, vm0, $0xb8;
	[tilespmem:$0x18380] =	vst v63  }
0x16a: {  	s24 =	simm.s32 $0xAB80  }
0x16b: {  	[hbm4b:s3+s2] =	stream.indirect_vreg.scatter [tilespmem:s24], [sflag:$0x3], $0x80, v3, vm0, $0xb8;
	[tilespmem:$0x18380] =	vst v63  }
0x16c: {  	s24 =	simm.s32 $0xB380  }
0x16d: {  	[hbm4b:s4+s2] =	stream.indirect_vreg.scatter [tilespmem:s24], [sflag:$0x3], $0x80, v3, vm0, $0xb8;
	[tilespmem:$0x18380] =	vst v63  }
0x16e: {  	s24 =	simm.s32 $0xBB80  }
0x16f: {  	[hbm4b:s5+s2] =	stream.indirect_vreg.scatter [tilespmem:s24], [sflag:$0x3], $0x80, v3, vm0, $0xb8;
	[tilespmem:$0x18380] =	vst v63  }
0x170: {  	_ =	swait.ge [sflag:s6], $0xC000  }
0x171: {  	[sflag:s6] =	ssyncset.done $0x0  }
0x172: {  	[sflag:s6] =	ssyncadd.s32 $0xFFFF4000  }
0x173: {  	v3 =	vld [tilespmem:$0x200];
	_ =	sdelay $0x4  }
0x174: {  	v60 =	vshrl.u32 v3, $0x3  }
0x175: {  	v4 =	vmul.u32 $0x30, v60  }
0x176: {  	v3 =	vand.u32 $0x7, v3  }
0x177: {  	v3 =	vor.u32 v3, v4  }
0x178: {  	v4 =	vperm.xlane v3, v0;
	_ =	sdelay $0x1  }
0x179: {  	v4 =	vadd.s32 v1, v4;
	_ =	sdelay $0x3  }
0x17a: {  	v3 =	vperm.xlane v3, v2  }
0x17b: {  	[hbm4b:s3+s2] =	stream.indirect_vreg.scatter [tilespmem:s12], [sflag:$0x4], $0x80, v4, vm0, $0xb8;
	[tilespmem:$0x18380] =	vst v63  }
0x17c: {  	v3 =	vadd.s32 v1, v3  }
0x17d: {  	[hbm4b:s4+s2] =	stream.indirect_vreg.scatter [tilespmem:s1], [sflag:$0x4], $0x80, v4, vm0, $0xb8;
	[tilespmem:$0x18380] =	vst v63  }
0x17e: {  	s24 =	simm.s32 $0xD380  }
0x17f: {  	[hbm4b:s5+s2] =	stream.indirect_vreg.scatter [tilespmem:s24], [sflag:$0x4], $0x80, v4, vm0, $0xb8;
	[tilespmem:$0x18380] =	vst v63  }
0x180: {  	_ = 	snop  }
0x181: {  	[hbm4b:s3+s2] =	stream.indirect_vreg.scatter [tilespmem:s10], [sflag:$0x4], $0x80, v3, vm0, $0xb8;
	[tilespmem:$0x18380] =	vst v63  }
0x182: {  	_ = 	snop  }
0x183: {  	[hbm4b:s4+s2] =	stream.indirect_vreg.scatter [tilespmem:s11], [sflag:$0x4], $0x80, v3, vm0, $0xb8;
	[tilespmem:$0x18380] =	vst v63  }
0x184: {  	_ = 	snop  }
0x185: {  	[hbm4b:s5+s2] =	stream.indirect_vreg.scatter [tilespmem:s13], [sflag:$0x4], $0x80, v3, vm0, $0xb8;
	[tilespmem:$0x18380] =	vst v63  }
0x186: {  	v3 =	vld [tilespmem:$0x210];
	_ =	sdelay $0x4  }
0x187: {  	v61 =	vshrl.u32 v3, $0x3  }
0x188: {  	v4 =	vmul.u32 $0x30, v61  }
0x189: {  	v3 =	vand.u32 $0x7, v3  }
0x18a: {  	v3 =	vor.u32 v3, v4  }
0x18b: {  	v4 =	vperm.xlane v3, v0;
	_ =	sdelay $0x1  }
0x18c: {  	v4 =	vadd.s32 v1, v4;
	_ =	sdelay $0x3  }
0x18d: {  	v3 =	vperm.xlane v3, v2  }
0x18e: {  	[hbm4b:s3+s2] =	stream.indirect_vreg.scatter [tilespmem:s14], [sflag:$0x4], $0x80, v4, vm0, $0xb8;
	[tilespmem:$0x18380] =	vst v63  }
0x18f: {  	v3 =	vadd.s32 v1, v3  }
0x190: {  	[hbm4b:s4+s2] =	stream.indirect_vreg.scatter [tilespmem:s15], [sflag:$0x4], $0x80, v4, vm0, $0xb8;
	[tilespmem:$0x18380] =	vst v63  }
0x191: {  	_ = 	snop  }
0x192: {  	[hbm4b:s5+s2] =	stream.indirect_vreg.scatter [tilespmem:s17], [sflag:$0x4], $0x80, v4, vm0, $0xb8;
	[tilespmem:$0x18380] =	vst v63  }
0x193: {  	_ = 	snop  }
0x194: {  	[hbm4b:s3+s2] =	stream.indirect_vreg.scatter [tilespmem:s18], [sflag:$0x4], $0x80, v3, vm0, $0xb8;
	[tilespmem:$0x18380] =	vst v63  }
0x195: {  	_ = 	snop  }
0x196: {  	[hbm4b:s4+s2] =	stream.indirect_vreg.scatter [tilespmem:s19], [sflag:$0x4], $0x80, v3, vm0, $0xb8;
	[tilespmem:$0x18380] =	vst v63  }
0x197: {  	_ = 	snop  }
0x198: {  	[hbm4b:s5+s2] =	stream.indirect_vreg.scatter [tilespmem:s20], [sflag:$0x4], $0x80, v3, vm0, $0xb8;
	[tilespmem:$0x18380] =	vst v63  }
0x199: {  	v3 =	vld [tilespmem:$0x220];
	_ =	sdelay $0x4  }
0x19a: {  	v62 =	vshrl.u32 v3, $0x3  }
0x19b: {  	v4 =	vmul.u32 $0x30, v62  }
0x19c: {  	v3 =	vand.u32 $0x7, v3  }
0x19d: {  	v3 =	vor.u32 v3, v4  }
0x19e: {  	v4 =	vperm.xlane v3, v0;
	_ =	sdelay $0x1  }
0x19f: {  	v4 =	vadd.s32 v1, v4;
	_ =	sdelay $0x3  }
0x1a0: {  	v3 =	vperm.xlane v3, v2  }
0x1a1: {  	[hbm4b:s3+s2] =	stream.indirect_vreg.scatter [tilespmem:s21], [sflag:$0x4], $0x80, v4, vm0, $0xb8;
	[tilespmem:$0x18380] =	vst v63  }
0x1a2: {  	v3 =	vadd.s32 v1, v3  }
0x1a3: {  	[hbm4b:s4+s2] =	stream.indirect_vreg.scatter [tilespmem:s22], [sflag:$0x4], $0x80, v4, vm0, $0xb8;
	[tilespmem:$0x18380] =	vst v63  }
0x1a4: {  	_ = 	snop  }
0x1a5: {  	[hbm4b:s5+s2] =	stream.indirect_vreg.scatter [tilespmem:s23], [sflag:$0x4], $0x80, v4, vm0, $0xb8;
	[tilespmem:$0x18380] =	vst v63  }
0x1a6: {  	_ = 	snop  }
0x1a7: {  	[hbm4b:s3+s2] =	stream.indirect_vreg.scatter [tilespmem:s25], [sflag:$0x4], $0x80, v3, vm0, $0xb8;
	[tilespmem:$0x18380] =	vst v63  }
0x1a8: {  	_ = 	snop  }
0x1a9: {  	[hbm4b:s4+s2] =	stream.indirect_vreg.scatter [tilespmem:s26], [sflag:$0x4], $0x80, v3, vm0, $0xb8;
	[tilespmem:$0x18380] =	vst v63  }
0x1aa: {  	_ = 	snop  }
0x1ab: {  	[hbm4b:s5+s2] =	stream.indirect_vreg.scatter [tilespmem:s28], [sflag:$0x4], $0x80, v3, vm0, $0xb8;
	[tilespmem:$0x18380] =	vst v63  }
0x1ac: {  	v3 =	vld [tilespmem:$0x230];
	_ =	sdelay $0x4  }
0x1ad: {  	v63 =	vshrl.u32 v3, $0x3  }
0x1ae: {  	v4 =	vmul.u32 $0x30, v63  }
0x1af: {  	v3 =	vand.u32 $0x7, v3  }
0x1b0: {  	v3 =	vor.u32 v3, v4  }
0x1b1: {  	v4 =	vperm.xlane v3, v0;
	_ =	sdelay $0x1  }
0x1b2: {  	v4 =	vadd.s32 v1, v4;
	_ =	sdelay $0x3  }
0x1b3: {  	v3 =	vperm.xlane v3, v2  }
0x1b4: {  	[hbm4b:s3+s2] =	stream.indirect_vreg.scatter [tilespmem:s29], [sflag:$0x4], $0x80, v4, vm0, $0xb8;
	[tilespmem:$0x18380] =	vst v63  }
0x1b5: {  	v3 =	vadd.s32 v1, v3  }
0x1b6: {  	[hbm4b:s4+s2] =	stream.indirect_vreg.scatter [tilespmem:s30], [sflag:$0x4], $0x80, v4, vm0, $0xb8;
	[tilespmem:$0x18380] =	vst v63  }
0x1b7: {  	_ = 	snop  }
0x1b8: {  	[hbm4b:s5+s2] =	stream.indirect_vreg.scatter [tilespmem:s31], [sflag:$0x4], $0x80, v4, vm0, $0xb8;
	[tilespmem:$0x18380] =	vst v63  }
0x1b9: {  	s16 =	simm.s32 $0x16B80  }
0x1ba: {  	[hbm4b:s3+s2] =	stream.indirect_vreg.scatter [tilespmem:s16], [sflag:$0x4], $0x80, v3, vm0, $0xb8;
	[tilespmem:$0x18380] =	vst v63  }
0x1bb: {  	s24 =	simm.s32 $0x17380  }
0x1bc: {  	[hbm4b:s4+s2] =	stream.indirect_vreg.scatter [tilespmem:s24], [sflag:$0x4], $0x80, v3, vm0, $0xb8;
	[tilespmem:$0x18380] =	vst v63  }
0x1bd: {  	s25 =	simm.s32 $0x17B80  }
0x1be: {  	[hbm4b:s5+s2] =	stream.indirect_vreg.scatter [tilespmem:s25], [sflag:$0x4], $0x80, v3, vm0, $0xb8;
	[tilespmem:$0x18380] =	vst v63  }
0x1bf: {  	p0 =	sne.s32 s9, $0x1;
	_ =	swait.ge [sflag:s0], $0xC000  }
.Ltmp0:
0x1c0: {  	[sflag:s0] =	ssyncset.done $0x0;
	(pc) =	sbr.rel @p0 .LBB2_1-.Ltmp0, $4  }
0x1c1: {  	[sflag:s0] =	ssyncadd.s32 $0xFFFF4000  }
0x1c2: {  	_ =	swait.ge [sflag:s7], $0xC000  }
0x1c3: {  	[sflag:s7] =	ssyncset.done $0x0  }
0x1c4: {  	s9 =	sadd.s32 $0xFFFFFFFF, s9;
	[sflag:s7] =	ssyncadd.s32 $0xFFFF4000  }
0x1c5: {  	_ =	sfence.sel $0x180000  }
0x1c6: {  	[bflag:$0x0] =	sbarrier.arrive $0xFFFF  }
0x1c7: {  	_ =	strace $0x90000047  }
0x1c8: {  	s0 =	stileid.u32;
	[bflag:$0x2] =	sbarrier.arrive $0xFFFF  }
0x1c9: {  	p0 =	sne.s32 s0, $0x0;
	s0 =	rddreg [dreg:$0x3]  }
0x1ca: {  	s0 =	sadd.s32 @!p0 $0x100000, s0  }
0x1cb: {  	[sflag:s0] =	ssyncadd.tile.s32 @!p0 $0x1;
	_ =	shalt  }
.Lfunc_end2:
_tile_overlayer_lowered:
.L_overlay_start_2:
0x1cc: {  	(tag) =	ssettag $0x2  }
0x1cd: {  	s0 =	rddreg [dreg:$0x0];
	s2 =	stileid.u32  }
0x1ce: {  	s1 =	rddreg [dreg:$0x1];
	p0 =	sne.s32 s2, $0x0  }
0x1cf: {  	s3 =	rddreg [dreg:$0x2];
	[bflag:$0x3] =	sbarrier.arrive $0xFFFF;
	s2 =	simm.s32 @!p0 $0x1C05  }
0x1d0: {  	[timem:s3], [sflag:s2] =	dma.local @!p0 [hbm:s0], s1  }
0x1d1: {  	s0 =	simm.s32 @!p0 $0x5  }
0x1d2: {  	_ =	swait.ge @!p0 [sflag:s0], s1  }
0x1d3: {  	s1 =	ssub.s32 @!p0 $0x0, s1;
	[sflag:s0] =	ssyncset.done @!p0 $0x0  }
0x1d4: {  	[sflag:s0] =	ssyncadd.s32 @!p0 s1  }
0x1d5: {  	[bflag:$0x3] =	sbarrier.arrive $0xFFFF  }
0x1d6: {  	_ =	shalt  }

// kernel: kernel.9.cloned.1.call-start
scs
__scs_entry_jumppad:
0x0: {  	(pc) =	sbr.rel $0x88, $3  }
0x1: {  	(tag) =	ssettag $0x0;
	lr =	simm.s32 $0x1  }
0x2: {  	[smem:$0x3F9E] =	sst lr;
	_ =	strace $0xD0000000  }
0x3: {  	_ = 	snop  }
0x4: {  	_ = 	snop  }
0x5: {  	_ = 	snop  }
0x6: {  	_ = 	snop  }
0x7: {  	_ = 	snop  }
__scs_overlays_trampoline_lowered:
0x8: {  	[smem:$0x3FAD] =	sst s0  }
0x9: {  	[smem:$0x3FAE] =	sst s1  }
0xa: {  	[smem:$0x3FAF] =	sst s2  }
0xb: {  	[smem:$0x3FB0] =	sst s3  }
0xc: {  	[smem:$0x3FB1] =	sst s4  }
0xd: {  	[smem:$0x3FB2] =	sst s5  }
0xe: {  	[smem:$0x3FB3] =	sst s6  }
0xf: {  	[smem:$0x3FB4] =	sst s7  }
0x10: {  	[smem:$0x3FB5] =	sst s8  }
0x11: {  	[smem:$0x3FB6] =	sst s9;
	s0 =	simm.s32 @!p0 $0x0  }
0x12: {  	s1 =	sld [smem:$0x3F9C];
	s0 =	simm.s32 @p0 $0x1  }
0x13: {  	[smem:$0x3FB7] =	sst s0;
	s0 =	simm.s32 @!p1 $0x0  }
0x14: {  	s2 =	sld [smem:$0x3F9B];
	s0 =	simm.s32 @p1 $0x1  }
0x15: {  	[smem:$0x3FB8] =	sst s0;
	s0 =	simm.s32 @!p2 $0x0  }
0x16: {  	s3 =	sld [smem:$0x3FDB];
	s0 =	simm.s32 @p2 $0x1  }
0x17: {  	s4 =	simm.s32 $0x1BF5;
	[smem:$0x3FBA] =	sst s0  }
0x18: {  	s0 =	sld [smem:$0x3F9D];
	_ =	swait.ge [sflag:s4], $0x0  }
0x19: {  	s7 =	sld [smem:$0x3F9E]  }
0x1a: {  	s8 =	sadd.s32 $0xFFFFE003, lr  }
0x1b: {  	s9 =	sadd.s32 $0xFFFFFEF7, lr;
	s5 =	simm.s32 $0xFFFFFFFF;
	p2 =	slt.u32 s8, $0xFFFFF086  }
0x1c: {  	p1 =	slt.u32 s9, $0xF7A;
	s5 =	simm.s32 @!p2 $0x0  }
0x1d: {  	s5 =	simm.s32 @p1 $0x1;
	p0 =	seq.s32 s7, s2  }
0x1e: {  	s7 =	smul.u32 @!p0 $0xF7A, s2;
	p2 =	seq.s32 @!p0 s5, $0x0  }
0x1f: {  	s9 =	smul.u32 $0xF7A, s1;
	s8 =	simm.s32 @!p0 $0x1BF5;
	p2 =	por !p2, p0  }
0x20: {  	[sflag:s8] =	ssyncset.s32 @!p0 $0xFFFFF086;
	s6 =	sadd.s32 @!p0 s3, s7;
	s7 =	simm.s32 @!p0 $0x108  }
0x21: {  	s3 =	sadd.s32 s3, s9;
	s6 =	sadd.s32 @!p0 $0x88, s6;
	s7 =	simm.s32 @p2 $0x1082  }
0x22: {  	[simem:s7], [sflag:s8] =	dma.local @!p0 [hbm:s6], $0xF7A  }
0x23: {  	s9 =	sor.u32 $0xD0000000, s2;
	s6 =	simm.s32 $0x108;
	_ =	swait.ge @!p0 [sflag:s8], $0x0  }
0x24: {  	s3 =	sadd.s32 $0x88, s3;
	s6 =	simm.s32 @!p1 $0x1082;
	[sflag:s4] =	ssyncset.s32 $0xFFFFF086  }
0x25: {  	[simem:s6], [sflag:s4] =	dma.local [hbm:s3], $0xF7A  }
0x26: {  	[smem:$0x3F9E] =	sst s1;
	(tag) =	ssettag s2;
	_ =	strace s9  }
0x27: {  	s1 =	sld [smem:$0x3FAE]  }
0x28: {  	s2 =	sld [smem:$0x3FAF]  }
0x29: {  	s4 =	sld [smem:$0x3FB1]  }
0x2a: {  	p0 =	seq.s32 s5, $0x0;
	s5 =	sld [smem:$0x3FB2]  }
0x2b: {  	s6 =	sld [smem:$0x3FB3]  }
0x2c: {  	s7 =	sld [smem:$0x3FB4]  }
0x2d: {  	s3 =	simm.s32 $0x108;
	s8 =	sld [smem:$0x3FB5]  }
0x2e: {  	s3 =	simm.s32 @!p0 $0x1082;
	s9 =	sld [smem:$0x3FB6]  }
0x2f: {  	lr =	sadd.s32 s0, s3;
	s0 =	sld [smem:$0x3FAD]  }
0x30: {  	s3 =	sld [smem:$0x3FB0]  }
0x31: {  	[smem:$0x3FB9] =	sst s10  }
0x32: {  	s10 =	sld [smem:$0x3FB7];
	_ =	sdelay $0x3  }
0x33: {  	p0 =	seq.s32 s10, $0x1;
	s10 =	sld [smem:$0x3FB9];
	_ =	sdelay $0x3  }
0x34: {  	[smem:$0x3FB9] =	sst s10  }
0x35: {  	s10 =	sld [smem:$0x3FB8];
	_ =	sdelay $0x3  }
0x36: {  	p1 =	seq.s32 s10, $0x1;
	s10 =	sld [smem:$0x3FB9];
	_ =	sdelay $0x3  }
0x37: {  	[smem:$0x3FB9] =	sst s10  }
0x38: {  	s10 =	sld [smem:$0x3FBA]  }
0x39: {  	_ = 	snop;
	(pc) =	sbr.ind lr, $3  }
0x3a: {  	_ = 	snop  }
0x3b: {  	_ = 	snop  }
0x3c: {  	p2 =	seq.s32 s10, $0x1;
	s10 =	sld [smem:$0x3FB9]  }
0x3d: {  	_ =	shalt  }
0x3e: {  	_ =	shalt  }
0x3f: {  	_ =	shalt  }
0x40: {  	_ =	shalt  }
0x41: {  	_ =	shalt  }
0x42: {  	_ =	shalt  }
0x43: {  	_ =	shalt  }
0x44: {  	_ =	shalt  }
0x45: {  	_ =	shalt  }
0x46: {  	_ =	shalt  }
0x47: {  	_ =	shalt  }
0x48: {  	_ =	shalt  }
0x49: {  	_ =	shalt  }
0x4a: {  	_ =	shalt  }
0x4b: {  	_ =	shalt  }
0x4c: {  	_ =	shalt  }
0x4d: {  	_ =	shalt  }
0x4e: {  	_ =	shalt  }
0x4f: {  	_ =	shalt  }
0x50: {  	_ =	shalt  }
0x51: {  	_ =	shalt  }
0x52: {  	_ =	shalt  }
0x53: {  	_ =	shalt  }
0x54: {  	_ =	shalt  }
0x55: {  	_ =	shalt  }
0x56: {  	_ =	shalt  }
0x57: {  	_ =	shalt  }
0x58: {  	_ =	shalt  }
0x59: {  	_ =	shalt  }
0x5a: {  	_ =	shalt  }
0x5b: {  	_ =	shalt  }
0x5c: {  	_ =	shalt  }
0x5d: {  	_ =	shalt  }
0x5e: {  	_ =	shalt  }
0x5f: {  	_ =	shalt  }
0x60: {  	_ =	shalt  }
0x61: {  	_ =	shalt  }
0x62: {  	_ =	shalt  }
0x63: {  	_ =	shalt  }
0x64: {  	_ =	shalt  }
0x65: {  	_ =	shalt  }
0x66: {  	_ =	shalt  }
0x67: {  	_ =	shalt  }
0x68: {  	_ =	shalt  }
0x69: {  	_ =	shalt  }
0x6a: {  	_ =	shalt  }
0x6b: {  	_ =	shalt  }
0x6c: {  	_ =	shalt  }
0x6d: {  	_ =	shalt  }
0x6e: {  	_ =	shalt  }
0x6f: {  	_ =	shalt  }
0x70: {  	_ =	shalt  }
0x71: {  	_ =	shalt  }
0x72: {  	_ =	shalt  }
0x73: {  	_ =	shalt  }
0x74: {  	_ =	shalt  }
0x75: {  	_ =	shalt  }
0x76: {  	_ =	shalt  }
0x77: {  	_ =	shalt  }
0x78: {  	_ =	shalt  }
0x79: {  	_ =	shalt  }
0x7a: {  	_ =	shalt  }
0x7b: {  	_ =	shalt  }
0x7c: {  	_ =	shalt  }
0x7d: {  	_ =	shalt  }
0x7e: {  	_ =	shalt  }
0x7f: {  	_ =	shalt  }
0x80: {  	_ =	shalt  }
0x81: {  	_ =	shalt  }
0x82: {  	_ =	shalt  }
0x83: {  	_ =	shalt  }
0x84: {  	_ =	shalt  }
0x85: {  	_ =	shalt  }
0x86: {  	_ =	shalt  }
0x87: {  	_ =	shalt  }
.Lfunc_end0:
.L_simem_size_0:
called_computation.1_lowered:
.L_overlay_start_0:
0x88: {  	s2 =	sld [smem:$0x3FD9]  }
0x89: {  	s3 =	sld [smem:$0x3FFE];
	_ =	sdelay $0x1  }
0x8a: {  	s1 =	srdreg.scid  }
0x8b: {  	s0 =	sand.u32 $0x1, s1  }
0x8c: {  	s14 =	sshll.u32 s0, $0xA;
	s2 =	sadd.s32 s3, s2  }
0x8d: {  	s2 =	sadd.s32 s2, s14  }
0x8e: {  	[smem:$0x3FC5] =	sst s2  }
0x8f: {  	_ = 	snop  }
0x90: {  	s2 =	sld [smem:$0x3FD0];
	_ =	sdelay $0x2  }
0x91: {  	s15 =	simm.s32 $0xA;
	s4 =	simm.s32 $0x10  }
0x92: {  	[smem:s4], [sflag:s15] =	dma.local [hbm:s2], $0x1  }
0x93: {  	_ =	swait.eq [sflag:s15], $0x1  }
0x94: {  	[sflag:s15] =	ssyncset.done $0x0  }
0x95: {  	s16 =	sld [smem:$0x10];
	[sflag:s15] =	ssyncadd.s32 $0xFFFFFFFF  }
0x96: {  	s17 =	sld [smem:$0x11];
	(tm) =	ssettm $0x1  }
0x97: {  	s18 =	sld [smem:$0x3FFB];
	_ =	sdelay $0x3  }
0x98: {  	_ =	strace s18  }
0x99: {  	s4 =	sld [smem:$0x3FFC];
	_ =	sdelay $0x3  }
0x9a: {  	_ =	strace s4  }
0x9b: {  	s4 =	sld [smem:$0x3FFD];
	_ =	sdelay $0x3  }
0x9c: {  	_ =	strace s4  }
0x9d: {  	_ =	strace $0x8FFFFFFF  }
0x9e: {  	s19 =	sld [smem:$0x3FDB];
	_ =	sdelay $0x1  }
0x9f: {  	s5 =	simm.s32 $_scs_section_size  }
0xa0: {  	s6 =	simm.s32 $_size__tile_overlayer_lowered;
	s7 =	simm.s32 $_tile_overlayer_lowered  }
0xa1: {  	s22 =	simm.s32 $0x1BFF;
	s21 =	sshll.u32 s7, $0x1;
	s4 =	sadd.s32 s5, s19  }
0xa2: {  	s8 =	simm.s32 $0x0;
	s20 =	sshll.u32 s6, $0x1;
	s6 =	sadd.s32 s21, s4  }
0xa3: {  	[timem:s8], [sflag:s22] =	dma.local [hbm:s6], s20  }
0xa4: {  	_ =	swait.ge [sflag:s22], s20  }
0xa5: {  	s5 =	ssub.s32 $0x0, s20;
	[sflag:s22] =	ssyncset.done $0x0  }
0xa6: {  	[sflag:s22] =	ssyncadd.s32 s5;
	_ =	sdelay $0x1  }
0xa7: {  	s23 =	simm.s32 $0x1B8B  }
0xa8: {  	_ =	swait.ge [sflag:s23], $0x1  }
0xa9: {  	[sflag:s23] =	ssyncset.done $0x0  }
0xaa: {  	s25 =	simm.s32 $0x1B8E;
	s24 =	sld [smem:$0x3FFE];
	[sflag:s23] =	ssyncadd.s32 $0xFFFFFFFF  }
0xab: {  	s26 =	simm.s32 $execute0_lowered;
	[smem:$0x3FD2] =	sst s25  }
0xac: {  	s6 =	sshll.u32 s26, $0x1;
	_ =	strace $0x80000049;
	[dreg:$0x1] =	wrdreg $0xFFFFFFFF  }
0xad: {  	s28 =	simm.s32 $_size_execute0_lowered;
	s4 =	sadd.s32 s4, s6;
	[dreg:$0x0] =	wrdreg $0x0  }
0xae: {  	s6 =	sshll.u32 s28, $0x1;
	[dreg:$0x2] =	wrdreg s4  }
0xaf: {  	[dreg:$0x3] =	wrdreg s6  }
0xb0: {  	[dreg:$0x4] =	wrdreg $0xC0  }
0xb1: {  	_ =	task [dreg:s8], $0x5FFFF  }
0xb2: {  	[dreg:$0x1] =	wrdreg $0xFFFFFFFF  }
0xb3: {  	[dreg:$0x0] =	wrdreg $0x60  }
0xb4: {  	[dreg:$0x2] =	wrdreg s24  }
0xb5: {  	[dreg:$0x3] =	wrdreg s17  }
0xb6: {  	[dreg:$0x4] =	wrdreg s16  }
0xb7: {  	[dreg:$0x5] =	wrdreg $0x9  }
0xb8: {  	_ =	task.clear_ibuf [dreg:s8], $0x6FFFF;
	_ =	strace $0x90000049  }
0xb9: {  	s29 =	simm.s32 $0x9;
	_ =	strace $0x8000004B  }
0xba: {  	_ =	swait.ge [sflag:s29], $0x1  }
0xbb: {  	[sflag:s29] =	ssyncadd.s32 $0xFFFFFFFF  }
0xbc: {  	_ =	strace $0x9000004B  }
0xbd: {  	_ =	sfence  }
0xbe: {  	s30 =	sld [smem:$0x0];
	_ =	sdelay $0x2  }
0xbf: {  	s31 =	sshll.u32 s1, $0xD;
	s1 =	sshrl.u32 s1, $0x2  }
0xc0: {  	s3 =	sand.u32 $0x4000, s31;
	s1 =	sadd.s32 s1, s30  }
0xc1: {  	s0 =	sor.u32 s3, s0;
	s1 =	sshll.u32 s1, $0x11  }
0xc2: {  	s0 =	sor.u32 s1, s0  }
0xc3: {  	s0 =	sadd.s32 $0x8F2B, s0  }
0xc4: {  	[sflag:s0] =	ssyncadd.remote.s32 $0x1  }
0xc5: {  	_ =	sfence.sel $0xFFFF  }
0xc6: {  	[dreg:$0x0] =	wrdreg $0xFFFFFFFF;
	(pc) =	sbr.abs _section_cstart, $3  }
0xc7: {  	[dreg:$0x1] =	wrdreg $0xFFFFFFFF  }
0xc8: {  	_ =	task.clear_ibuf [dreg:s8], $0x2FFFF;
	_ =	strace $0x9FFFFFFF  }
0xc9: {  	(tm) =	ssettm $0x7FFFFFFF  }
tec
execute0_lowered:
.L_overlay_start_1:
0x0: {  	(tag) =	ssettag $0x1  }
0x1: {  	s0 =	rddreg [dreg:$0x0]  }
0x2: {  	s1 =	rddreg [dreg:$0x1]  }
0x3: {  	s6 =	rddreg [dreg:$0x2];
	s2 =	simm.s32 $0x0  }
0x4: {  	s3 =	srdreg.scid;
	s5 =	stileid.u32;
	s28 =	simm.s32 $0x4380  }
0x5: {  	s29 =	simm.s32 $0x4B80;
	s30 =	simm.s32 $0x5380;
	s31 =	simm.s32 $0x5B80  }
0x6: {  	[smem:$0x7FF] =	sst s2;
	s4 =	sand.u32 $0x1, s3;
	s3 =	sadd.s32 $0x111C00, s0  }
0x7: {  	s5 =	sshll.u32 s5, $0x6;
	s8 =	sadd.s32 $0x21800, s0;
	s9 =	sadd.s32 $0x21600, s0  }
0x8: {  	_ =	strace $0x8000004A;
	s7 =	sshll.u32 s4, $0x5;
	s4 =	ssub.s32 $0x2, s4  }
0x9: {  	[dreg:$0x4] =	wrdreg s9;
	s5 =	sor.u32 s7, s5;
	s10 =	sshrl.u32 s4, $0x1  }
0xa: {  	s7 =	sadd.s32 s1, s5;
	s12 =	sadd.s32 s8, s5;
	s13 =	sor.u32 $0x8, s5  }
0xb: {  	s11 =	sor.u32 $0x10, s5;
	s10 =	ssub.s32 s4, s10;
	s18 =	sor.u32 $0x18, s5  }
0xc: {  	s19 =	smul.u32 $0x300, s5;
	s4 =	sadd.s32 $0x111D00, s0;
	[dreg:$0x5] =	wrdreg s7  }
0xd: {  	s5 =	sadd.s32 $0x111E00, s0;
	[dreg:$0x6] =	wrdreg s12;
	s14 =	sadd.s32 s1, s13  }
0xe: {  	s15 =	sadd.s32 s8, s13;
	s16 =	sadd.s32 s1, s11;
	s17 =	sadd.s32 s8, s11  }
0xf: {  	s1 =	sadd.s32 s1, s18;
	s21 =	smul.u32 $0x300, s13;
	[dreg:$0x7] =	wrdreg s14  }
0x10: {  	s20 =	sadd.s32 s8, s18;
	s23 =	smul.u32 $0x300, s11;
	[dreg:$0x8] =	wrdreg s15  }
0x11: {  	s7 =	smul.u32 $0x300, s18;
	s11 =	smax.u32 s10, $0x1;
	[dreg:$0x9] =	wrdreg s16  }
0x12: {  	s12 =	simm.s32 $0x6380;
	s13 =	simm.s32 $0x7B80;
	[dreg:$0xa] =	wrdreg s17  }
0x13: {  	s18 =	simm.s32 $0xBB80;
	s8 =	simm.s32 $0xC380;
	[dreg:$0xb] =	wrdreg s1  }
0x14: {  	[dreg:$0xc] =	wrdreg s20;
	s22 =	sadd.s32 s6, s19;
	s20 =	simm.s32 $0xB80  }
0x15: {  	s14 =	simm.s32 $0x8380;
	s15 =	simm.s32 $0xA380;
	s16 =	simm.s32 $0xAB80  }
0x16: {  	s17 =	simm.s32 $0xB380;
	[dreg:$0xd] =	wrdreg s22;
	s24 =	sadd.s32 s6, s21  }
0x17: {  	s25 =	sadd.s32 s6, s23;
	s26 =	sadd.s32 s6, s7;
	[dreg:$0xe] =	wrdreg s24  }
0x18: {  	v2 =	vlaneseq.u32;
	s7 =	simm.s32 $0x5;
	s21 =	simm.s32 $0x1380;
	[dreg:$0xf] =	wrdreg s25  }
0x19: {  	vm0 =	vmmov $0xffff;
	v1 =	vshrl.u32 v2, $0x3;
	s22 =	simm.s32 $0x1B80;
	s23 =	simm.s32 $0x2380;
	[dreg:$0x10] =	wrdreg s26  }
0x1a: {  	v0 =	vand.u32 $0x7, v2;
	v2 =	vor.u32 $0x8, v2;
	v1 =	vmul.u32 $0x8, v1;
	s24 =	simm.s32 $0x2B80;
	s25 =	simm.s32 $0x3380;
	s26 =	simm.s32 $0x3B80  }
.LBB2_1:
0x1b: {  	s19 =	rddreg [dreg:$0x4]  }
0x1c: {  	[tilespmem:s2], [sflag:$0x5] =	stream.linear.gather [hbm4b:s19+s2], $0x80, $0x38;
	[tilespmem:$0x18380] =	vst v63  }
0x1d: {  	_ =	swait.ge [sflag:s7], $0x80  }
0x1e: {  	[sflag:s7] =	ssyncset.done $0x0  }
0x1f: {  	s0 =	simm.s32 $0x280;
	s1 =	rddreg [dreg:$0x5];
	[sflag:s7] =	ssyncadd.s32 $0xFFFFFF80  }
0x20: {  	v3 =	vld [tilespmem:$0x0];
	[tilespmem:s0], [sflag:$0x5] =	stream.linear.gather [hbm4b:s1+s2], $0x40, $0x38  }
0x21: {  	_ =	swait.ge [sflag:s7], $0x40  }
0x22: {  	[sflag:s7] =	ssyncset.done $0x0  }
0x23: {  	s1 =	simm.s32 $0x300;
	s6 =	rddreg [dreg:$0x6];
	[sflag:s7] =	ssyncadd.s32 $0xFFFFFFC0  }
0x24: {  	[tilespmem:s1], [sflag:$0x5] =	stream.linear.gather [hbm4b:s6+s2], $0x40, $0x38;
	[tilespmem:$0x18380] =	vst v63  }
0x25: {  	_ =	swait.ge [sflag:s7], $0x40  }
0x26: {  	[sflag:s7] =	ssyncset.done $0x0  }
0x27: {  	[sflag:s7] =	ssyncadd.s32 $0xFFFFFFC0  }
0x28: {  	v4 =	vld [tilespmem:$0x280]  }
0x29: {  	v5 =	vld [tilespmem:$0x300]  }
0x2a: {  	v6 =	vld [tilespmem:$0x290]  }
0x2b: {  	v7 =	vld [tilespmem:$0x310]  }
0x2c: {  	v8 =	vld [tilespmem:$0x2A0]  }
0x2d: {  	v9 =	vld [tilespmem:$0x2B0]  }
0x2e: {  	v10 =	vld [tilespmem:$0x320]  }
0x2f: {  	v11 =	vld [tilespmem:$0x330];
	v4 =	vperm.xlane v3, v4  }
0x30: {  	v6 =	vperm.xlane v3, v6  }
0x31: {  	v57 =	vperm.xlane v3, v8;
	v4 =	vadd.s32 v5, v4  }
0x32: {  	v59 =	vperm.xlane v3, v9;
	v58 =	vadd.s32 v7, v6;
	[tilespmem:$0x80] =	vst v4  }
0x33: {  	v60 =	vadd.s32 v10, v57;
	[tilespmem:$0x90] =	vst v58  }
0x34: {  	v61 =	vadd.s32 v11, v59;
	[tilespmem:$0xA0] =	vst v60  }
0x35: {  	s9 =	rddreg [dreg:$0x7];
	[tilespmem:$0xB0] =	vst v61  }
0x36: {  	[tilespmem:s0], [sflag:$0x5] =	stream.linear.gather [hbm4b:s9+s2], $0x40, $0x38;
	[tilespmem:$0x18380] =	vst v63  }
0x37: {  	_ =	swait.ge [sflag:s7], $0x40  }
0x38: {  	[sflag:s7] =	ssyncset.done $0x0  }
0x39: {  	s10 =	rddreg [dreg:$0x8];
	[sflag:s7] =	ssyncadd.s32 $0xFFFFFFC0  }
0x3a: {  	[tilespmem:s1], [sflag:$0x5] =	stream.linear.gather [hbm4b:s10+s2], $0x40, $0x38;
	[tilespmem:$0x18380] =	vst v63  }
0x3b: {  	_ =	swait.ge [sflag:s7], $0x40  }
0x3c: {  	[sflag:s7] =	ssyncset.done $0x0  }
0x3d: {  	[sflag:s7] =	ssyncadd.s32 $0xFFFFFFC0  }
0x3e: {  	v62 =	vld [tilespmem:$0x280]  }
0x3f: {  	v63 =	vld [tilespmem:$0x300]  }
0x40: {  	v12 =	vld [tilespmem:$0x290]  }
0x41: {  	v13 =	vld [tilespmem:$0x310]  }
0x42: {  	v14 =	vld [tilespmem:$0x2A0]  }
0x43: {  	v15 =	vld [tilespmem:$0x2B0]  }
0x44: {  	v16 =	vld [tilespmem:$0x320]  }
0x45: {  	v17 =	vld [tilespmem:$0x330];
	v4 =	vperm.xlane v3, v62  }
0x46: {  	v6 =	vperm.xlane v3, v12  }
0x47: {  	v18 =	vperm.xlane v3, v14;
	v4 =	vadd.s32 v63, v4  }
0x48: {  	v20 =	vperm.xlane v3, v15;
	v19 =	vadd.s32 v13, v6;
	[tilespmem:$0x100] =	vst v4  }
0x49: {  	v21 =	vadd.s32 v16, v18;
	[tilespmem:$0x110] =	vst v19  }
0x4a: {  	v22 =	vadd.s32 v17, v20;
	[tilespmem:$0x120] =	vst v21  }
0x4b: {  	s6 =	rddreg [dreg:$0x9];
	[tilespmem:$0x130] =	vst v22  }
0x4c: {  	[tilespmem:s0], [sflag:$0x5] =	stream.linear.gather [hbm4b:s6+s2], $0x40, $0x38;
	[tilespmem:$0x18380] =	vst v63  }
0x4d: {  	_ =	swait.ge [sflag:s7], $0x40  }
0x4e: {  	[sflag:s7] =	ssyncset.done $0x0  }
0x4f: {  	s9 =	rddreg [dreg:$0xa];
	[sflag:s7] =	ssyncadd.s32 $0xFFFFFFC0  }
0x50: {  	[tilespmem:s1], [sflag:$0x5] =	stream.linear.gather [hbm4b:s9+s2], $0x40, $0x38;
	[tilespmem:$0x18380] =	vst v63  }
0x51: {  	_ =	swait.ge [sflag:s7], $0x40  }
0x52: {  	[sflag:s7] =	ssyncset.done $0x0  }
0x53: {  	[sflag:s7] =	ssyncadd.s32 $0xFFFFFFC0  }
0x54: {  	v23 =	vld [tilespmem:$0x280]  }
0x55: {  	v24 =	vld [tilespmem:$0x300]  }
0x56: {  	v25 =	vld [tilespmem:$0x290]  }
0x57: {  	v26 =	vld [tilespmem:$0x310]  }
0x58: {  	v27 =	vld [tilespmem:$0x2A0]  }
0x59: {  	v28 =	vld [tilespmem:$0x2B0]  }
0x5a: {  	v29 =	vld [tilespmem:$0x320]  }
0x5b: {  	v30 =	vld [tilespmem:$0x330];
	v4 =	vperm.xlane v3, v23  }
0x5c: {  	v6 =	vperm.xlane v3, v25  }
0x5d: {  	v31 =	vperm.xlane v3, v27;
	v4 =	vadd.s32 v24, v4  }
0x5e: {  	v33 =	vperm.xlane v3, v28;
	v32 =	vadd.s32 v26, v6;
	[tilespmem:$0x180] =	vst v4  }
0x5f: {  	v34 =	vadd.s32 v29, v31;
	[tilespmem:$0x190] =	vst v32  }
0x60: {  	v35 =	vadd.s32 v30, v33;
	[tilespmem:$0x1A0] =	vst v34  }
0x61: {  	s10 =	rddreg [dreg:$0xb];
	[tilespmem:$0x1B0] =	vst v35  }
0x62: {  	[tilespmem:s0], [sflag:$0x5] =	stream.linear.gather [hbm4b:s10+s2], $0x40, $0x38;
	[tilespmem:$0x18380] =	vst v63  }
0x63: {  	_ =	swait.ge [sflag:s7], $0x40  }
0x64: {  	[sflag:s7] =	ssyncset.done $0x0  }
0x65: {  	s6 =	rddreg [dreg:$0xc];
	[sflag:s7] =	ssyncadd.s32 $0xFFFFFFC0  }
0x66: {  	[tilespmem:s1], [sflag:$0x5] =	stream.linear.gather [hbm4b:s6+s2], $0x40, $0x38;
	[tilespmem:$0x18380] =	vst v63  }
0x67: {  	_ =	swait.ge [sflag:s7], $0x40  }
0x68: {  	[sflag:s7] =	ssyncset.done $0x0  }
0x69: {  	[sflag:s7] =	ssyncadd.s32 $0xFFFFFFC0  }
0x6a: {  	v36 =	vld [tilespmem:$0x80];
	_ =	sdelay $0x1  }
0x6b: {  	v37 =	vld [tilespmem:$0x280]  }
0x6c: {  	v38 =	vld [tilespmem:$0x300]  }
0x6d: {  	v39 =	vld [tilespmem:$0x290]  }
0x6e: {  	v40 =	vld [tilespmem:$0x310];
	v41 =	vshrl.u32 v36, $0x3  }
0x6f: {  	v42 =	vld [tilespmem:$0x2A0];
	v9 =	vmul.u32 $0x30, v41  }
0x70: {  	v43 =	vld [tilespmem:$0x2B0];
	v4 =	vand.u32 $0x7, v36  }
0x71: {  	v12 =	vld [tilespmem:$0x320];
	v4 =	vor.u32 v4, v9  }
0x72: {  	v44 =	vld [tilespmem:$0x330];
	v5 =	vperm.xlane v3, v37;
	v13 =	vperm.xlane v4, v0  }
0x73: {  	v7 =	vperm.xlane v3, v39  }
0x74: {  	v45 =	vperm.xlane v3, v42;
	v5 =	vadd.s32 v38, v5;
	v46 =	vadd.s32 v1, v13  }
0x75: {  	v3 =	vperm.xlane v3, v43;
	v47 =	vadd.s32 v40, v7;
	[tilespmem:$0x200] =	vst v5  }
0x76: {  	v48 =	vadd.s32 v12, v45;
	[tilespmem:$0x210] =	vst v47  }
0x77: {  	v3 =	vadd.s32 v44, v3;
	[tilespmem:$0x220] =	vst v48  }
0x78: {  	s9 =	simm.s32 $0x380;
	[tilespmem:$0x230] =	vst v3;
	v3 =	vperm.xlane v4, v2  }
0x79: {  	[tilespmem:s9], [sflag:$0x1] =	stream.indirect_vreg.gather [hbm4b:s3+s2], $0x80, v46, vm0, $0xb8;
	[tilespmem:$0x18380] =	vst v63  }
0x7a: {  	v3 =	vadd.s32 v1, v3  }
0x7b: {  	[tilespmem:s20], [sflag:$0x1] =	stream.indirect_vreg.gather [hbm4b:s4+s2], $0x80, v46, vm0, $0xb8;
	[tilespmem:$0x18380] =	vst v63  }
0x7c: {  	_ = 	snop  }
0x7d: {  	[tilespmem:s21], [sflag:$0x1] =	stream.indirect_vreg.gather [hbm4b:s5+s2], $0x80, v46, vm0, $0xb8;
	[tilespmem:$0x18380] =	vst v63  }
0x7e: {  	_ = 	snop  }
0x7f: {  	[tilespmem:s22], [sflag:$0x1] =	stream.indirect_vreg.gather [hbm4b:s3+s2], $0x80, v3, vm0, $0xb8;
	[tilespmem:$0x18380] =	vst v63  }
0x80: {  	_ = 	snop  }
0x81: {  	[tilespmem:s23], [sflag:$0x1] =	stream.indirect_vreg.gather [hbm4b:s4+s2], $0x80, v3, vm0, $0xb8;
	[tilespmem:$0x18380] =	vst v63  }
0x82: {  	_ = 	snop  }
0x83: {  	[tilespmem:s24], [sflag:$0x1] =	stream.indirect_vreg.gather [hbm4b:s5+s2], $0x80, v3, vm0, $0xb8;
	[tilespmem:$0x18380] =	vst v63  }
0x84: {  	v3 =	vld [tilespmem:$0x90];
	_ =	sdelay $0x4  }
0x85: {  	v49 =	vshrl.u32 v3, $0x3  }
0x86: {  	v4 =	vmul.u32 $0x30, v49  }
0x87: {  	v3 =	vand.u32 $0x7, v3  }
0x88: {  	v3 =	vor.u32 v3, v4  }
0x89: {  	v4 =	vperm.xlane v3, v0;
	_ =	sdelay $0x1  }
0x8a: {  	v4 =	vadd.s32 v1, v4;
	_ =	sdelay $0x3  }
0x8b: {  	v3 =	vperm.xlane v3, v2  }
0x8c: {  	[tilespmem:s25], [sflag:$0x1] =	stream.indirect_vreg.gather [hbm4b:s3+s2], $0x80, v4, vm0, $0xb8;
	[tilespmem:$0x18380] =	vst v63  }
0x8d: {  	v3 =	vadd.s32 v1, v3  }
0x8e: {  	[tilespmem:s26], [sflag:$0x1] =	stream.indirect_vreg.gather [hbm4b:s4+s2], $0x80, v4, vm0, $0xb8;
	[tilespmem:$0x18380] =	vst v63  }
0x8f: {  	_ = 	snop  }
0x90: {  	[tilespmem:s28], [sflag:$0x1] =	stream.indirect_vreg.gather [hbm4b:s5+s2], $0x80, v4, vm0, $0xb8;
	[tilespmem:$0x18380] =	vst v63  }
0x91: {  	_ = 	snop  }
0x92: {  	[tilespmem:s29], [sflag:$0x1] =	stream.indirect_vreg.gather [hbm4b:s3+s2], $0x80, v3, vm0, $0xb8;
	[tilespmem:$0x18380] =	vst v63  }
0x93: {  	_ = 	snop  }
0x94: {  	[tilespmem:s30], [sflag:$0x1] =	stream.indirect_vreg.gather [hbm4b:s4+s2], $0x80, v3, vm0, $0xb8;
	[tilespmem:$0x18380] =	vst v63  }
0x95: {  	_ = 	snop  }
0x96: {  	[tilespmem:s31], [sflag:$0x1] =	stream.indirect_vreg.gather [hbm4b:s5+s2], $0x80, v3, vm0, $0xb8;
	[tilespmem:$0x18380] =	vst v63  }
0x97: {  	v3 =	vld [tilespmem:$0xA0];
	_ =	sdelay $0x4  }
0x98: {  	v50 =	vshrl.u32 v3, $0x3  }
0x99: {  	v4 =	vmul.u32 $0x30, v50  }
0x9a: {  	v3 =	vand.u32 $0x7, v3  }
0x9b: {  	v3 =	vor.u32 v3, v4  }
0x9c: {  	v4 =	vperm.xlane v3, v0;
	_ =	sdelay $0x1  }
0x9d: {  	v4 =	vadd.s32 v1, v4;
	_ =	sdelay $0x3  }
0x9e: {  	v3 =	vperm.xlane v3, v2  }
0x9f: {  	[tilespmem:s12], [sflag:$0x1] =	stream.indirect_vreg.gather [hbm4b:s3+s2], $0x80, v4, vm0, $0xb8;
	[tilespmem:$0x18380] =	vst v63  }
0xa0: {  	s10 =	simm.s32 $0x6B80;
	v3 =	vadd.s32 v1, v3  }
0xa1: {  	[tilespmem:s10], [sflag:$0x1] =	stream.indirect_vreg.gather [hbm4b:s4+s2], $0x80, v4, vm0, $0xb8;
	[tilespmem:$0x18380] =	vst v63  }
0xa2: {  	s19 =	simm.s32 $0x7380  }
0xa3: {  	[tilespmem:s19], [sflag:$0x1] =	stream.indirect_vreg.gather [hbm4b:s5+s2], $0x80, v4, vm0, $0xb8;
	[tilespmem:$0x18380] =	vst v63  }
0xa4: {  	_ = 	snop  }
0xa5: {  	[tilespmem:s13], [sflag:$0x1] =	stream.indirect_vreg.gather [hbm4b:s3+s2], $0x80, v3, vm0, $0xb8;
	[tilespmem:$0x18380] =	vst v63  }
0xa6: {  	_ = 	snop  }
0xa7: {  	[tilespmem:s14], [sflag:$0x1] =	stream.indirect_vreg.gather [hbm4b:s4+s2], $0x80, v3, vm0, $0xb8;
	[tilespmem:$0x18380] =	vst v63  }
0xa8: {  	s1 =	simm.s32 $0x8B80  }
0xa9: {  	[tilespmem:s1], [sflag:$0x1] =	stream.indirect_vreg.gather [hbm4b:s5+s2], $0x80, v3, vm0, $0xb8;
	[tilespmem:$0x18380] =	vst v63  }
0xaa: {  	v3 =	vld [tilespmem:$0xB0];
	_ =	sdelay $0x4  }
0xab: {  	v51 =	vshrl.u32 v3, $0x3  }
0xac: {  	v4 =	vmul.u32 $0x30, v51  }
0xad: {  	v3 =	vand.u32 $0x7, v3  }
0xae: {  	v3 =	vor.u32 v3, v4  }
0xaf: {  	v4 =	vperm.xlane v3, v0;
	_ =	sdelay $0x1  }
0xb0: {  	v4 =	vadd.s32 v1, v4;
	_ =	sdelay $0x3  }
0xb1: {  	s9 =	simm.s32 $0x9380;
	v3 =	vperm.xlane v3, v2  }
0xb2: {  	[tilespmem:s9], [sflag:$0x1] =	stream.indirect_vreg.gather [hbm4b:s3+s2], $0x80, v4, vm0, $0xb8;
	[tilespmem:$0x18380] =	vst v63  }
0xb3: {  	s10 =	simm.s32 $0x9B80;
	v3 =	vadd.s32 v1, v3  }
0xb4: {  	[tilespmem:s10], [sflag:$0x1] =	stream.indirect_vreg.gather [hbm4b:s4+s2], $0x80, v4, vm0, $0xb8;
	[tilespmem:$0x18380] =	vst v63  }
0xb5: {  	_ = 	snop  }
0xb6: {  	[tilespmem:s15], [sflag:$0x1] =	stream.indirect_vreg.gather [hbm4b:s5+s2], $0x80, v4, vm0, $0xb8;
	[tilespmem:$0x18380] =	vst v63  }
0xb7: {  	_ = 	snop  }
0xb8: {  	[tilespmem:s16], [sflag:$0x1] =	stream.indirect_vreg.gather [hbm4b:s3+s2], $0x80, v3, vm0, $0xb8;
	[tilespmem:$0x18380] =	vst v63  }
0xb9: {  	_ = 	snop  }
0xba: {  	[tilespmem:s17], [sflag:$0x1] =	stream.indirect_vreg.gather [hbm4b:s4+s2], $0x80, v3, vm0, $0xb8;
	[tilespmem:$0x18380] =	vst v63  }
0xbb: {  	_ = 	snop  }
0xbc: {  	[tilespmem:s18], [sflag:$0x1] =	stream.indirect_vreg.gather [hbm4b:s5+s2], $0x80, v3, vm0, $0xb8;
	[tilespmem:$0x18380] =	vst v63  }
0xbd: {  	v3 =	vld [tilespmem:$0x100];
	_ =	sdelay $0x4  }
0xbe: {  	v52 =	vshrl.u32 v3, $0x3  }
0xbf: {  	v4 =	vmul.u32 $0x30, v52  }
0xc0: {  	v3 =	vand.u32 $0x7, v3  }
0xc1: {  	v3 =	vor.u32 v3, v4  }
0xc2: {  	v4 =	vperm.xlane v3, v0;
	_ =	sdelay $0x1  }
0xc3: {  	v4 =	vadd.s32 v1, v4;
	_ =	sdelay $0x3  }
0xc4: {  	v3 =	vperm.xlane v3, v2  }
0xc5: {  	[tilespmem:s8], [sflag:$0x2] =	stream.indirect_vreg.gather [hbm4b:s3+s2], $0x80, v4, vm0, $0xb8;
	[tilespmem:$0x18380] =	vst v63  }
0xc6: {  	s6 =	simm.s32 $0xCB80;
	v3 =	vadd.s32 v1, v3  }
0xc7: {  	[tilespmem:s6], [sflag:$0x2] =	stream.indirect_vreg.gather [hbm4b:s4+s2], $0x80, v4, vm0, $0xb8;
	[tilespmem:$0x18380] =	vst v63  }
0xc8: {  	s19 =	simm.s32 $0xD380  }
0xc9: {  	[tilespmem:s19], [sflag:$0x2] =	stream.indirect_vreg.gather [hbm4b:s5+s2], $0x80, v4, vm0, $0xb8;
	[tilespmem:$0x18380] =	vst v63  }
0xca: {  	s1 =	simm.s32 $0xDB80  }
0xcb: {  	[tilespmem:s1], [sflag:$0x2] =	stream.indirect_vreg.gather [hbm4b:s3+s2], $0x80, v3, vm0, $0xb8;
	[tilespmem:$0x18380] =	vst v63  }
0xcc: {  	s6 =	simm.s32 $0xE380  }
0xcd: {  	[tilespmem:s6], [sflag:$0x2] =	stream.indirect_vreg.gather [hbm4b:s4+s2], $0x80, v3, vm0, $0xb8;
	[tilespmem:$0x18380] =	vst v63  }
0xce: {  	s19 =	simm.s32 $0xEB80  }
0xcf: {  	[tilespmem:s19], [sflag:$0x2] =	stream.indirect_vreg.gather [hbm4b:s5+s2], $0x80, v3, vm0, $0xb8;
	[tilespmem:$0x18380] =	vst v63  }
0xd0: {  	v3 =	vld [tilespmem:$0x110];
	_ =	sdelay $0x4  }
0xd1: {  	v53 =	vshrl.u32 v3, $0x3  }
0xd2: {  	v4 =	vmul.u32 $0x30, v53  }
0xd3: {  	v3 =	vand.u32 $0x7, v3  }
0xd4: {  	v3 =	vor.u32 v3, v4  }
0xd5: {  	v4 =	vperm.xlane v3, v0;
	_ =	sdelay $0x1  }
0xd6: {  	v4 =	vadd.s32 v1, v4;
	_ =	sdelay $0x3  }
0xd7: {  	s1 =	simm.s32 $0xF380;
	v3 =	vperm.xlane v3, v2  }
0xd8: {  	[tilespmem:s1], [sflag:$0x2] =	stream.indirect_vreg.gather [hbm4b:s3+s2], $0x80, v4, vm0, $0xb8;
	[tilespmem:$0x18380] =	vst v63  }
0xd9: {  	s6 =	simm.s32 $0xFB80;
	v3 =	vadd.s32 v1, v3  }
0xda: {  	[tilespmem:s6], [sflag:$0x2] =	stream.indirect_vreg.gather [hbm4b:s4+s2], $0x80, v4, vm0, $0xb8;
	[tilespmem:$0x18380] =	vst v63  }
0xdb: {  	s19 =	simm.s32 $0x10380  }
0xdc: {  	[tilespmem:s19], [sflag:$0x2] =	stream.indirect_vreg.gather [hbm4b:s5+s2], $0x80, v4, vm0, $0xb8;
	[tilespmem:$0x18380] =	vst v63  }
0xdd: {  	s1 =	simm.s32 $0x10B80  }
0xde: {  	[tilespmem:s1], [sflag:$0x2] =	stream.indirect_vreg.gather [hbm4b:s3+s2], $0x80, v3, vm0, $0xb8;
	[tilespmem:$0x18380] =	vst v63  }
0xdf: {  	s6 =	simm.s32 $0x11380  }
0xe0: {  	[tilespmem:s6], [sflag:$0x2] =	stream.indirect_vreg.gather [hbm4b:s4+s2], $0x80, v3, vm0, $0xb8;
	[tilespmem:$0x18380] =	vst v63  }
0xe1: {  	s19 =	simm.s32 $0x11B80  }
0xe2: {  	[tilespmem:s19], [sflag:$0x2] =	stream.indirect_vreg.gather [hbm4b:s5+s2], $0x80, v3, vm0, $0xb8;
	[tilespmem:$0x18380] =	vst v63  }
0xe3: {  	v3 =	vld [tilespmem:$0x120];
	_ =	sdelay $0x4  }
0xe4: {  	v54 =	vshrl.u32 v3, $0x3  }
0xe5: {  	v4 =	vmul.u32 $0x30, v54  }
0xe6: {  	v3 =	vand.u32 $0x7, v3  }
0xe7: {  	v3 =	vor.u32 v3, v4  }
0xe8: {  	v4 =	vperm.xlane v3, v0;
	_ =	sdelay $0x1  }
0xe9: {  	v4 =	vadd.s32 v1, v4;
	_ =	sdelay $0x3  }
0xea: {  	s1 =	simm.s32 $0x12380;
	v3 =	vperm.xlane v3, v2  }
0xeb: {  	[tilespmem:s1], [sflag:$0x2] =	stream.indirect_vreg.gather [hbm4b:s3+s2], $0x80, v4, vm0, $0xb8;
	[tilespmem:$0x18380] =	vst v63  }
0xec: {  	s6 =	simm.s32 $0x12B80;
	v3 =	vadd.s32 v1, v3  }
0xed: {  	[tilespmem:s6], [sflag:$0x2] =	stream.indirect_vreg.gather [hbm4b:s4+s2], $0x80, v4, vm0, $0xb8;
	[tilespmem:$0x18380] =	vst v63  }
0xee: {  	s19 =	simm.s32 $0x13380  }
0xef: {  	[tilespmem:s19], [sflag:$0x2] =	stream.indirect_vreg.gather [hbm4b:s5+s2], $0x80, v4, vm0, $0xb8;
	[tilespmem:$0x18380] =	vst v63  }
0xf0: {  	s1 =	simm.s32 $0x13B80  }
0xf1: {  	[tilespmem:s1], [sflag:$0x2] =	stream.indirect_vreg.gather [hbm4b:s3+s2], $0x80, v3, vm0, $0xb8;
	[tilespmem:$0x18380] =	vst v63  }
0xf2: {  	s6 =	simm.s32 $0x14380  }
0xf3: {  	[tilespmem:s6], [sflag:$0x2] =	stream.indirect_vreg.gather [hbm4b:s4+s2], $0x80, v3, vm0, $0xb8;
	[tilespmem:$0x18380] =	vst v63  }
0xf4: {  	s19 =	simm.s32 $0x14B80  }
0xf5: {  	[tilespmem:s19], [sflag:$0x2] =	stream.indirect_vreg.gather [hbm4b:s5+s2], $0x80, v3, vm0, $0xb8;
	[tilespmem:$0x18380] =	vst v63  }
0xf6: {  	v3 =	vld [tilespmem:$0x130];
	_ =	sdelay $0x4  }
0xf7: {  	v55 =	vshrl.u32 v3, $0x3  }
0xf8: {  	v4 =	vmul.u32 $0x30, v55  }
0xf9: {  	v3 =	vand.u32 $0x7, v3  }
0xfa: {  	v3 =	vor.u32 v3, v4  }
0xfb: {  	v4 =	vperm.xlane v3, v0;
	_ =	sdelay $0x1  }
0xfc: {  	v4 =	vadd.s32 v1, v4;
	_ =	sdelay $0x3  }
0xfd: {  	s1 =	simm.s32 $0x15380;
	v3 =	vperm.xlane v3, v2  }
0xfe: {  	[tilespmem:s1], [sflag:$0x2] =	stream.indirect_vreg.gather [hbm4b:s3+s2], $0x80, v4, vm0, $0xb8;
	[tilespmem:$0x18380] =	vst v63  }
0xff: {  	s6 =	simm.s32 $0x15B80;
	v3 =	vadd.s32 v1, v3  }
0x100: {  	[tilespmem:s6], [sflag:$0x2] =	stream.indirect_vreg.gather [hbm4b:s4+s2], $0x80, v4, vm0, $0xb8;
	[tilespmem:$0x18380] =	vst v63  }
0x101: {  	s19 =	simm.s32 $0x16380  }
0x102: {  	[tilespmem:s19], [sflag:$0x2] =	stream.indirect_vreg.gather [hbm4b:s5+s2], $0x80, v4, vm0, $0xb8;
	[tilespmem:$0x18380] =	vst v63  }
0x103: {  	s1 =	simm.s32 $0x16B80  }
0x104: {  	[tilespmem:s1], [sflag:$0x2] =	stream.indirect_vreg.gather [hbm4b:s3+s2], $0x80, v3, vm0, $0xb8;
	[tilespmem:$0x18380] =	vst v63  }
0x105: {  	s6 =	simm.s32 $0x17380  }
0x106: {  	[tilespmem:s6], [sflag:$0x2] =	stream.indirect_vreg.gather [hbm4b:s4+s2], $0x80, v3, vm0, $0xb8;
	[tilespmem:$0x18380] =	vst v63  }
0x107: {  	s0 =	simm.s32 $0x1;
	s19 =	simm.s32 $0x17B80  }
0x108: {  	[tilespmem:s19], [sflag:$0x2] =	stream.indirect_vreg.gather [hbm4b:s5+s2], $0x80, v3, vm0, $0xb8;
	[tilespmem:$0x18380] =	vst v63  }
0x109: {  	_ =	swait.ge [sflag:s0], $0xC000  }
0x10a: {  	[sflag:s0] =	ssyncset.done $0x0  }
0x10b: {  	s6 =	simm.s32 $0x380;
	s1 =	rddreg [dreg:$0xd];
	[sflag:s0] =	ssyncadd.s32 $0xFFFF4000  }
0x10c: {  	[hbm4b:s1+s2] =	stream.linear.scatter [tilespmem:s6], [sflag:$0x3], $0xC000, $0x38;
	[tilespmem:$0x18380] =	vst v63  }
0x10d: {  	s1 =	simm.s32 $0x3  }
0x10e: {  	_ =	swait.ge [sflag:s1], $0xC000  }
0x10f: {  	[sflag:s1] =	ssyncset.done $0x0  }
0x110: {  	[sflag:s1] =	ssyncadd.s32 $0xFFFF4000  }
0x111: {  	v3 =	vld [tilespmem:$0x180];
	_ =	sdelay $0x4  }
0x112: {  	v56 =	vshrl.u32 v3, $0x3  }
0x113: {  	v4 =	vmul.u32 $0x30, v56  }
0x114: {  	v3 =	vand.u32 $0x7, v3  }
0x115: {  	v3 =	vor.u32 v3, v4  }
0x116: {  	v4 =	vperm.xlane v3, v0;
	_ =	sdelay $0x1  }
0x117: {  	v4 =	vadd.s32 v1, v4;
	_ =	sdelay $0x3  }
0x118: {  	v3 =	vperm.xlane v3, v2  }
0x119: {  	[tilespmem:s6], [sflag:$0x1] =	stream.indirect_vreg.gather [hbm4b:s3+s2], $0x80, v4, vm0, $0xb8;
	[tilespmem:$0x18380] =	vst v63  }
0x11a: {  	v3 =	vadd.s32 v1, v3  }
0x11b: {  	[tilespmem:s20], [sflag:$0x1] =	stream.indirect_vreg.gather [hbm4b:s4+s2], $0x80, v4, vm0, $0xb8;
	[tilespmem:$0x18380] =	vst v63  }
0x11c: {  	_ = 	snop  }
0x11d: {  	[tilespmem:s21], [sflag:$0x1] =	stream.indirect_vreg.gather [hbm4b:s5+s2], $0x80, v4, vm0, $0xb8;
	[tilespmem:$0x18380] =	vst v63  }
0x11e: {  	_ = 	snop  }
0x11f: {  	[tilespmem:s22], [sflag:$0x1] =	stream.indirect_vreg.gather [hbm4b:s3+s2], $0x80, v3, vm0, $0xb8;
	[tilespmem:$0x18380] =	vst v63  }
0x120: {  	_ = 	snop  }
0x121: {  	[tilespmem:s23], [sflag:$0x1] =	stream.indirect_vreg.gather [hbm4b:s4+s2], $0x80, v3, vm0, $0xb8;
	[tilespmem:$0x18380] =	vst v63  }
0x122: {  	_ = 	snop  }
0x123: {  	[tilespmem:s24], [sflag:$0x1] =	stream.indirect_vreg.gather [hbm4b:s5+s2], $0x80, v3, vm0, $0xb8;
	[tilespmem:$0x18380] =	vst v63  }
0x124: {  	v3 =	vld [tilespmem:$0x190];
	_ =	sdelay $0x4  }
0x125: {  	v57 =	vshrl.u32 v3, $0x3  }
0x126: {  	v4 =	vmul.u32 $0x30, v57  }
0x127: {  	v3 =	vand.u32 $0x7, v3  }
0x128: {  	v3 =	vor.u32 v3, v4  }
0x129: {  	v4 =	vperm.xlane v3, v0;
	_ =	sdelay $0x1  }
0x12a: {  	v4 =	vadd.s32 v1, v4;
	_ =	sdelay $0x3  }
0x12b: {  	v3 =	vperm.xlane v3, v2  }
0x12c: {  	[tilespmem:s25], [sflag:$0x1] =	stream.indirect_vreg.gather [hbm4b:s3+s2], $0x80, v4, vm0, $0xb8;
	[tilespmem:$0x18380] =	vst v63  }
0x12d: {  	v3 =	vadd.s32 v1, v3  }
0x12e: {  	[tilespmem:s26], [sflag:$0x1] =	stream.indirect_vreg.gather [hbm4b:s4+s2], $0x80, v4, vm0, $0xb8;
	[tilespmem:$0x18380] =	vst v63  }
0x12f: {  	_ = 	snop  }
0x130: {  	[tilespmem:s28], [sflag:$0x1] =	stream.indirect_vreg.gather [hbm4b:s5+s2], $0x80, v4, vm0, $0xb8;
	[tilespmem:$0x18380] =	vst v63  }
0x131: {  	_ = 	snop  }
0x132: {  	[tilespmem:s29], [sflag:$0x1] =	stream.indirect_vreg.gather [hbm4b:s3+s2], $0x80, v3, vm0, $0xb8;
	[tilespmem:$0x18380] =	vst v63  }
0x133: {  	_ = 	snop  }
0x134: {  	[tilespmem:s30], [sflag:$0x1] =	stream.indirect_vreg.gather [hbm4b:s4+s2], $0x80, v3, vm0, $0xb8;
	[tilespmem:$0x18380] =	vst v63  }
0x135: {  	_ = 	snop  }
0x136: {  	[tilespmem:s31], [sflag:$0x1] =	stream.indirect_vreg.gather [hbm4b:s5+s2], $0x80, v3, vm0, $0xb8;
	[tilespmem:$0x18380] =	vst v63  }
0x137: {  	v3 =	vld [tilespmem:$0x1A0];
	_ =	sdelay $0x4  }
0x138: {  	v58 =	vshrl.u32 v3, $0x3  }
0x139: {  	v4 =	vmul.u32 $0x30, v58  }
0x13a: {  	v3 =	vand.u32 $0x7, v3  }
0x13b: {  	v3 =	vor.u32 v3, v4  }
0x13c: {  	v4 =	vperm.xlane v3, v0;
	_ =	sdelay $0x1  }
0x13d: {  	v4 =	vadd.s32 v1, v4;
	_ =	sdelay $0x3  }
0x13e: {  	v3 =	vperm.xlane v3, v2  }
0x13f: {  	[tilespmem:s12], [sflag:$0x1] =	stream.indirect_vreg.gather [hbm4b:s3+s2], $0x80, v4, vm0, $0xb8;
	[tilespmem:$0x18380] =	vst v63  }
0x140: {  	s19 =	simm.s32 $0x6B80;
	v3 =	vadd.s32 v1, v3  }
0x141: {  	[tilespmem:s19], [sflag:$0x1] =	stream.indirect_vreg.gather [hbm4b:s4+s2], $0x80, v4, vm0, $0xb8;
	[tilespmem:$0x18380] =	vst v63  }
0x142: {  	s19 =	simm.s32 $0x7380  }
0x143: {  	[tilespmem:s19], [sflag:$0x1] =	stream.indirect_vreg.gather [hbm4b:s5+s2], $0x80, v4, vm0, $0xb8;
	[tilespmem:$0x18380] =	vst v63  }
0x144: {  	_ = 	snop  }
0x145: {  	[tilespmem:s13], [sflag:$0x1] =	stream.indirect_vreg.gather [hbm4b:s3+s2], $0x80, v3, vm0, $0xb8;
	[tilespmem:$0x18380] =	vst v63  }
0x146: {  	_ = 	snop  }
0x147: {  	[tilespmem:s14], [sflag:$0x1] =	stream.indirect_vreg.gather [hbm4b:s4+s2], $0x80, v3, vm0, $0xb8;
	[tilespmem:$0x18380] =	vst v63  }
0x148: {  	s19 =	simm.s32 $0x8B80  }
0x149: {  	[tilespmem:s19], [sflag:$0x1] =	stream.indirect_vreg.gather [hbm4b:s5+s2], $0x80, v3, vm0, $0xb8;
	[tilespmem:$0x18380] =	vst v63  }
0x14a: {  	v3 =	vld [tilespmem:$0x1B0];
	_ =	sdelay $0x4  }
0x14b: {  	v59 =	vshrl.u32 v3, $0x3  }
0x14c: {  	v4 =	vmul.u32 $0x30, v59  }
0x14d: {  	v3 =	vand.u32 $0x7, v3  }
0x14e: {  	v3 =	vor.u32 v3, v4  }
0x14f: {  	v4 =	vperm.xlane v3, v0;
	_ =	sdelay $0x1  }
0x150: {  	v4 =	vadd.s32 v1, v4;
	_ =	sdelay $0x3  }
0x151: {  	v3 =	vperm.xlane v3, v2  }
0x152: {  	[tilespmem:s9], [sflag:$0x1] =	stream.indirect_vreg.gather [hbm4b:s3+s2], $0x80, v4, vm0, $0xb8;
	[tilespmem:$0x18380] =	vst v63  }
0x153: {  	v3 =	vadd.s32 v1, v3  }
0x154: {  	[tilespmem:s10], [sflag:$0x1] =	stream.indirect_vreg.gather [hbm4b:s4+s2], $0x80, v4, vm0, $0xb8;
	[tilespmem:$0x18380] =	vst v63  }
0x155: {  	_ = 	snop  }
0x156: {  	[tilespmem:s15], [sflag:$0x1] =	stream.indirect_vreg.gather [hbm4b:s5+s2], $0x80, v4, vm0, $0xb8;
	[tilespmem:$0x18380] =	vst v63  }
0x157: {  	_ = 	snop  }
0x158: {  	[tilespmem:s16], [sflag:$0x1] =	stream.indirect_vreg.gather [hbm4b:s3+s2], $0x80, v3, vm0, $0xb8;
	[tilespmem:$0x18380] =	vst v63  }
0x159: {  	_ = 	snop  }
0x15a: {  	[tilespmem:s17], [sflag:$0x1] =	stream.indirect_vreg.gather [hbm4b:s4+s2], $0x80, v3, vm0, $0xb8;
	[tilespmem:$0x18380] =	vst v63  }
0x15b: {  	s9 =	simm.s32 $0x2  }
0x15c: {  	[tilespmem:s18], [sflag:$0x1] =	stream.indirect_vreg.gather [hbm4b:s5+s2], $0x80, v3, vm0, $0xb8;
	[tilespmem:$0x18380] =	vst v63  }
0x15d: {  	_ =	swait.ge [sflag:s9], $0xC000  }
0x15e: {  	[sflag:s9] =	ssyncset.done $0x0  }
0x15f: {  	s10 =	rddreg [dreg:$0xe];
	[sflag:s9] =	ssyncadd.s32 $0xFFFF4000  }
0x160: {  	[hbm4b:s10+s2] =	stream.linear.scatter [tilespmem:s8], [sflag:$0x4], $0xC000, $0x38;
	[tilespmem:$0x18380] =	vst v63  }
0x161: {  	s10 =	simm.s32 $0x4  }
0x162: {  	_ =	swait.ge [sflag:s10], $0xC000  }
0x163: {  	[sflag:s10] =	ssyncset.done $0x0  }
0x164: {  	[sflag:s10] =	ssyncadd.s32 $0xFFFF4000  }
0x165: {  	v3 =	vld [tilespmem:$0x200];
	_ =	sdelay $0x4  }
0x166: {  	v60 =	vshrl.u32 v3, $0x3  }
0x167: {  	v4 =	vmul.u32 $0x30, v60  }
0x168: {  	v3 =	vand.u32 $0x7, v3  }
0x169: {  	v3 =	vor.u32 v3, v4  }
0x16a: {  	v4 =	vperm.xlane v3, v0;
	_ =	sdelay $0x1  }
0x16b: {  	v4 =	vadd.s32 v1, v4;
	_ =	sdelay $0x3  }
0x16c: {  	v3 =	vperm.xlane v3, v2  }
0x16d: {  	[tilespmem:s8], [sflag:$0x2] =	stream.indirect_vreg.gather [hbm4b:s3+s2], $0x80, v4, vm0, $0xb8;
	[tilespmem:$0x18380] =	vst v63  }
0x16e: {  	s19 =	simm.s32 $0xCB80;
	v3 =	vadd.s32 v1, v3  }
0x16f: {  	[tilespmem:s19], [sflag:$0x2] =	stream.indirect_vreg.gather [hbm4b:s4+s2], $0x80, v4, vm0, $0xb8;
	[tilespmem:$0x18380] =	vst v63  }
0x170: {  	s19 =	simm.s32 $0xD380  }
0x171: {  	[tilespmem:s19], [sflag:$0x2] =	stream.indirect_vreg.gather [hbm4b:s5+s2], $0x80, v4, vm0, $0xb8;
	[tilespmem:$0x18380] =	vst v63  }
0x172: {  	s19 =	simm.s32 $0xDB80  }
0x173: {  	[tilespmem:s19], [sflag:$0x2] =	stream.indirect_vreg.gather [hbm4b:s3+s2], $0x80, v3, vm0, $0xb8;
	[tilespmem:$0x18380] =	vst v63  }
0x174: {  	s19 =	simm.s32 $0xE380  }
0x175: {  	[tilespmem:s19], [sflag:$0x2] =	stream.indirect_vreg.gather [hbm4b:s4+s2], $0x80, v3, vm0, $0xb8;
	[tilespmem:$0x18380] =	vst v63  }
0x176: {  	s19 =	simm.s32 $0xEB80  }
0x177: {  	[tilespmem:s19], [sflag:$0x2] =	stream.indirect_vreg.gather [hbm4b:s5+s2], $0x80, v3, vm0, $0xb8;
	[tilespmem:$0x18380] =	vst v63  }
0x178: {  	v3 =	vld [tilespmem:$0x210];
	_ =	sdelay $0x4  }
0x179: {  	v61 =	vshrl.u32 v3, $0x3  }
0x17a: {  	v4 =	vmul.u32 $0x30, v61  }
0x17b: {  	v3 =	vand.u32 $0x7, v3  }
0x17c: {  	v3 =	vor.u32 v3, v4  }
0x17d: {  	v4 =	vperm.xlane v3, v0;
	_ =	sdelay $0x1  }
0x17e: {  	v4 =	vadd.s32 v1, v4;
	_ =	sdelay $0x3  }
0x17f: {  	s19 =	simm.s32 $0xF380;
	v3 =	vperm.xlane v3, v2  }
0x180: {  	[tilespmem:s19], [sflag:$0x2] =	stream.indirect_vreg.gather [hbm4b:s3+s2], $0x80, v4, vm0, $0xb8;
	[tilespmem:$0x18380] =	vst v63  }
0x181: {  	v3 =	vadd.s32 v1, v3;
	s19 =	simm.s32 $0xFB80  }
0x182: {  	[tilespmem:s19], [sflag:$0x2] =	stream.indirect_vreg.gather [hbm4b:s4+s2], $0x80, v4, vm0, $0xb8;
	[tilespmem:$0x18380] =	vst v63  }
0x183: {  	s19 =	simm.s32 $0x10380  }
0x184: {  	[tilespmem:s19], [sflag:$0x2] =	stream.indirect_vreg.gather [hbm4b:s5+s2], $0x80, v4, vm0, $0xb8;
	[tilespmem:$0x18380] =	vst v63  }
0x185: {  	s19 =	simm.s32 $0x10B80  }
0x186: {  	[tilespmem:s19], [sflag:$0x2] =	stream.indirect_vreg.gather [hbm4b:s3+s2], $0x80, v3, vm0, $0xb8;
	[tilespmem:$0x18380] =	vst v63  }
0x187: {  	s19 =	simm.s32 $0x11380  }
0x188: {  	[tilespmem:s19], [sflag:$0x2] =	stream.indirect_vreg.gather [hbm4b:s4+s2], $0x80, v3, vm0, $0xb8;
	[tilespmem:$0x18380] =	vst v63  }
0x189: {  	s19 =	simm.s32 $0x11B80  }
0x18a: {  	[tilespmem:s19], [sflag:$0x2] =	stream.indirect_vreg.gather [hbm4b:s5+s2], $0x80, v3, vm0, $0xb8;
	[tilespmem:$0x18380] =	vst v63  }
0x18b: {  	v3 =	vld [tilespmem:$0x220];
	_ =	sdelay $0x4  }
0x18c: {  	v62 =	vshrl.u32 v3, $0x3  }
0x18d: {  	v4 =	vmul.u32 $0x30, v62  }
0x18e: {  	v3 =	vand.u32 $0x7, v3  }
0x18f: {  	v3 =	vor.u32 v3, v4  }
0x190: {  	v4 =	vperm.xlane v3, v0;
	_ =	sdelay $0x1  }
0x191: {  	v4 =	vadd.s32 v1, v4;
	_ =	sdelay $0x3  }
0x192: {  	s19 =	simm.s32 $0x12380;
	v3 =	vperm.xlane v3, v2  }
0x193: {  	[tilespmem:s19], [sflag:$0x2] =	stream.indirect_vreg.gather [hbm4b:s3+s2], $0x80, v4, vm0, $0xb8;
	[tilespmem:$0x18380] =	vst v63  }
0x194: {  	v3 =	vadd.s32 v1, v3;
	s19 =	simm.s32 $0x12B80  }
0x195: {  	[tilespmem:s19], [sflag:$0x2] =	stream.indirect_vreg.gather [hbm4b:s4+s2], $0x80, v4, vm0, $0xb8;
	[tilespmem:$0x18380] =	vst v63  }
0x196: {  	s19 =	simm.s32 $0x13380  }
0x197: {  	[tilespmem:s19], [sflag:$0x2] =	stream.indirect_vreg.gather [hbm4b:s5+s2], $0x80, v4, vm0, $0xb8;
	[tilespmem:$0x18380] =	vst v63  }
0x198: {  	s19 =	simm.s32 $0x13B80  }
0x199: {  	[tilespmem:s19], [sflag:$0x2] =	stream.indirect_vreg.gather [hbm4b:s3+s2], $0x80, v3, vm0, $0xb8;
	[tilespmem:$0x18380] =	vst v63  }
0x19a: {  	s19 =	simm.s32 $0x14380  }
0x19b: {  	[tilespmem:s19], [sflag:$0x2] =	stream.indirect_vreg.gather [hbm4b:s4+s2], $0x80, v3, vm0, $0xb8;
	[tilespmem:$0x18380] =	vst v63  }
0x19c: {  	s19 =	simm.s32 $0x14B80  }
0x19d: {  	[tilespmem:s19], [sflag:$0x2] =	stream.indirect_vreg.gather [hbm4b:s5+s2], $0x80, v3, vm0, $0xb8;
	[tilespmem:$0x18380] =	vst v63  }
0x19e: {  	v3 =	vld [tilespmem:$0x230];
	_ =	sdelay $0x4  }
0x19f: {  	v63 =	vshrl.u32 v3, $0x3  }
0x1a0: {  	v4 =	vmul.u32 $0x30, v63  }
0x1a1: {  	v3 =	vand.u32 $0x7, v3  }
0x1a2: {  	v3 =	vor.u32 v3, v4  }
0x1a3: {  	v4 =	vperm.xlane v3, v0;
	_ =	sdelay $0x1  }
0x1a4: {  	v4 =	vadd.s32 v1, v4;
	_ =	sdelay $0x3  }
0x1a5: {  	s19 =	simm.s32 $0x15380;
	v3 =	vperm.xlane v3, v2  }
0x1a6: {  	[tilespmem:s19], [sflag:$0x2] =	stream.indirect_vreg.gather [hbm4b:s3+s2], $0x80, v4, vm0, $0xb8;
	[tilespmem:$0x18380] =	vst v63  }
0x1a7: {  	v3 =	vadd.s32 v1, v3;
	s19 =	simm.s32 $0x15B80  }
0x1a8: {  	[tilespmem:s19], [sflag:$0x2] =	stream.indirect_vreg.gather [hbm4b:s4+s2], $0x80, v4, vm0, $0xb8;
	[tilespmem:$0x18380] =	vst v63  }
0x1a9: {  	s19 =	simm.s32 $0x16380  }
0x1aa: {  	[tilespmem:s19], [sflag:$0x2] =	stream.indirect_vreg.gather [hbm4b:s5+s2], $0x80, v4, vm0, $0xb8;
	[tilespmem:$0x18380] =	vst v63  }
0x1ab: {  	s19 =	simm.s32 $0x16B80  }
0x1ac: {  	[tilespmem:s19], [sflag:$0x2] =	stream.indirect_vreg.gather [hbm4b:s3+s2], $0x80, v3, vm0, $0xb8;
	[tilespmem:$0x18380] =	vst v63  }
0x1ad: {  	s19 =	simm.s32 $0x17380  }
0x1ae: {  	[tilespmem:s19], [sflag:$0x2] =	stream.indirect_vreg.gather [hbm4b:s4+s2], $0x80, v3, vm0, $0xb8;
	[tilespmem:$0x18380] =	vst v63  }
0x1af: {  	s19 =	simm.s32 $0x17B80  }
0x1b0: {  	[tilespmem:s19], [sflag:$0x2] =	stream.indirect_vreg.gather [hbm4b:s5+s2], $0x80, v3, vm0, $0xb8;
	[tilespmem:$0x18380] =	vst v63  }
0x1b1: {  	_ =	swait.ge [sflag:s0], $0xC000  }
0x1b2: {  	[sflag:s0] =	ssyncset.done $0x0  }
0x1b3: {  	s6 =	simm.s32 $0x380;
	s19 =	rddreg [dreg:$0xf];
	[sflag:s0] =	ssyncadd.s32 $0xFFFF4000  }
0x1b4: {  	[hbm4b:s19+s2] =	stream.linear.scatter [tilespmem:s6], [sflag:$0x3], $0xC000, $0x38;
	[tilespmem:$0x18380] =	vst v63  }
0x1b5: {  	_ =	swait.ge [sflag:s9], $0xC000  }
0x1b6: {  	[sflag:s9] =	ssyncset.done $0x0  }
0x1b7: {  	s6 =	rddreg [dreg:$0x10];
	[sflag:s9] =	ssyncadd.s32 $0xFFFF4000  }
0x1b8: {  	[hbm4b:s6+s2] =	stream.linear.scatter [tilespmem:s8], [sflag:$0x4], $0xC000, $0x38;
	[tilespmem:$0x18380] =	vst v63  }
0x1b9: {  	p0 =	sne.s32 s11, $0x1;
	_ =	swait.ge [sflag:s1], $0xC000  }
.Ltmp0:
0x1ba: {  	[sflag:s1] =	ssyncset.done $0x0;
	(pc) =	sbr.rel @p0 .LBB2_1-.Ltmp0, $4  }
0x1bb: {  	[sflag:s1] =	ssyncadd.s32 $0xFFFF4000  }
0x1bc: {  	_ =	swait.ge [sflag:s10], $0xC000  }
0x1bd: {  	[sflag:s10] =	ssyncset.done $0x0  }
0x1be: {  	s11 =	sadd.s32 $0xFFFFFFFF, s11;
	[sflag:s10] =	ssyncadd.s32 $0xFFFF4000  }
0x1bf: {  	_ =	sfence.sel $0x180000  }
0x1c0: {  	[bflag:$0x0] =	sbarrier.arrive $0xFFFF  }
0x1c1: {  	_ =	strace $0x9000004A  }
0x1c2: {  	s0 =	stileid.u32;
	[bflag:$0x2] =	sbarrier.arrive $0xFFFF  }
0x1c3: {  	p0 =	sne.s32 s0, $0x0;
	s0 =	rddreg [dreg:$0x3]  }
0x1c4: {  	s0 =	sadd.s32 @!p0 $0x100000, s0  }
0x1c5: {  	[sflag:s0] =	ssyncadd.tile.s32 @!p0 $0x1;
	_ =	shalt  }
.Lfunc_end2:
_tile_overlayer_lowered:
.L_overlay_start_2:
0x1c6: {  	(tag) =	ssettag $0x2  }
0x1c7: {  	s0 =	rddreg [dreg:$0x0];
	s2 =	stileid.u32  }
0x1c8: {  	s1 =	rddreg [dreg:$0x1];
	p0 =	sne.s32 s2, $0x0  }
0x1c9: {  	s3 =	rddreg [dreg:$0x2];
	[bflag:$0x3] =	sbarrier.arrive $0xFFFF;
	s2 =	simm.s32 @!p0 $0x1C05  }
0x1ca: {  	[timem:s3], [sflag:s2] =	dma.local @!p0 [hbm:s0], s1  }
0x1cb: {  	s0 =	simm.s32 @!p0 $0x5  }
0x1cc: {  	_ =	swait.ge @!p0 [sflag:s0], s1  }
0x1cd: {  	s1 =	ssub.s32 @!p0 $0x0, s1;
	[sflag:s0] =	ssyncset.done @!p0 $0x0  }
0x1ce: {  	[sflag:s0] =	ssyncadd.s32 @!p0 s1  }
0x1cf: {  	[bflag:$0x3] =	sbarrier.arrive $0xFFFF  }
0x1d0: {  	_ =	shalt  }

</sc_bundles>
